<compile_context>
chip_gen: v7x
topology: tpu7x:2x2x1
jax: 0.10.2.dev20260603
libtpu: 0.0.44.dev20260713+nightly
codegen_flags: <defaults>
</compile_context>

<pallas_src>
import functools

import jax
import jax.numpy as jnp
from jax import lax
from jax.experimental import pallas as pl
from jax.experimental.pallas import tpu as pltpu
from jax.experimental.pallas import tpu_sc as plsc

NC = 2
NS = 16
NW = NC * NS

VOCAB = 1_000_000
D = 64
B_TOTAL = 16384 * 50
B_PER_W = B_TOTAL // NW

SIDX = 32
SN = 10
NG = 5
CHUNK = SN * SIDX
NCHUNK = B_PER_W // CHUNK
NROW = B_PER_W // SIDX

assert B_PER_W % CHUNK == 0
assert NCHUNK % NG == 0 and NCHUNK > 2 * NG


def _sc_gather(table, idx2d):
    mesh = plsc.VectorSubcoreMesh(
        core_axis_name="c", subcore_axis_name="s", num_cores=NC, num_subcores=NS
    )

    @functools.partial(
        pl.kernel,
        out_type=jax.ShapeDtypeStruct((B_TOTAL, D), jnp.float32),
        mesh=mesh,
        scratch_types=[
            pltpu.VMEM((NROW, SIDX), jnp.int32),
        ]
        + [pltpu.VMEM((CHUNK, D), jnp.float32) for _ in range(NG)]
        + [pltpu.SemaphoreType.DMA for _ in range(2 * NG)],
        compiler_params=pltpu.CompilerParams(use_tc_tiling_on_sc=False),
    )
    def k(table_hbm, idx_hbm, out_hbm, idx_v, *bufs_and_sems):
        rows = bufs_and_sems[:NG]
        gsem = bufs_and_sems[NG:2 * NG]
        wsem = bufs_and_sems[2 * NG:]
        wid = lax.axis_index("s") * NC + lax.axis_index("c")
        base = wid * B_PER_W

        pltpu.sync_copy(idx_hbm.at[pl.ds(wid * NROW, NROW)], idx_v)

        def start_gather(c, s):
            for j in range(SN):
                pltpu.async_copy(
                    table_hbm.at[idx_v.at[c * SN + j]],
                    rows[s].at[pl.ds(j * SIDX, SIDX)],
                    gsem[s],
                )

        def wait_gather(s):
            pltpu.make_async_copy(
                table_hbm.at[pl.ds(0, CHUNK)], rows[s], gsem[s]
            ).wait()

        def start_wb(c, s):
            pltpu.async_copy(
                rows[s], out_hbm.at[pl.ds(base + c * CHUNK, CHUNK)], wsem[s]
            )

        def wait_wb(s):
            pltpu.make_async_copy(
                rows[s], out_hbm.at[pl.ds(0, CHUNK)], wsem[s]
            ).wait()

        for c in range(NG - 1):
            start_gather(c, c)
        start_gather(NG - 1, NG - 1)
        wait_gather(0)
        start_wb(0, 0)

        def body(i, carry):
            c0 = 1 + i * NG
            for d in range(NG):
                c = c0 + d
                wait_wb(d)
                start_gather(c + NG - 1, d)
                wait_gather((d + 1) % NG)
                start_wb(c, (d + 1) % NG)
            return carry

        lax.fori_loop(0, (NCHUNK - NG) // NG, body, 0)

        for c in range(NCHUNK - NG + 1, NCHUNK):
            wait_gather(c % NG)
            start_wb(c, c % NG)
        for c in range(NCHUNK - NG, NCHUNK):
            wait_wb(c % NG)

    return k(table, idx2d)


def kernel(indices, table):
    idx2d = indices.astype(jnp.int32).reshape(B_TOTAL // SIDX, SIDX)
    out = _sc_gather(table, idx2d)
    return out.reshape(indices.shape[0], indices.shape[1], D)

# --- scband reference (transcript-rebuilt; emitter-appended) ---
"""Pipeline reference for scband-dict-widembedding-23252952940732 (READ-ONLY COPY).

The authoritative reference and input builder live on the scoring server;
editing this copy changes nothing except your own understanding.
"""

import jax, jax.numpy as jnp
import numpy as np

VOCAB = 1000000
EMBED_DIM = 64
BATCH = 16384
HIST = 50

def setup_inputs(seed: int = 0) -> dict:
    key = jax.random.key(seed)
    k_idx, k_tab = jax.random.split(key)
    indices = jax.random.randint(k_idx, (BATCH, HIST), 0, VOCAB, dtype=jnp.int64 if jax.config.jax_enable_x64 else jnp.int32)
    table = jax.random.normal(k_tab, (VOCAB, EMBED_DIM), dtype=jnp.float32)
    return {"indices": indices, "table": table}

def reference(indices, table):
    # DictWIDEmbedding.forward: x = data_dict[DK_SRC_WID]; rv = self.embedding_layer(x)
    # nn.Embedding lookup == row gather from table
    rv = jnp.take(table, indices, axis=0)
    return rv

if __name__ == "__main__":
    import jax
    _d = setup_inputs()
    print(jax.jit(kernel)(*tuple(_d.values())))

</pallas_src>

<mosaic_0001>
#map = affine_map<(d0, d1) -> (0, 0)>
module attributes {stable_mosaic.version = 14 : i64} {
  func.func @k(%arg0: i32, %arg1: i32, %arg2: memref<1000000x64xf32, #tpu.memory_space<hbm>>, %arg3: memref<25600x32xi32, #tpu.memory_space<hbm>>, %arg4: memref<819200x64xf32, #tpu.memory_space<hbm>>, %arg5: memref<800x32xi32, #tpu.memory_space<vmem>>, %arg6: memref<320x64xf32, #tpu.memory_space<vmem>>, %arg7: memref<320x64xf32, #tpu.memory_space<vmem>>, %arg8: memref<320x64xf32, #tpu.memory_space<vmem>>, %arg9: memref<320x64xf32, #tpu.memory_space<vmem>>, %arg10: memref<320x64xf32, #tpu.memory_space<vmem>>, %arg11: memref<!tpu.dma_semaphore, #tpu.memory_space<semaphore_mem>>, %arg12: memref<!tpu.dma_semaphore, #tpu.memory_space<semaphore_mem>>, %arg13: memref<!tpu.dma_semaphore, #tpu.memory_space<semaphore_mem>>, %arg14: memref<!tpu.dma_semaphore, #tpu.memory_space<semaphore_mem>>, %arg15: memref<!tpu.dma_semaphore, #tpu.memory_space<semaphore_mem>>, %arg16: memref<!tpu.dma_semaphore, #tpu.memory_space<semaphore_mem>>, %arg17: memref<!tpu.dma_semaphore, #tpu.memory_space<semaphore_mem>>, %arg18: memref<!tpu.dma_semaphore, #tpu.memory_space<semaphore_mem>>, %arg19: memref<!tpu.dma_semaphore, #tpu.memory_space<semaphore_mem>>, %arg20: memref<!tpu.dma_semaphore, #tpu.memory_space<semaphore_mem>>) attributes {dimension_semantics = [#tpu.dimension_semantics<core_parallel>, #tpu.dimension_semantics<subcore_parallel>], iteration_bounds = array<i64: 2, 16>, scalar_prefetch = 0 : i64, scratch_operands = 16 : i64, tpu.core_type = #tpu.core_type<sc_vector_subcore>, window_params = [{transform_indices = #map}, {transform_indices = #map}, {transform_indices = #map}]} {
    %mul3A = arith.constant 2 : i32
    %mul3A_0 = arith.muli %arg1, %mul3A : i32
    %add3A = arith.addi %mul3A_0, %arg0 : i32
    %mul3A_1 = arith.constant 25600 : i32
    %mul3A_2 = arith.muli %add3A, %mul3A_1 : i32
    %mul3A_3 = arith.constant 800 : i32
    %mul3A_4 = arith.muli %add3A, %mul3A_3 : i32
    "tpu.region"() ({
      %run_scoped3A = tpu.sem_alloc : memref<!tpu.dma_semaphore, #tpu.memory_space<semaphore_mem>>
      %dma_start3A_598 = arith.constant 0 : i32
      %dma_start3A_599 = tpu.memref_slice %arg3[%mul3A_4, %dma_start3A_598] : memref<25600x32xi32, #tpu.memory_space<hbm>> -> memref<800x32xi32, #tpu.memory_space<hbm>>
      %dma_start3A_600 = arith.constant 0 : i32
      %dma_start3A_601 = tpu.memref_slice %arg3[%mul3A_4, %dma_start3A_600] : memref<25600x32xi32, #tpu.memory_space<hbm>> -> memref<800x32xi32, #tpu.memory_space<hbm>>
      tpu.enqueue_dma source(%dma_start3A_601 : memref<800x32xi32, #tpu.memory_space<hbm>>) target(%arg5 : memref<800x32xi32, #tpu.memory_space<vmem>>) target_semaphore(%run_scoped3A : memref<!tpu.dma_semaphore, #tpu.memory_space<semaphore_mem>>)
      %dma_wait3A_602 = arith.constant 0 : i32
      %dma_wait3A_603 = tpu.memref_slice %arg3[%mul3A_4, %dma_wait3A_602] : memref<25600x32xi32, #tpu.memory_space<hbm>> -> memref<800x32xi32, #tpu.memory_space<hbm>>
      %dma_wait3A_604 = arith.constant 0 : i32
      %dma_wait3A_605 = tpu.memref_slice %arg3[%mul3A_4, %dma_wait3A_604] : memref<25600x32xi32, #tpu.memory_space<hbm>> -> memref<800x32xi32, #tpu.memory_space<hbm>>
      tpu.wait_dma2 semaphore(%run_scoped3A : memref<!tpu.dma_semaphore, #tpu.memory_space<semaphore_mem>>) src(%dma_wait3A_605 : memref<800x32xi32, #tpu.memory_space<hbm>>) dst(%arg5 : memref<800x32xi32, #tpu.memory_space<vmem>>)
      tpu.yield
    }) : () -> ()
    %dma_start3A = arith.constant 0 : i32
    %dma_start3A_5 = arith.constant 0 : i32
    %dma_start3A_6 = arith.constant 0 : i32
    %dma_start3A_7 = tpu.memref_slice %arg6[%dma_start3A_5, %dma_start3A_6] : memref<320x64xf32, #tpu.memory_space<vmem>> -> memref<32x64xf32, #tpu.memory_space<vmem>>
    %dma_start3A_8 = arith.constant 0 : i32
    %dma_start3A_9 = tpu.memref_slice %arg5[%dma_start3A, %dma_start3A_8] : memref<800x32xi32, #tpu.memory_space<vmem>> -> memref<1x32xi32, #tpu.memory_space<vmem>>
    %dma_start3A_10 = tpu.memref_squeeze %dma_start3A_9 : memref<1x32xi32, #tpu.memory_space<vmem>> -> memref<32xi32, #tpu.memory_space<vmem>>
    %dma_start3A_11 = arith.constant 0 : i32
    %dma_start3A_12 = arith.constant 0 : i32
    %dma_start3A_13 = tpu.memref_slice %arg2[%dma_start3A_11, %dma_start3A_12] : memref<1000000x64xf32, #tpu.memory_space<hbm>> -> memref<1000000x64xf32, #tpu.memory_space<hbm>>
    tpu.enqueue_indirect_dma source(%dma_start3A_13 : memref<1000000x64xf32, #tpu.memory_space<hbm>>) target(%dma_start3A_7 : memref<32x64xf32, #tpu.memory_space<vmem>>) offsets(%dma_start3A_10 : memref<32xi32, #tpu.memory_space<vmem>>) semaphore(%arg11 : memref<!tpu.dma_semaphore, #tpu.memory_space<semaphore_mem>>)
    %dma_start3A_14 = arith.constant 1 : i32
    %dma_start3A_15 = arith.constant 32 : i32
    %dma_start3A_16 = arith.constant 0 : i32
    %dma_start3A_17 = tpu.memref_slice %arg6[%dma_start3A_15, %dma_start3A_16] : memref<320x64xf32, #tpu.memory_space<vmem>> -> memref<32x64xf32, #tpu.memory_space<vmem>>
    %dma_start3A_18 = arith.constant 0 : i32
    %dma_start3A_19 = tpu.memref_slice %arg5[%dma_start3A_14, %dma_start3A_18] : memref<800x32xi32, #tpu.memory_space<vmem>> -> memref<1x32xi32, #tpu.memory_space<vmem>>
    %dma_start3A_20 = tpu.memref_squeeze %dma_start3A_19 : memref<1x32xi32, #tpu.memory_space<vmem>> -> memref<32xi32, #tpu.memory_space<vmem>>
    %dma_start3A_21 = arith.constant 0 : i32
    %dma_start3A_22 = arith.constant 0 : i32
    %dma_start3A_23 = tpu.memref_slice %arg2[%dma_start3A_21, %dma_start3A_22] : memref<1000000x64xf32, #tpu.memory_space<hbm>> -> memref<1000000x64xf32, #tpu.memory_space<hbm>>
    tpu.enqueue_indirect_dma source(%dma_start3A_23 : memref<1000000x64xf32, #tpu.memory_space<hbm>>) target(%dma_start3A_17 : memref<32x64xf32, #tpu.memory_space<vmem>>) offsets(%dma_start3A_20 : memref<32xi32, #tpu.memory_space<vmem>>) semaphore(%arg11 : memref<!tpu.dma_semaphore, #tpu.memory_space<semaphore_mem>>)
    %dma_start3A_24 = arith.constant 2 : i32
    %dma_start3A_25 = arith.constant 64 : i32
    %dma_start3A_26 = arith.constant 0 : i32
    %dma_start3A_27 = tpu.memref_slice %arg6[%dma_start3A_25, %dma_start3A_26] : memref<320x64xf32, #tpu.memory_space<vmem>> -> memref<32x64xf32, #tpu.memory_space<vmem>>
    %dma_start3A_28 = arith.constant 0 : i32
    %dma_start3A_29 = tpu.memref_slice %arg5[%dma_start3A_24, %dma_start3A_28] : memref<800x32xi32, #tpu.memory_space<vmem>> -> memref<1x32xi32, #tpu.memory_space<vmem>>
    %dma_start3A_30 = tpu.memref_squeeze %dma_start3A_29 : memref<1x32xi32, #tpu.memory_space<vmem>> -> memref<32xi32, #tpu.memory_space<vmem>>
    %dma_start3A_31 = arith.constant 0 : i32
    %dma_start3A_32 = arith.constant 0 : i32
    %dma_start3A_33 = tpu.memref_slice %arg2[%dma_start3A_31, %dma_start3A_32] : memref<1000000x64xf32, #tpu.memory_space<hbm>> -> memref<1000000x64xf32, #tpu.memory_space<hbm>>
    tpu.enqueue_indirect_dma source(%dma_start3A_33 : memref<1000000x64xf32, #tpu.memory_space<hbm>>) target(%dma_start3A_27 : memref<32x64xf32, #tpu.memory_space<vmem>>) offsets(%dma_start3A_30 : memref<32xi32, #tpu.memory_space<vmem>>) semaphore(%arg11 : memref<!tpu.dma_semaphore, #tpu.memory_space<semaphore_mem>>)
    %dma_start3A_34 = arith.constant 3 : i32
    %dma_start3A_35 = arith.constant 96 : i32
    %dma_start3A_36 = arith.constant 0 : i32
    %dma_start3A_37 = tpu.memref_slice %arg6[%dma_start3A_35, %dma_start3A_36] : memref<320x64xf32, #tpu.memory_space<vmem>> -> memref<32x64xf32, #tpu.memory_space<vmem>>
    %dma_start3A_38 = arith.constant 0 : i32
    %dma_start3A_39 = tpu.memref_slice %arg5[%dma_start3A_34, %dma_start3A_38] : memref<800x32xi32, #tpu.memory_space<vmem>> -> memref<1x32xi32, #tpu.memory_space<vmem>>
    %dma_start3A_40 = tpu.memref_squeeze %dma_start3A_39 : memref<1x32xi32, #tpu.memory_space<vmem>> -> memref<32xi32, #tpu.memory_space<vmem>>
    %dma_start3A_41 = arith.constant 0 : i32
    %dma_start3A_42 = arith.constant 0 : i32
    %dma_start3A_43 = tpu.memref_slice %arg2[%dma_start3A_41, %dma_start3A_42] : memref<1000000x64xf32, #tpu.memory_space<hbm>> -> memref<1000000x64xf32, #tpu.memory_space<hbm>>
    tpu.enqueue_indirect_dma source(%dma_start3A_43 : memref<1000000x64xf32, #tpu.memory_space<hbm>>) target(%dma_start3A_37 : memref<32x64xf32, #tpu.memory_space<vmem>>) offsets(%dma_start3A_40 : memref<32xi32, #tpu.memory_space<vmem>>) semaphore(%arg11 : memref<!tpu.dma_semaphore, #tpu.memory_space<semaphore_mem>>)
    %dma_start3A_44 = arith.constant 4 : i32
    %dma_start3A_45 = arith.constant 128 : i32
    %dma_start3A_46 = arith.constant 0 : i32
    %dma_start3A_47 = tpu.memref_slice %arg6[%dma_start3A_45, %dma_start3A_46] : memref<320x64xf32, #tpu.memory_space<vmem>> -> memref<32x64xf32, #tpu.memory_space<vmem>>
    %dma_start3A_48 = arith.constant 0 : i32
    %dma_start3A_49 = tpu.memref_slice %arg5[%dma_start3A_44, %dma_start3A_48] : memref<800x32xi32, #tpu.memory_space<vmem>> -> memref<1x32xi32, #tpu.memory_space<vmem>>
    %dma_start3A_50 = tpu.memref_squeeze %dma_start3A_49 : memref<1x32xi32, #tpu.memory_space<vmem>> -> memref<32xi32, #tpu.memory_space<vmem>>
    %dma_start3A_51 = arith.constant 0 : i32
    %dma_start3A_52 = arith.constant 0 : i32
    %dma_start3A_53 = tpu.memref_slice %arg2[%dma_start3A_51, %dma_start3A_52] : memref<1000000x64xf32, #tpu.memory_space<hbm>> -> memref<1000000x64xf32, #tpu.memory_space<hbm>>
    tpu.enqueue_indirect_dma source(%dma_start3A_53 : memref<1000000x64xf32, #tpu.memory_space<hbm>>) target(%dma_start3A_47 : memref<32x64xf32, #tpu.memory_space<vmem>>) offsets(%dma_start3A_50 : memref<32xi32, #tpu.memory_space<vmem>>) semaphore(%arg11 : memref<!tpu.dma_semaphore, #tpu.memory_space<semaphore_mem>>)
    %dma_start3A_54 = arith.constant 5 : i32
    %dma_start3A_55 = arith.constant 160 : i32
    %dma_start3A_56 = arith.constant 0 : i32
    %dma_start3A_57 = tpu.memref_slice %arg6[%dma_start3A_55, %dma_start3A_56] : memref<320x64xf32, #tpu.memory_space<vmem>> -> memref<32x64xf32, #tpu.memory_space<vmem>>
    %dma_start3A_58 = arith.constant 0 : i32
    %dma_start3A_59 = tpu.memref_slice %arg5[%dma_start3A_54, %dma_start3A_58] : memref<800x32xi32, #tpu.memory_space<vmem>> -> memref<1x32xi32, #tpu.memory_space<vmem>>
    %dma_start3A_60 = tpu.memref_squeeze %dma_start3A_59 : memref<1x32xi32, #tpu.memory_space<vmem>> -> memref<32xi32, #tpu.memory_space<vmem>>
    %dma_start3A_61 = arith.constant 0 : i32
    %dma_start3A_62 = arith.constant 0 : i32
    %dma_start3A_63 = tpu.memref_slice %arg2[%dma_start3A_61, %dma_start3A_62] : memref<1000000x64xf32, #tpu.memory_space<hbm>> -> memref<1000000x64xf32, #tpu.memory_space<hbm>>
    tpu.enqueue_indirect_dma source(%dma_start3A_63 : memref<1000000x64xf32, #tpu.memory_space<hbm>>) target(%dma_start3A_57 : memref<32x64xf32, #tpu.memory_space<vmem>>) offsets(%dma_start3A_60 : memref<32xi32, #tpu.memory_space<vmem>>) semaphore(%arg11 : memref<!tpu.dma_semaphore, #tpu.memory_space<semaphore_mem>>)
    %dma_start3A_64 = arith.constant 6 : i32
    %dma_start3A_65 = arith.constant 192 : i32
    %dma_start3A_66 = arith.constant 0 : i32
    %dma_start3A_67 = tpu.memref_slice %arg6[%dma_start3A_65, %dma_start3A_66] : memref<320x64xf32, #tpu.memory_space<vmem>> -> memref<32x64xf32, #tpu.memory_space<vmem>>
    %dma_start3A_68 = arith.constant 0 : i32
    %dma_start3A_69 = tpu.memref_slice %arg5[%dma_start3A_64, %dma_start3A_68] : memref<800x32xi32, #tpu.memory_space<vmem>> -> memref<1x32xi32, #tpu.memory_space<vmem>>
    %dma_start3A_70 = tpu.memref_squeeze %dma_start3A_69 : memref<1x32xi32, #tpu.memory_space<vmem>> -> memref<32xi32, #tpu.memory_space<vmem>>
    %dma_start3A_71 = arith.constant 0 : i32
    %dma_start3A_72 = arith.constant 0 : i32
    %dma_start3A_73 = tpu.memref_slice %arg2[%dma_start3A_71, %dma_start3A_72] : memref<1000000x64xf32, #tpu.memory_space<hbm>> -> memref<1000000x64xf32, #tpu.memory_space<hbm>>
    tpu.enqueue_indirect_dma source(%dma_start3A_73 : memref<1000000x64xf32, #tpu.memory_space<hbm>>) target(%dma_start3A_67 : memref<32x64xf32, #tpu.memory_space<vmem>>) offsets(%dma_start3A_70 : memref<32xi32, #tpu.memory_space<vmem>>) semaphore(%arg11 : memref<!tpu.dma_semaphore, #tpu.memory_space<semaphore_mem>>)
    %dma_start3A_74 = arith.constant 7 : i32
    %dma_start3A_75 = arith.constant 224 : i32
    %dma_start3A_76 = arith.constant 0 : i32
    %dma_start3A_77 = tpu.memref_slice %arg6[%dma_start3A_75, %dma_start3A_76] : memref<320x64xf32, #tpu.memory_space<vmem>> -> memref<32x64xf32, #tpu.memory_space<vmem>>
    %dma_start3A_78 = arith.constant 0 : i32
    %dma_start3A_79 = tpu.memref_slice %arg5[%dma_start3A_74, %dma_start3A_78] : memref<800x32xi32, #tpu.memory_space<vmem>> -> memref<1x32xi32, #tpu.memory_space<vmem>>
    %dma_start3A_80 = tpu.memref_squeeze %dma_start3A_79 : memref<1x32xi32, #tpu.memory_space<vmem>> -> memref<32xi32, #tpu.memory_space<vmem>>
    %dma_start3A_81 = arith.constant 0 : i32
    %dma_start3A_82 = arith.constant 0 : i32
    %dma_start3A_83 = tpu.memref_slice %arg2[%dma_start3A_81, %dma_start3A_82] : memref<1000000x64xf32, #tpu.memory_space<hbm>> -> memref<1000000x64xf32, #tpu.memory_space<hbm>>
    tpu.enqueue_indirect_dma source(%dma_start3A_83 : memref<1000000x64xf32, #tpu.memory_space<hbm>>) target(%dma_start3A_77 : memref<32x64xf32, #tpu.memory_space<vmem>>) offsets(%dma_start3A_80 : memref<32xi32, #tpu.memory_space<vmem>>) semaphore(%arg11 : memref<!tpu.dma_semaphore, #tpu.memory_space<semaphore_mem>>)
    %dma_start3A_84 = arith.constant 8 : i32
    %dma_start3A_85 = arith.constant 256 : i32
    %dma_start3A_86 = arith.constant 0 : i32
    %dma_start3A_87 = tpu.memref_slice %arg6[%dma_start3A_85, %dma_start3A_86] : memref<320x64xf32, #tpu.memory_space<vmem>> -> memref<32x64xf32, #tpu.memory_space<vmem>>
    %dma_start3A_88 = arith.constant 0 : i32
    %dma_start3A_89 = tpu.memref_slice %arg5[%dma_start3A_84, %dma_start3A_88] : memref<800x32xi32, #tpu.memory_space<vmem>> -> memref<1x32xi32, #tpu.memory_space<vmem>>
    %dma_start3A_90 = tpu.memref_squeeze %dma_start3A_89 : memref<1x32xi32, #tpu.memory_space<vmem>> -> memref<32xi32, #tpu.memory_space<vmem>>
    %dma_start3A_91 = arith.constant 0 : i32
    %dma_start3A_92 = arith.constant 0 : i32
    %dma_start3A_93 = tpu.memref_slice %arg2[%dma_start3A_91, %dma_start3A_92] : memref<1000000x64xf32, #tpu.memory_space<hbm>> -> memref<1000000x64xf32, #tpu.memory_space<hbm>>
    tpu.enqueue_indirect_dma source(%dma_start3A_93 : memref<1000000x64xf32, #tpu.memory_space<hbm>>) target(%dma_start3A_87 : memref<32x64xf32, #tpu.memory_space<vmem>>) offsets(%dma_start3A_90 : memref<32xi32, #tpu.memory_space<vmem>>) semaphore(%arg11 : memref<!tpu.dma_semaphore, #tpu.memory_space<semaphore_mem>>)
    %dma_start3A_94 = arith.constant 9 : i32
    %dma_start3A_95 = arith.constant 288 : i32
    %dma_start3A_96 = arith.constant 0 : i32
    %dma_start3A_97 = tpu.memref_slice %arg6[%dma_start3A_95, %dma_start3A_96] : memref<320x64xf32, #tpu.memory_space<vmem>> -> memref<32x64xf32, #tpu.memory_space<vmem>>
    %dma_start3A_98 = arith.constant 0 : i32
    %dma_start3A_99 = tpu.memref_slice %arg5[%dma_start3A_94, %dma_start3A_98] : memref<800x32xi32, #tpu.memory_space<vmem>> -> memref<1x32xi32, #tpu.memory_space<vmem>>
    %dma_start3A_100 = tpu.memref_squeeze %dma_start3A_99 : memref<1x32xi32, #tpu.memory_space<vmem>> -> memref<32xi32, #tpu.memory_space<vmem>>
    %dma_start3A_101 = arith.constant 0 : i32
    %dma_start3A_102 = arith.constant 0 : i32
    %dma_start3A_103 = tpu.memref_slice %arg2[%dma_start3A_101, %dma_start3A_102] : memref<1000000x64xf32, #tpu.memory_space<hbm>> -> memref<1000000x64xf32, #tpu.memory_space<hbm>>
    tpu.enqueue_indirect_dma source(%dma_start3A_103 : memref<1000000x64xf32, #tpu.memory_space<hbm>>) target(%dma_start3A_97 : memref<32x64xf32, #tpu.memory_space<vmem>>) offsets(%dma_start3A_100 : memref<32xi32, #tpu.memory_space<vmem>>) semaphore(%arg11 : memref<!tpu.dma_semaphore, #tpu.memory_space<semaphore_mem>>)
    %dma_start3A_104 = arith.constant 10 : i32
    %dma_start3A_105 = arith.constant 0 : i32
    %dma_start3A_106 = arith.constant 0 : i32
    %dma_start3A_107 = tpu.memref_slice %arg7[%dma_start3A_105, %dma_start3A_106] : memref<320x64xf32, #tpu.memory_space<vmem>> -> memref<32x64xf32, #tpu.memory_space<vmem>>
    %dma_start3A_108 = arith.constant 0 : i32
    %dma_start3A_109 = tpu.memref_slice %arg5[%dma_start3A_104, %dma_start3A_108] : memref<800x32xi32, #tpu.memory_space<vmem>> -> memref<1x32xi32, #tpu.memory_space<vmem>>
    %dma_start3A_110 = tpu.memref_squeeze %dma_start3A_109 : memref<1x32xi32, #tpu.memory_space<vmem>> -> memref<32xi32, #tpu.memory_space<vmem>>
    %dma_start3A_111 = arith.constant 0 : i32
    %dma_start3A_112 = arith.constant 0 : i32
    %dma_start3A_113 = tpu.memref_slice %arg2[%dma_start3A_111, %dma_start3A_112] : memref<1000000x64xf32, #tpu.memory_space<hbm>> -> memref<1000000x64xf32, #tpu.memory_space<hbm>>
    tpu.enqueue_indirect_dma source(%dma_start3A_113 : memref<1000000x64xf32, #tpu.memory_space<hbm>>) target(%dma_start3A_107 : memref<32x64xf32, #tpu.memory_space<vmem>>) offsets(%dma_start3A_110 : memref<32xi32, #tpu.memory_space<vmem>>) semaphore(%arg12 : memref<!tpu.dma_semaphore, #tpu.memory_space<semaphore_mem>>)
    %dma_start3A_114 = arith.constant 11 : i32
    %dma_start3A_115 = arith.constant 32 : i32
    %dma_start3A_116 = arith.constant 0 : i32
    %dma_start3A_117 = tpu.memref_slice %arg7[%dma_start3A_115, %dma_start3A_116] : memref<320x64xf32, #tpu.memory_space<vmem>> -> memref<32x64xf32, #tpu.memory_space<vmem>>
    %dma_start3A_118 = arith.constant 0 : i32
    %dma_start3A_119 = tpu.memref_slice %arg5[%dma_start3A_114, %dma_start3A_118] : memref<800x32xi32, #tpu.memory_space<vmem>> -> memref<1x32xi32, #tpu.memory_space<vmem>>
    %dma_start3A_120 = tpu.memref_squeeze %dma_start3A_119 : memref<1x32xi32, #tpu.memory_space<vmem>> -> memref<32xi32, #tpu.memory_space<vmem>>
    %dma_start3A_121 = arith.constant 0 : i32
    %dma_start3A_122 = arith.constant 0 : i32
    %dma_start3A_123 = tpu.memref_slice %arg2[%dma_start3A_121, %dma_start3A_122] : memref<1000000x64xf32, #tpu.memory_space<hbm>> -> memref<1000000x64xf32, #tpu.memory_space<hbm>>
    tpu.enqueue_indirect_dma source(%dma_start3A_123 : memref<1000000x64xf32, #tpu.memory_space<hbm>>) target(%dma_start3A_117 : memref<32x64xf32, #tpu.memory_space<vmem>>) offsets(%dma_start3A_120 : memref<32xi32, #tpu.memory_space<vmem>>) semaphore(%arg12 : memref<!tpu.dma_semaphore, #tpu.memory_space<semaphore_mem>>)
    %dma_start3A_124 = arith.constant 12 : i32
    %dma_start3A_125 = arith.constant 64 : i32
    %dma_start3A_126 = arith.constant 0 : i32
    %dma_start3A_127 = tpu.memref_slice %arg7[%dma_start3A_125, %dma_start3A_126] : memref<320x64xf32, #tpu.memory_space<vmem>> -> memref<32x64xf32, #tpu.memory_space<vmem>>
    %dma_start3A_128 = arith.constant 0 : i32
    %dma_start3A_129 = tpu.memref_slice %arg5[%dma_start3A_124, %dma_start3A_128] : memref<800x32xi32, #tpu.memory_space<vmem>> -> memref<1x32xi32, #tpu.memory_space<vmem>>
    %dma_start3A_130 = tpu.memref_squeeze %dma_start3A_129 : memref<1x32xi32, #tpu.memory_space<vmem>> -> memref<32xi32, #tpu.memory_space<vmem>>
    %dma_start3A_131 = arith.constant 0 : i32
    %dma_start3A_132 = arith.constant 0 : i32
    %dma_start3A_133 = tpu.memref_slice %arg2[%dma_start3A_131, %dma_start3A_132] : memref<1000000x64xf32, #tpu.memory_space<hbm>> -> memref<1000000x64xf32, #tpu.memory_space<hbm>>
    tpu.enqueue_indirect_dma source(%dma_start3A_133 : memref<1000000x64xf32, #tpu.memory_space<hbm>>) target(%dma_start3A_127 : memref<32x64xf32, #tpu.memory_space<vmem>>) offsets(%dma_start3A_130 : memref<32xi32, #tpu.memory_space<vmem>>) semaphore(%arg12 : memref<!tpu.dma_semaphore, #tpu.memory_space<semaphore_mem>>)
    %dma_start3A_134 = arith.constant 13 : i32
    %dma_start3A_135 = arith.constant 96 : i32
    %dma_start3A_136 = arith.constant 0 : i32
    %dma_start3A_137 = tpu.memref_slice %arg7[%dma_start3A_135, %dma_start3A_136] : memref<320x64xf32, #tpu.memory_space<vmem>> -> memref<32x64xf32, #tpu.memory_space<vmem>>
    %dma_start3A_138 = arith.constant 0 : i32
    %dma_start3A_139 = tpu.memref_slice %arg5[%dma_start3A_134, %dma_start3A_138] : memref<800x32xi32, #tpu.memory_space<vmem>> -> memref<1x32xi32, #tpu.memory_space<vmem>>
    %dma_start3A_140 = tpu.memref_squeeze %dma_start3A_139 : memref<1x32xi32, #tpu.memory_space<vmem>> -> memref<32xi32, #tpu.memory_space<vmem>>
    %dma_start3A_141 = arith.constant 0 : i32
    %dma_start3A_142 = arith.constant 0 : i32
    %dma_start3A_143 = tpu.memref_slice %arg2[%dma_start3A_141, %dma_start3A_142] : memref<1000000x64xf32, #tpu.memory_space<hbm>> -> memref<1000000x64xf32, #tpu.memory_space<hbm>>
    tpu.enqueue_indirect_dma source(%dma_start3A_143 : memref<1000000x64xf32, #tpu.memory_space<hbm>>) target(%dma_start3A_137 : memref<32x64xf32, #tpu.memory_space<vmem>>) offsets(%dma_start3A_140 : memref<32xi32, #tpu.memory_space<vmem>>) semaphore(%arg12 : memref<!tpu.dma_semaphore, #tpu.memory_space<semaphore_mem>>)
    %dma_start3A_144 = arith.constant 14 : i32
    %dma_start3A_145 = arith.constant 128 : i32
    %dma_start3A_146 = arith.constant 0 : i32
    %dma_start3A_147 = tpu.memref_slice %arg7[%dma_start3A_145, %dma_start3A_146] : memref<320x64xf32, #tpu.memory_space<vmem>> -> memref<32x64xf32, #tpu.memory_space<vmem>>
    %dma_start3A_148 = arith.constant 0 : i32
    %dma_start3A_149 = tpu.memref_slice %arg5[%dma_start3A_144, %dma_start3A_148] : memref<800x32xi32, #tpu.memory_space<vmem>> -> memref<1x32xi32, #tpu.memory_space<vmem>>
    %dma_start3A_150 = tpu.memref_squeeze %dma_start3A_149 : memref<1x32xi32, #tpu.memory_space<vmem>> -> memref<32xi32, #tpu.memory_space<vmem>>
    %dma_start3A_151 = arith.constant 0 : i32
    %dma_start3A_152 = arith.constant 0 : i32
    %dma_start3A_153 = tpu.memref_slice %arg2[%dma_start3A_151, %dma_start3A_152] : memref<1000000x64xf32, #tpu.memory_space<hbm>> -> memref<1000000x64xf32, #tpu.memory_space<hbm>>
    tpu.enqueue_indirect_dma source(%dma_start3A_153 : memref<1000000x64xf32, #tpu.memory_space<hbm>>) target(%dma_start3A_147 : memref<32x64xf32, #tpu.memory_space<vmem>>) offsets(%dma_start3A_150 : memref<32xi32, #tpu.memory_space<vmem>>) semaphore(%arg12 : memref<!tpu.dma_semaphore, #tpu.memory_space<semaphore_mem>>)
    %dma_start3A_154 = arith.constant 15 : i32
    %dma_start3A_155 = arith.constant 160 : i32
    %dma_start3A_156 = arith.constant 0 : i32
    %dma_start3A_157 = tpu.memref_slice %arg7[%dma_start3A_155, %dma_start3A_156] : memref<320x64xf32, #tpu.memory_space<vmem>> -> memref<32x64xf32, #tpu.memory_space<vmem>>
    %dma_start3A_158 = arith.constant 0 : i32
    %dma_start3A_159 = tpu.memref_slice %arg5[%dma_start3A_154, %dma_start3A_158] : memref<800x32xi32, #tpu.memory_space<vmem>> -> memref<1x32xi32, #tpu.memory_space<vmem>>
    %dma_start3A_160 = tpu.memref_squeeze %dma_start3A_159 : memref<1x32xi32, #tpu.memory_space<vmem>> -> memref<32xi32, #tpu.memory_space<vmem>>
    %dma_start3A_161 = arith.constant 0 : i32
    %dma_start3A_162 = arith.constant 0 : i32
    %dma_start3A_163 = tpu.memref_slice %arg2[%dma_start3A_161, %dma_start3A_162] : memref<1000000x64xf32, #tpu.memory_space<hbm>> -> memref<1000000x64xf32, #tpu.memory_space<hbm>>
    tpu.enqueue_indirect_dma source(%dma_start3A_163 : memref<1000000x64xf32, #tpu.memory_space<hbm>>) target(%dma_start3A_157 : memref<32x64xf32, #tpu.memory_space<vmem>>) offsets(%dma_start3A_160 : memref<32xi32, #tpu.memory_space<vmem>>) semaphore(%arg12 : memref<!tpu.dma_semaphore, #tpu.memory_space<semaphore_mem>>)
    %dma_start3A_164 = arith.constant 16 : i32
    %dma_start3A_165 = arith.constant 192 : i32
    %dma_start3A_166 = arith.constant 0 : i32
    %dma_start3A_167 = tpu.memref_slice %arg7[%dma_start3A_165, %dma_start3A_166] : memref<320x64xf32, #tpu.memory_space<vmem>> -> memref<32x64xf32, #tpu.memory_space<vmem>>
    %dma_start3A_168 = arith.constant 0 : i32
    %dma_start3A_169 = tpu.memref_slice %arg5[%dma_start3A_164, %dma_start3A_168] : memref<800x32xi32, #tpu.memory_space<vmem>> -> memref<1x32xi32, #tpu.memory_space<vmem>>
    %dma_start3A_170 = tpu.memref_squeeze %dma_start3A_169 : memref<1x32xi32, #tpu.memory_space<vmem>> -> memref<32xi32, #tpu.memory_space<vmem>>
    %dma_start3A_171 = arith.constant 0 : i32
    %dma_start3A_172 = arith.constant 0 : i32
    %dma_start3A_173 = tpu.memref_slice %arg2[%dma_start3A_171, %dma_start3A_172] : memref<1000000x64xf32, #tpu.memory_space<hbm>> -> memref<1000000x64xf32, #tpu.memory_space<hbm>>
    tpu.enqueue_indirect_dma source(%dma_start3A_173 : memref<1000000x64xf32, #tpu.memory_space<hbm>>) target(%dma_start3A_167 : memref<32x64xf32, #tpu.memory_space<vmem>>) offsets(%dma_start3A_170 : memref<32xi32, #tpu.memory_space<vmem>>) semaphore(%arg12 : memref<!tpu.dma_semaphore, #tpu.memory_space<semaphore_mem>>)
    %dma_start3A_174 = arith.constant 17 : i32
    %dma_start3A_175 = arith.constant 224 : i32
    %dma_start3A_176 = arith.constant 0 : i32
    %dma_start3A_177 = tpu.memref_slice %arg7[%dma_start3A_175, %dma_start3A_176] : memref<320x64xf32, #tpu.memory_space<vmem>> -> memref<32x64xf32, #tpu.memory_space<vmem>>
    %dma_start3A_178 = arith.constant 0 : i32
    %dma_start3A_179 = tpu.memref_slice %arg5[%dma_start3A_174, %dma_start3A_178] : memref<800x32xi32, #tpu.memory_space<vmem>> -> memref<1x32xi32, #tpu.memory_space<vmem>>
    %dma_start3A_180 = tpu.memref_squeeze %dma_start3A_179 : memref<1x32xi32, #tpu.memory_space<vmem>> -> memref<32xi32, #tpu.memory_space<vmem>>
    %dma_start3A_181 = arith.constant 0 : i32
    %dma_start3A_182 = arith.constant 0 : i32
    %dma_start3A_183 = tpu.memref_slice %arg2[%dma_start3A_181, %dma_start3A_182] : memref<1000000x64xf32, #tpu.memory_space<hbm>> -> memref<1000000x64xf32, #tpu.memory_space<hbm>>
    tpu.enqueue_indirect_dma source(%dma_start3A_183 : memref<1000000x64xf32, #tpu.memory_space<hbm>>) target(%dma_start3A_177 : memref<32x64xf32, #tpu.memory_space<vmem>>) offsets(%dma_start3A_180 : memref<32xi32, #tpu.memory_space<vmem>>) semaphore(%arg12 : memref<!tpu.dma_semaphore, #tpu.memory_space<semaphore_mem>>)
    %dma_start3A_184 = arith.constant 18 : i32
    %dma_start3A_185 = arith.constant 256 : i32
    %dma_start3A_186 = arith.constant 0 : i32
    %dma_start3A_187 = tpu.memref_slice %arg7[%dma_start3A_185, %dma_start3A_186] : memref<320x64xf32, #tpu.memory_space<vmem>> -> memref<32x64xf32, #tpu.memory_space<vmem>>
    %dma_start3A_188 = arith.constant 0 : i32
    %dma_start3A_189 = tpu.memref_slice %arg5[%dma_start3A_184, %dma_start3A_188] : memref<800x32xi32, #tpu.memory_space<vmem>> -> memref<1x32xi32, #tpu.memory_space<vmem>>
    %dma_start3A_190 = tpu.memref_squeeze %dma_start3A_189 : memref<1x32xi32, #tpu.memory_space<vmem>> -> memref<32xi32, #tpu.memory_space<vmem>>
    %dma_start3A_191 = arith.constant 0 : i32
    %dma_start3A_192 = arith.constant 0 : i32
    %dma_start3A_193 = tpu.memref_slice %arg2[%dma_start3A_191, %dma_start3A_192] : memref<1000000x64xf32, #tpu.memory_space<hbm>> -> memref<1000000x64xf32, #tpu.memory_space<hbm>>
    tpu.enqueue_indirect_dma source(%dma_start3A_193 : memref<1000000x64xf32, #tpu.memory_space<hbm>>) target(%dma_start3A_187 : memref<32x64xf32, #tpu.memory_space<vmem>>) offsets(%dma_start3A_190 : memref<32xi32, #tpu.memory_space<vmem>>) semaphore(%arg12 : memref<!tpu.dma_semaphore, #tpu.memory_space<semaphore_mem>>)
    %dma_start3A_194 = arith.constant 19 : i32
    %dma_start3A_195 = arith.constant 288 : i32
    %dma_start3A_196 = arith.constant 0 : i32
    %dma_start3A_197 = tpu.memref_slice %arg7[%dma_start3A_195, %dma_start3A_196] : memref<320x64xf32, #tpu.memory_space<vmem>> -> memref<32x64xf32, #tpu.memory_space<vmem>>
    %dma_start3A_198 = arith.constant 0 : i32
    %dma_start3A_199 = tpu.memref_slice %arg5[%dma_start3A_194, %dma_start3A_198] : memref<800x32xi32, #tpu.memory_space<vmem>> -> memref<1x32xi32, #tpu.memory_space<vmem>>
    %dma_start3A_200 = tpu.memref_squeeze %dma_start3A_199 : memref<1x32xi32, #tpu.memory_space<vmem>> -> memref<32xi32, #tpu.memory_space<vmem>>
    %dma_start3A_201 = arith.constant 0 : i32
    %dma_start3A_202 = arith.constant 0 : i32
    %dma_start3A_203 = tpu.memref_slice %arg2[%dma_start3A_201, %dma_start3A_202] : memref<1000000x64xf32, #tpu.memory_space<hbm>> -> memref<1000000x64xf32, #tpu.memory_space<hbm>>
    tpu.enqueue_indirect_dma source(%dma_start3A_203 : memref<1000000x64xf32, #tpu.memory_space<hbm>>) target(%dma_start3A_197 : memref<32x64xf32, #tpu.memory_space<vmem>>) offsets(%dma_start3A_200 : memref<32xi32, #tpu.memory_space<vmem>>) semaphore(%arg12 : memref<!tpu.dma_semaphore, #tpu.memory_space<semaphore_mem>>)
    %dma_start3A_204 = arith.constant 20 : i32
    %dma_start3A_205 = arith.constant 0 : i32
    %dma_start3A_206 = arith.constant 0 : i32
    %dma_start3A_207 = tpu.memref_slice %arg8[%dma_start3A_205, %dma_start3A_206] : memref<320x64xf32, #tpu.memory_space<vmem>> -> memref<32x64xf32, #tpu.memory_space<vmem>>
    %dma_start3A_208 = arith.constant 0 : i32
    %dma_start3A_209 = tpu.memref_slice %arg5[%dma_start3A_204, %dma_start3A_208] : memref<800x32xi32, #tpu.memory_space<vmem>> -> memref<1x32xi32, #tpu.memory_space<vmem>>
    %dma_start3A_210 = tpu.memref_squeeze %dma_start3A_209 : memref<1x32xi32, #tpu.memory_space<vmem>> -> memref<32xi32, #tpu.memory_space<vmem>>
    %dma_start3A_211 = arith.constant 0 : i32
    %dma_start3A_212 = arith.constant 0 : i32
    %dma_start3A_213 = tpu.memref_slice %arg2[%dma_start3A_211, %dma_start3A_212] : memref<1000000x64xf32, #tpu.memory_space<hbm>> -> memref<1000000x64xf32, #tpu.memory_space<hbm>>
    tpu.enqueue_indirect_dma source(%dma_start3A_213 : memref<1000000x64xf32, #tpu.memory_space<hbm>>) target(%dma_start3A_207 : memref<32x64xf32, #tpu.memory_space<vmem>>) offsets(%dma_start3A_210 : memref<32xi32, #tpu.memory_space<vmem>>) semaphore(%arg13 : memref<!tpu.dma_semaphore, #tpu.memory_space<semaphore_mem>>)
    %dma_start3A_214 = arith.constant 21 : i32
    %dma_start3A_215 = arith.constant 32 : i32
    %dma_start3A_216 = arith.constant 0 : i32
    %dma_start3A_217 = tpu.memref_slice %arg8[%dma_start3A_215, %dma_start3A_216] : memref<320x64xf32, #tpu.memory_space<vmem>> -> memref<32x64xf32, #tpu.memory_space<vmem>>
    %dma_start3A_218 = arith.constant 0 : i32
    %dma_start3A_219 = tpu.memref_slice %arg5[%dma_start3A_214, %dma_start3A_218] : memref<800x32xi32, #tpu.memory_space<vmem>> -> memref<1x32xi32, #tpu.memory_space<vmem>>
    %dma_start3A_220 = tpu.memref_squeeze %dma_start3A_219 : memref<1x32xi32, #tpu.memory_space<vmem>> -> memref<32xi32, #tpu.memory_space<vmem>>
    %dma_start3A_221 = arith.constant 0 : i32
    %dma_start3A_222 = arith.constant 0 : i32
    %dma_start3A_223 = tpu.memref_slice %arg2[%dma_start3A_221, %dma_start3A_222] : memref<1000000x64xf32, #tpu.memory_space<hbm>> -> memref<1000000x64xf32, #tpu.memory_space<hbm>>
    tpu.enqueue_indirect_dma source(%dma_start3A_223 : memref<1000000x64xf32, #tpu.memory_space<hbm>>) target(%dma_start3A_217 : memref<32x64xf32, #tpu.memory_space<vmem>>) offsets(%dma_start3A_220 : memref<32xi32, #tpu.memory_space<vmem>>) semaphore(%arg13 : memref<!tpu.dma_semaphore, #tpu.memory_space<semaphore_mem>>)
    %dma_start3A_224 = arith.constant 22 : i32
    %dma_start3A_225 = arith.constant 64 : i32
    %dma_start3A_226 = arith.constant 0 : i32
    %dma_start3A_227 = tpu.memref_slice %arg8[%dma_start3A_225, %dma_start3A_226] : memref<320x64xf32, #tpu.memory_space<vmem>> -> memref<32x64xf32, #tpu.memory_space<vmem>>
    %dma_start3A_228 = arith.constant 0 : i32
    %dma_start3A_229 = tpu.memref_slice %arg5[%dma_start3A_224, %dma_start3A_228] : memref<800x32xi32, #tpu.memory_space<vmem>> -> memref<1x32xi32, #tpu.memory_space<vmem>>
    %dma_start3A_230 = tpu.memref_squeeze %dma_start3A_229 : memref<1x32xi32, #tpu.memory_space<vmem>> -> memref<32xi32, #tpu.memory_space<vmem>>
    %dma_start3A_231 = arith.constant 0 : i32
    %dma_start3A_232 = arith.constant 0 : i32
    %dma_start3A_233 = tpu.memref_slice %arg2[%dma_start3A_231, %dma_start3A_232] : memref<1000000x64xf32, #tpu.memory_space<hbm>> -> memref<1000000x64xf32, #tpu.memory_space<hbm>>
    tpu.enqueue_indirect_dma source(%dma_start3A_233 : memref<1000000x64xf32, #tpu.memory_space<hbm>>) target(%dma_start3A_227 : memref<32x64xf32, #tpu.memory_space<vmem>>) offsets(%dma_start3A_230 : memref<32xi32, #tpu.memory_space<vmem>>) semaphore(%arg13 : memref<!tpu.dma_semaphore, #tpu.memory_space<semaphore_mem>>)
    %dma_start3A_234 = arith.constant 23 : i32
    %dma_start3A_235 = arith.constant 96 : i32
    %dma_start3A_236 = arith.constant 0 : i32
    %dma_start3A_237 = tpu.memref_slice %arg8[%dma_start3A_235, %dma_start3A_236] : memref<320x64xf32, #tpu.memory_space<vmem>> -> memref<32x64xf32, #tpu.memory_space<vmem>>
    %dma_start3A_238 = arith.constant 0 : i32
    %dma_start3A_239 = tpu.memref_slice %arg5[%dma_start3A_234, %dma_start3A_238] : memref<800x32xi32, #tpu.memory_space<vmem>> -> memref<1x32xi32, #tpu.memory_space<vmem>>
    %dma_start3A_240 = tpu.memref_squeeze %dma_start3A_239 : memref<1x32xi32, #tpu.memory_space<vmem>> -> memref<32xi32, #tpu.memory_space<vmem>>
    %dma_start3A_241 = arith.constant 0 : i32
    %dma_start3A_242 = arith.constant 0 : i32
    %dma_start3A_243 = tpu.memref_slice %arg2[%dma_start3A_241, %dma_start3A_242] : memref<1000000x64xf32, #tpu.memory_space<hbm>> -> memref<1000000x64xf32, #tpu.memory_space<hbm>>
    tpu.enqueue_indirect_dma source(%dma_start3A_243 : memref<1000000x64xf32, #tpu.memory_space<hbm>>) target(%dma_start3A_237 : memref<32x64xf32, #tpu.memory_space<vmem>>) offsets(%dma_start3A_240 : memref<32xi32, #tpu.memory_space<vmem>>) semaphore(%arg13 : memref<!tpu.dma_semaphore, #tpu.memory_space<semaphore_mem>>)
    %dma_start3A_244 = arith.constant 24 : i32
    %dma_start3A_245 = arith.constant 128 : i32
    %dma_start3A_246 = arith.constant 0 : i32
    %dma_start3A_247 = tpu.memref_slice %arg8[%dma_start3A_245, %dma_start3A_246] : memref<320x64xf32, #tpu.memory_space<vmem>> -> memref<32x64xf32, #tpu.memory_space<vmem>>
    %dma_start3A_248 = arith.constant 0 : i32
    %dma_start3A_249 = tpu.memref_slice %arg5[%dma_start3A_244, %dma_start3A_248] : memref<800x32xi32, #tpu.memory_space<vmem>> -> memref<1x32xi32, #tpu.memory_space<vmem>>
    %dma_start3A_250 = tpu.memref_squeeze %dma_start3A_249 : memref<1x32xi32, #tpu.memory_space<vmem>> -> memref<32xi32, #tpu.memory_space<vmem>>
    %dma_start3A_251 = arith.constant 0 : i32
    %dma_start3A_252 = arith.constant 0 : i32
    %dma_start3A_253 = tpu.memref_slice %arg2[%dma_start3A_251, %dma_start3A_252] : memref<1000000x64xf32, #tpu.memory_space<hbm>> -> memref<1000000x64xf32, #tpu.memory_space<hbm>>
    tpu.enqueue_indirect_dma source(%dma_start3A_253 : memref<1000000x64xf32, #tpu.memory_space<hbm>>) target(%dma_start3A_247 : memref<32x64xf32, #tpu.memory_space<vmem>>) offsets(%dma_start3A_250 : memref<32xi32, #tpu.memory_space<vmem>>) semaphore(%arg13 : memref<!tpu.dma_semaphore, #tpu.memory_space<semaphore_mem>>)
    %dma_start3A_254 = arith.constant 25 : i32
    %dma_start3A_255 = arith.constant 160 : i32
    %dma_start3A_256 = arith.constant 0 : i32
    %dma_start3A_257 = tpu.memref_slice %arg8[%dma_start3A_255, %dma_start3A_256] : memref<320x64xf32, #tpu.memory_space<vmem>> -> memref<32x64xf32, #tpu.memory_space<vmem>>
    %dma_start3A_258 = arith.constant 0 : i32
    %dma_start3A_259 = tpu.memref_slice %arg5[%dma_start3A_254, %dma_start3A_258] : memref<800x32xi32, #tpu.memory_space<vmem>> -> memref<1x32xi32, #tpu.memory_space<vmem>>
    %dma_start3A_260 = tpu.memref_squeeze %dma_start3A_259 : memref<1x32xi32, #tpu.memory_space<vmem>> -> memref<32xi32, #tpu.memory_space<vmem>>
    %dma_start3A_261 = arith.constant 0 : i32
    %dma_start3A_262 = arith.constant 0 : i32
    %dma_start3A_263 = tpu.memref_slice %arg2[%dma_start3A_261, %dma_start3A_262] : memref<1000000x64xf32, #tpu.memory_space<hbm>> -> memref<1000000x64xf32, #tpu.memory_space<hbm>>
    tpu.enqueue_indirect_dma source(%dma_start3A_263 : memref<1000000x64xf32, #tpu.memory_space<hbm>>) target(%dma_start3A_257 : memref<32x64xf32, #tpu.memory_space<vmem>>) offsets(%dma_start3A_260 : memref<32xi32, #tpu.memory_space<vmem>>) semaphore(%arg13 : memref<!tpu.dma_semaphore, #tpu.memory_space<semaphore_mem>>)
    %dma_start3A_264 = arith.constant 26 : i32
    %dma_start3A_265 = arith.constant 192 : i32
    %dma_start3A_266 = arith.constant 0 : i32
    %dma_start3A_267 = tpu.memref_slice %arg8[%dma_start3A_265, %dma_start3A_266] : memref<320x64xf32, #tpu.memory_space<vmem>> -> memref<32x64xf32, #tpu.memory_space<vmem>>
    %dma_start3A_268 = arith.constant 0 : i32
    %dma_start3A_269 = tpu.memref_slice %arg5[%dma_start3A_264, %dma_start3A_268] : memref<800x32xi32, #tpu.memory_space<vmem>> -> memref<1x32xi32, #tpu.memory_space<vmem>>
    %dma_start3A_270 = tpu.memref_squeeze %dma_start3A_269 : memref<1x32xi32, #tpu.memory_space<vmem>> -> memref<32xi32, #tpu.memory_space<vmem>>
    %dma_start3A_271 = arith.constant 0 : i32
    %dma_start3A_272 = arith.constant 0 : i32
    %dma_start3A_273 = tpu.memref_slice %arg2[%dma_start3A_271, %dma_start3A_272] : memref<1000000x64xf32, #tpu.memory_space<hbm>> -> memref<1000000x64xf32, #tpu.memory_space<hbm>>
    tpu.enqueue_indirect_dma source(%dma_start3A_273 : memref<1000000x64xf32, #tpu.memory_space<hbm>>) target(%dma_start3A_267 : memref<32x64xf32, #tpu.memory_space<vmem>>) offsets(%dma_start3A_270 : memref<32xi32, #tpu.memory_space<vmem>>) semaphore(%arg13 : memref<!tpu.dma_semaphore, #tpu.memory_space<semaphore_mem>>)
    %dma_start3A_274 = arith.constant 27 : i32
    %dma_start3A_275 = arith.constant 224 : i32
    %dma_start3A_276 = arith.constant 0 : i32
    %dma_start3A_277 = tpu.memref_slice %arg8[%dma_start3A_275, %dma_start3A_276] : memref<320x64xf32, #tpu.memory_space<vmem>> -> memref<32x64xf32, #tpu.memory_space<vmem>>
    %dma_start3A_278 = arith.constant 0 : i32
    %dma_start3A_279 = tpu.memref_slice %arg5[%dma_start3A_274, %dma_start3A_278] : memref<800x32xi32, #tpu.memory_space<vmem>> -> memref<1x32xi32, #tpu.memory_space<vmem>>
    %dma_start3A_280 = tpu.memref_squeeze %dma_start3A_279 : memref<1x32xi32, #tpu.memory_space<vmem>> -> memref<32xi32, #tpu.memory_space<vmem>>
    %dma_start3A_281 = arith.constant 0 : i32
    %dma_start3A_282 = arith.constant 0 : i32
    %dma_start3A_283 = tpu.memref_slice %arg2[%dma_start3A_281, %dma_start3A_282] : memref<1000000x64xf32, #tpu.memory_space<hbm>> -> memref<1000000x64xf32, #tpu.memory_space<hbm>>
    tpu.enqueue_indirect_dma source(%dma_start3A_283 : memref<1000000x64xf32, #tpu.memory_space<hbm>>) target(%dma_start3A_277 : memref<32x64xf32, #tpu.memory_space<vmem>>) offsets(%dma_start3A_280 : memref<32xi32, #tpu.memory_space<vmem>>) semaphore(%arg13 : memref<!tpu.dma_semaphore, #tpu.memory_space<semaphore_mem>>)
    %dma_start3A_284 = arith.constant 28 : i32
    %dma_start3A_285 = arith.constant 256 : i32
    %dma_start3A_286 = arith.constant 0 : i32
    %dma_start3A_287 = tpu.memref_slice %arg8[%dma_start3A_285, %dma_start3A_286] : memref<320x64xf32, #tpu.memory_space<vmem>> -> memref<32x64xf32, #tpu.memory_space<vmem>>
    %dma_start3A_288 = arith.constant 0 : i32
    %dma_start3A_289 = tpu.memref_slice %arg5[%dma_start3A_284, %dma_start3A_288] : memref<800x32xi32, #tpu.memory_space<vmem>> -> memref<1x32xi32, #tpu.memory_space<vmem>>
    %dma_start3A_290 = tpu.memref_squeeze %dma_start3A_289 : memref<1x32xi32, #tpu.memory_space<vmem>> -> memref<32xi32, #tpu.memory_space<vmem>>
    %dma_start3A_291 = arith.constant 0 : i32
    %dma_start3A_292 = arith.constant 0 : i32
    %dma_start3A_293 = tpu.memref_slice %arg2[%dma_start3A_291, %dma_start3A_292] : memref<1000000x64xf32, #tpu.memory_space<hbm>> -> memref<1000000x64xf32, #tpu.memory_space<hbm>>
    tpu.enqueue_indirect_dma source(%dma_start3A_293 : memref<1000000x64xf32, #tpu.memory_space<hbm>>) target(%dma_start3A_287 : memref<32x64xf32, #tpu.memory_space<vmem>>) offsets(%dma_start3A_290 : memref<32xi32, #tpu.memory_space<vmem>>) semaphore(%arg13 : memref<!tpu.dma_semaphore, #tpu.memory_space<semaphore_mem>>)
    %dma_start3A_294 = arith.constant 29 : i32
    %dma_start3A_295 = arith.constant 288 : i32
    %dma_start3A_296 = arith.constant 0 : i32
    %dma_start3A_297 = tpu.memref_slice %arg8[%dma_start3A_295, %dma_start3A_296] : memref<320x64xf32, #tpu.memory_space<vmem>> -> memref<32x64xf32, #tpu.memory_space<vmem>>
    %dma_start3A_298 = arith.constant 0 : i32
    %dma_start3A_299 = tpu.memref_slice %arg5[%dma_start3A_294, %dma_start3A_298] : memref<800x32xi32, #tpu.memory_space<vmem>> -> memref<1x32xi32, #tpu.memory_space<vmem>>
    %dma_start3A_300 = tpu.memref_squeeze %dma_start3A_299 : memref<1x32xi32, #tpu.memory_space<vmem>> -> memref<32xi32, #tpu.memory_space<vmem>>
    %dma_start3A_301 = arith.constant 0 : i32
    %dma_start3A_302 = arith.constant 0 : i32
    %dma_start3A_303 = tpu.memref_slice %arg2[%dma_start3A_301, %dma_start3A_302] : memref<1000000x64xf32, #tpu.memory_space<hbm>> -> memref<1000000x64xf32, #tpu.memory_space<hbm>>
    tpu.enqueue_indirect_dma source(%dma_start3A_303 : memref<1000000x64xf32, #tpu.memory_space<hbm>>) target(%dma_start3A_297 : memref<32x64xf32, #tpu.memory_space<vmem>>) offsets(%dma_start3A_300 : memref<32xi32, #tpu.memory_space<vmem>>) semaphore(%arg13 : memref<!tpu.dma_semaphore, #tpu.memory_space<semaphore_mem>>)
    %dma_start3A_304 = arith.constant 30 : i32
    %dma_start3A_305 = arith.constant 0 : i32
    %dma_start3A_306 = arith.constant 0 : i32
    %dma_start3A_307 = tpu.memref_slice %arg9[%dma_start3A_305, %dma_start3A_306] : memref<320x64xf32, #tpu.memory_space<vmem>> -> memref<32x64xf32, #tpu.memory_space<vmem>>
    %dma_start3A_308 = arith.constant 0 : i32
    %dma_start3A_309 = tpu.memref_slice %arg5[%dma_start3A_304, %dma_start3A_308] : memref<800x32xi32, #tpu.memory_space<vmem>> -> memref<1x32xi32, #tpu.memory_space<vmem>>
    %dma_start3A_310 = tpu.memref_squeeze %dma_start3A_309 : memref<1x32xi32, #tpu.memory_space<vmem>> -> memref<32xi32, #tpu.memory_space<vmem>>
    %dma_start3A_311 = arith.constant 0 : i32
    %dma_start3A_312 = arith.constant 0 : i32
    %dma_start3A_313 = tpu.memref_slice %arg2[%dma_start3A_311, %dma_start3A_312] : memref<1000000x64xf32, #tpu.memory_space<hbm>> -> memref<1000000x64xf32, #tpu.memory_space<hbm>>
    tpu.enqueue_indirect_dma source(%dma_start3A_313 : memref<1000000x64xf32, #tpu.memory_space<hbm>>) target(%dma_start3A_307 : memref<32x64xf32, #tpu.memory_space<vmem>>) offsets(%dma_start3A_310 : memref<32xi32, #tpu.memory_space<vmem>>) semaphore(%arg14 : memref<!tpu.dma_semaphore, #tpu.memory_space<semaphore_mem>>)
    %dma_start3A_314 = arith.constant 31 : i32
    %dma_start3A_315 = arith.constant 32 : i32
    %dma_start3A_316 = arith.constant 0 : i32
    %dma_start3A_317 = tpu.memref_slice %arg9[%dma_start3A_315, %dma_start3A_316] : memref<320x64xf32, #tpu.memory_space<vmem>> -> memref<32x64xf32, #tpu.memory_space<vmem>>
    %dma_start3A_318 = arith.constant 0 : i32
    %dma_start3A_319 = tpu.memref_slice %arg5[%dma_start3A_314, %dma_start3A_318] : memref<800x32xi32, #tpu.memory_space<vmem>> -> memref<1x32xi32, #tpu.memory_space<vmem>>
    %dma_start3A_320 = tpu.memref_squeeze %dma_start3A_319 : memref<1x32xi32, #tpu.memory_space<vmem>> -> memref<32xi32, #tpu.memory_space<vmem>>
    %dma_start3A_321 = arith.constant 0 : i32
    %dma_start3A_322 = arith.constant 0 : i32
    %dma_start3A_323 = tpu.memref_slice %arg2[%dma_start3A_321, %dma_start3A_322] : memref<1000000x64xf32, #tpu.memory_space<hbm>> -> memref<1000000x64xf32, #tpu.memory_space<hbm>>
    tpu.enqueue_indirect_dma source(%dma_start3A_323 : memref<1000000x64xf32, #tpu.memory_space<hbm>>) target(%dma_start3A_317 : memref<32x64xf32, #tpu.memory_space<vmem>>) offsets(%dma_start3A_320 : memref<32xi32, #tpu.memory_space<vmem>>) semaphore(%arg14 : memref<!tpu.dma_semaphore, #tpu.memory_space<semaphore_mem>>)
    %dma_start3A_324 = arith.constant 32 : i32
    %dma_start3A_325 = arith.constant 64 : i32
    %dma_start3A_326 = arith.constant 0 : i32
    %dma_start3A_327 = tpu.memref_slice %arg9[%dma_start3A_325, %dma_start3A_326] : memref<320x64xf32, #tpu.memory_space<vmem>> -> memref<32x64xf32, #tpu.memory_space<vmem>>
    %dma_start3A_328 = arith.constant 0 : i32
    %dma_start3A_329 = tpu.memref_slice %arg5[%dma_start3A_324, %dma_start3A_328] : memref<800x32xi32, #tpu.memory_space<vmem>> -> memref<1x32xi32, #tpu.memory_space<vmem>>
    %dma_start3A_330 = tpu.memref_squeeze %dma_start3A_329 : memref<1x32xi32, #tpu.memory_space<vmem>> -> memref<32xi32, #tpu.memory_space<vmem>>
    %dma_start3A_331 = arith.constant 0 : i32
    %dma_start3A_332 = arith.constant 0 : i32
    %dma_start3A_333 = tpu.memref_slice %arg2[%dma_start3A_331, %dma_start3A_332] : memref<1000000x64xf32, #tpu.memory_space<hbm>> -> memref<1000000x64xf32, #tpu.memory_space<hbm>>
    tpu.enqueue_indirect_dma source(%dma_start3A_333 : memref<1000000x64xf32, #tpu.memory_space<hbm>>) target(%dma_start3A_327 : memref<32x64xf32, #tpu.memory_space<vmem>>) offsets(%dma_start3A_330 : memref<32xi32, #tpu.memory_space<vmem>>) semaphore(%arg14 : memref<!tpu.dma_semaphore, #tpu.memory_space<semaphore_mem>>)
    %dma_start3A_334 = arith.constant 33 : i32
    %dma_start3A_335 = arith.constant 96 : i32
    %dma_start3A_336 = arith.constant 0 : i32
    %dma_start3A_337 = tpu.memref_slice %arg9[%dma_start3A_335, %dma_start3A_336] : memref<320x64xf32, #tpu.memory_space<vmem>> -> memref<32x64xf32, #tpu.memory_space<vmem>>
    %dma_start3A_338 = arith.constant 0 : i32
    %dma_start3A_339 = tpu.memref_slice %arg5[%dma_start3A_334, %dma_start3A_338] : memref<800x32xi32, #tpu.memory_space<vmem>> -> memref<1x32xi32, #tpu.memory_space<vmem>>
    %dma_start3A_340 = tpu.memref_squeeze %dma_start3A_339 : memref<1x32xi32, #tpu.memory_space<vmem>> -> memref<32xi32, #tpu.memory_space<vmem>>
    %dma_start3A_341 = arith.constant 0 : i32
    %dma_start3A_342 = arith.constant 0 : i32
    %dma_start3A_343 = tpu.memref_slice %arg2[%dma_start3A_341, %dma_start3A_342] : memref<1000000x64xf32, #tpu.memory_space<hbm>> -> memref<1000000x64xf32, #tpu.memory_space<hbm>>
    tpu.enqueue_indirect_dma source(%dma_start3A_343 : memref<1000000x64xf32, #tpu.memory_space<hbm>>) target(%dma_start3A_337 : memref<32x64xf32, #tpu.memory_space<vmem>>) offsets(%dma_start3A_340 : memref<32xi32, #tpu.memory_space<vmem>>) semaphore(%arg14 : memref<!tpu.dma_semaphore, #tpu.memory_space<semaphore_mem>>)
    %dma_start3A_344 = arith.constant 34 : i32
    %dma_start3A_345 = arith.constant 128 : i32
    %dma_start3A_346 = arith.constant 0 : i32
    %dma_start3A_347 = tpu.memref_slice %arg9[%dma_start3A_345, %dma_start3A_346] : memref<320x64xf32, #tpu.memory_space<vmem>> -> memref<32x64xf32, #tpu.memory_space<vmem>>
    %dma_start3A_348 = arith.constant 0 : i32
    %dma_start3A_349 = tpu.memref_slice %arg5[%dma_start3A_344, %dma_start3A_348] : memref<800x32xi32, #tpu.memory_space<vmem>> -> memref<1x32xi32, #tpu.memory_space<vmem>>
    %dma_start3A_350 = tpu.memref_squeeze %dma_start3A_349 : memref<1x32xi32, #tpu.memory_space<vmem>> -> memref<32xi32, #tpu.memory_space<vmem>>
    %dma_start3A_351 = arith.constant 0 : i32
    %dma_start3A_352 = arith.constant 0 : i32
    %dma_start3A_353 = tpu.memref_slice %arg2[%dma_start3A_351, %dma_start3A_352] : memref<1000000x64xf32, #tpu.memory_space<hbm>> -> memref<1000000x64xf32, #tpu.memory_space<hbm>>
    tpu.enqueue_indirect_dma source(%dma_start3A_353 : memref<1000000x64xf32, #tpu.memory_space<hbm>>) target(%dma_start3A_347 : memref<32x64xf32, #tpu.memory_space<vmem>>) offsets(%dma_start3A_350 : memref<32xi32, #tpu.memory_space<vmem>>) semaphore(%arg14 : memref<!tpu.dma_semaphore, #tpu.memory_space<semaphore_mem>>)
    %dma_start3A_354 = arith.constant 35 : i32
    %dma_start3A_355 = arith.constant 160 : i32
    %dma_start3A_356 = arith.constant 0 : i32
    %dma_start3A_357 = tpu.memref_slice %arg9[%dma_start3A_355, %dma_start3A_356] : memref<320x64xf32, #tpu.memory_space<vmem>> -> memref<32x64xf32, #tpu.memory_space<vmem>>
    %dma_start3A_358 = arith.constant 0 : i32
    %dma_start3A_359 = tpu.memref_slice %arg5[%dma_start3A_354, %dma_start3A_358] : memref<800x32xi32, #tpu.memory_space<vmem>> -> memref<1x32xi32, #tpu.memory_space<vmem>>
    %dma_start3A_360 = tpu.memref_squeeze %dma_start3A_359 : memref<1x32xi32, #tpu.memory_space<vmem>> -> memref<32xi32, #tpu.memory_space<vmem>>
    %dma_start3A_361 = arith.constant 0 : i32
    %dma_start3A_362 = arith.constant 0 : i32
    %dma_start3A_363 = tpu.memref_slice %arg2[%dma_start3A_361, %dma_start3A_362] : memref<1000000x64xf32, #tpu.memory_space<hbm>> -> memref<1000000x64xf32, #tpu.memory_space<hbm>>
    tpu.enqueue_indirect_dma source(%dma_start3A_363 : memref<1000000x64xf32, #tpu.memory_space<hbm>>) target(%dma_start3A_357 : memref<32x64xf32, #tpu.memory_space<vmem>>) offsets(%dma_start3A_360 : memref<32xi32, #tpu.memory_space<vmem>>) semaphore(%arg14 : memref<!tpu.dma_semaphore, #tpu.memory_space<semaphore_mem>>)
    %dma_start3A_364 = arith.constant 36 : i32
    %dma_start3A_365 = arith.constant 192 : i32
    %dma_start3A_366 = arith.constant 0 : i32
    %dma_start3A_367 = tpu.memref_slice %arg9[%dma_start3A_365, %dma_start3A_366] : memref<320x64xf32, #tpu.memory_space<vmem>> -> memref<32x64xf32, #tpu.memory_space<vmem>>
    %dma_start3A_368 = arith.constant 0 : i32
    %dma_start3A_369 = tpu.memref_slice %arg5[%dma_start3A_364, %dma_start3A_368] : memref<800x32xi32, #tpu.memory_space<vmem>> -> memref<1x32xi32, #tpu.memory_space<vmem>>
    %dma_start3A_370 = tpu.memref_squeeze %dma_start3A_369 : memref<1x32xi32, #tpu.memory_space<vmem>> -> memref<32xi32, #tpu.memory_space<vmem>>
    %dma_start3A_371 = arith.constant 0 : i32
    %dma_start3A_372 = arith.constant 0 : i32
    %dma_start3A_373 = tpu.memref_slice %arg2[%dma_start3A_371, %dma_start3A_372] : memref<1000000x64xf32, #tpu.memory_space<hbm>> -> memref<1000000x64xf32, #tpu.memory_space<hbm>>
    tpu.enqueue_indirect_dma source(%dma_start3A_373 : memref<1000000x64xf32, #tpu.memory_space<hbm>>) target(%dma_start3A_367 : memref<32x64xf32, #tpu.memory_space<vmem>>) offsets(%dma_start3A_370 : memref<32xi32, #tpu.memory_space<vmem>>) semaphore(%arg14 : memref<!tpu.dma_semaphore, #tpu.memory_space<semaphore_mem>>)
    %dma_start3A_374 = arith.constant 37 : i32
    %dma_start3A_375 = arith.constant 224 : i32
    %dma_start3A_376 = arith.constant 0 : i32
    %dma_start3A_377 = tpu.memref_slice %arg9[%dma_start3A_375, %dma_start3A_376] : memref<320x64xf32, #tpu.memory_space<vmem>> -> memref<32x64xf32, #tpu.memory_space<vmem>>
    %dma_start3A_378 = arith.constant 0 : i32
    %dma_start3A_379 = tpu.memref_slice %arg5[%dma_start3A_374, %dma_start3A_378] : memref<800x32xi32, #tpu.memory_space<vmem>> -> memref<1x32xi32, #tpu.memory_space<vmem>>
    %dma_start3A_380 = tpu.memref_squeeze %dma_start3A_379 : memref<1x32xi32, #tpu.memory_space<vmem>> -> memref<32xi32, #tpu.memory_space<vmem>>
    %dma_start3A_381 = arith.constant 0 : i32
    %dma_start3A_382 = arith.constant 0 : i32
    %dma_start3A_383 = tpu.memref_slice %arg2[%dma_start3A_381, %dma_start3A_382] : memref<1000000x64xf32, #tpu.memory_space<hbm>> -> memref<1000000x64xf32, #tpu.memory_space<hbm>>
    tpu.enqueue_indirect_dma source(%dma_start3A_383 : memref<1000000x64xf32, #tpu.memory_space<hbm>>) target(%dma_start3A_377 : memref<32x64xf32, #tpu.memory_space<vmem>>) offsets(%dma_start3A_380 : memref<32xi32, #tpu.memory_space<vmem>>) semaphore(%arg14 : memref<!tpu.dma_semaphore, #tpu.memory_space<semaphore_mem>>)
    %dma_start3A_384 = arith.constant 38 : i32
    %dma_start3A_385 = arith.constant 256 : i32
    %dma_start3A_386 = arith.constant 0 : i32
    %dma_start3A_387 = tpu.memref_slice %arg9[%dma_start3A_385, %dma_start3A_386] : memref<320x64xf32, #tpu.memory_space<vmem>> -> memref<32x64xf32, #tpu.memory_space<vmem>>
    %dma_start3A_388 = arith.constant 0 : i32
    %dma_start3A_389 = tpu.memref_slice %arg5[%dma_start3A_384, %dma_start3A_388] : memref<800x32xi32, #tpu.memory_space<vmem>> -> memref<1x32xi32, #tpu.memory_space<vmem>>
    %dma_start3A_390 = tpu.memref_squeeze %dma_start3A_389 : memref<1x32xi32, #tpu.memory_space<vmem>> -> memref<32xi32, #tpu.memory_space<vmem>>
    %dma_start3A_391 = arith.constant 0 : i32
    %dma_start3A_392 = arith.constant 0 : i32
    %dma_start3A_393 = tpu.memref_slice %arg2[%dma_start3A_391, %dma_start3A_392] : memref<1000000x64xf32, #tpu.memory_space<hbm>> -> memref<1000000x64xf32, #tpu.memory_space<hbm>>
    tpu.enqueue_indirect_dma source(%dma_start3A_393 : memref<1000000x64xf32, #tpu.memory_space<hbm>>) target(%dma_start3A_387 : memref<32x64xf32, #tpu.memory_space<vmem>>) offsets(%dma_start3A_390 : memref<32xi32, #tpu.memory_space<vmem>>) semaphore(%arg14 : memref<!tpu.dma_semaphore, #tpu.memory_space<semaphore_mem>>)
    %dma_start3A_394 = arith.constant 39 : i32
    %dma_start3A_395 = arith.constant 288 : i32
    %dma_start3A_396 = arith.constant 0 : i32
    %dma_start3A_397 = tpu.memref_slice %arg9[%dma_start3A_395, %dma_start3A_396] : memref<320x64xf32, #tpu.memory_space<vmem>> -> memref<32x64xf32, #tpu.memory_space<vmem>>
    %dma_start3A_398 = arith.constant 0 : i32
    %dma_start3A_399 = tpu.memref_slice %arg5[%dma_start3A_394, %dma_start3A_398] : memref<800x32xi32, #tpu.memory_space<vmem>> -> memref<1x32xi32, #tpu.memory_space<vmem>>
    %dma_start3A_400 = tpu.memref_squeeze %dma_start3A_399 : memref<1x32xi32, #tpu.memory_space<vmem>> -> memref<32xi32, #tpu.memory_space<vmem>>
    %dma_start3A_401 = arith.constant 0 : i32
    %dma_start3A_402 = arith.constant 0 : i32
    %dma_start3A_403 = tpu.memref_slice %arg2[%dma_start3A_401, %dma_start3A_402] : memref<1000000x64xf32, #tpu.memory_space<hbm>> -> memref<1000000x64xf32, #tpu.memory_space<hbm>>
    tpu.enqueue_indirect_dma source(%dma_start3A_403 : memref<1000000x64xf32, #tpu.memory_space<hbm>>) target(%dma_start3A_397 : memref<32x64xf32, #tpu.memory_space<vmem>>) offsets(%dma_start3A_400 : memref<32xi32, #tpu.memory_space<vmem>>) semaphore(%arg14 : memref<!tpu.dma_semaphore, #tpu.memory_space<semaphore_mem>>)
    %dma_start3A_404 = arith.constant 40 : i32
    %dma_start3A_405 = arith.constant 0 : i32
    %dma_start3A_406 = arith.constant 0 : i32
    %dma_start3A_407 = tpu.memref_slice %arg10[%dma_start3A_405, %dma_start3A_406] : memref<320x64xf32, #tpu.memory_space<vmem>> -> memref<32x64xf32, #tpu.memory_space<vmem>>
    %dma_start3A_408 = arith.constant 0 : i32
    %dma_start3A_409 = tpu.memref_slice %arg5[%dma_start3A_404, %dma_start3A_408] : memref<800x32xi32, #tpu.memory_space<vmem>> -> memref<1x32xi32, #tpu.memory_space<vmem>>
    %dma_start3A_410 = tpu.memref_squeeze %dma_start3A_409 : memref<1x32xi32, #tpu.memory_space<vmem>> -> memref<32xi32, #tpu.memory_space<vmem>>
    %dma_start3A_411 = arith.constant 0 : i32
    %dma_start3A_412 = arith.constant 0 : i32
    %dma_start3A_413 = tpu.memref_slice %arg2[%dma_start3A_411, %dma_start3A_412] : memref<1000000x64xf32, #tpu.memory_space<hbm>> -> memref<1000000x64xf32, #tpu.memory_space<hbm>>
    tpu.enqueue_indirect_dma source(%dma_start3A_413 : memref<1000000x64xf32, #tpu.memory_space<hbm>>) target(%dma_start3A_407 : memref<32x64xf32, #tpu.memory_space<vmem>>) offsets(%dma_start3A_410 : memref<32xi32, #tpu.memory_space<vmem>>) semaphore(%arg15 : memref<!tpu.dma_semaphore, #tpu.memory_space<semaphore_mem>>)
    %dma_start3A_414 = arith.constant 41 : i32
    %dma_start3A_415 = arith.constant 32 : i32
    %dma_start3A_416 = arith.constant 0 : i32
    %dma_start3A_417 = tpu.memref_slice %arg10[%dma_start3A_415, %dma_start3A_416] : memref<320x64xf32, #tpu.memory_space<vmem>> -> memref<32x64xf32, #tpu.memory_space<vmem>>
    %dma_start3A_418 = arith.constant 0 : i32
    %dma_start3A_419 = tpu.memref_slice %arg5[%dma_start3A_414, %dma_start3A_418] : memref<800x32xi32, #tpu.memory_space<vmem>> -> memref<1x32xi32, #tpu.memory_space<vmem>>
    %dma_start3A_420 = tpu.memref_squeeze %dma_start3A_419 : memref<1x32xi32, #tpu.memory_space<vmem>> -> memref<32xi32, #tpu.memory_space<vmem>>
    %dma_start3A_421 = arith.constant 0 : i32
    %dma_start3A_422 = arith.constant 0 : i32
    %dma_start3A_423 = tpu.memref_slice %arg2[%dma_start3A_421, %dma_start3A_422] : memref<1000000x64xf32, #tpu.memory_space<hbm>> -> memref<1000000x64xf32, #tpu.memory_space<hbm>>
    tpu.enqueue_indirect_dma source(%dma_start3A_423 : memref<1000000x64xf32, #tpu.memory_space<hbm>>) target(%dma_start3A_417 : memref<32x64xf32, #tpu.memory_space<vmem>>) offsets(%dma_start3A_420 : memref<32xi32, #tpu.memory_space<vmem>>) semaphore(%arg15 : memref<!tpu.dma_semaphore, #tpu.memory_space<semaphore_mem>>)
    %dma_start3A_424 = arith.constant 42 : i32
    %dma_start3A_425 = arith.constant 64 : i32
    %dma_start3A_426 = arith.constant 0 : i32
    %dma_start3A_427 = tpu.memref_slice %arg10[%dma_start3A_425, %dma_start3A_426] : memref<320x64xf32, #tpu.memory_space<vmem>> -> memref<32x64xf32, #tpu.memory_space<vmem>>
    %dma_start3A_428 = arith.constant 0 : i32
    %dma_start3A_429 = tpu.memref_slice %arg5[%dma_start3A_424, %dma_start3A_428] : memref<800x32xi32, #tpu.memory_space<vmem>> -> memref<1x32xi32, #tpu.memory_space<vmem>>
    %dma_start3A_430 = tpu.memref_squeeze %dma_start3A_429 : memref<1x32xi32, #tpu.memory_space<vmem>> -> memref<32xi32, #tpu.memory_space<vmem>>
    %dma_start3A_431 = arith.constant 0 : i32
    %dma_start3A_432 = arith.constant 0 : i32
    %dma_start3A_433 = tpu.memref_slice %arg2[%dma_start3A_431, %dma_start3A_432] : memref<1000000x64xf32, #tpu.memory_space<hbm>> -> memref<1000000x64xf32, #tpu.memory_space<hbm>>
    tpu.enqueue_indirect_dma source(%dma_start3A_433 : memref<1000000x64xf32, #tpu.memory_space<hbm>>) target(%dma_start3A_427 : memref<32x64xf32, #tpu.memory_space<vmem>>) offsets(%dma_start3A_430 : memref<32xi32, #tpu.memory_space<vmem>>) semaphore(%arg15 : memref<!tpu.dma_semaphore, #tpu.memory_space<semaphore_mem>>)
    %dma_start3A_434 = arith.constant 43 : i32
    %dma_start3A_435 = arith.constant 96 : i32
    %dma_start3A_436 = arith.constant 0 : i32
    %dma_start3A_437 = tpu.memref_slice %arg10[%dma_start3A_435, %dma_start3A_436] : memref<320x64xf32, #tpu.memory_space<vmem>> -> memref<32x64xf32, #tpu.memory_space<vmem>>
    %dma_start3A_438 = arith.constant 0 : i32
    %dma_start3A_439 = tpu.memref_slice %arg5[%dma_start3A_434, %dma_start3A_438] : memref<800x32xi32, #tpu.memory_space<vmem>> -> memref<1x32xi32, #tpu.memory_space<vmem>>
    %dma_start3A_440 = tpu.memref_squeeze %dma_start3A_439 : memref<1x32xi32, #tpu.memory_space<vmem>> -> memref<32xi32, #tpu.memory_space<vmem>>
    %dma_start3A_441 = arith.constant 0 : i32
    %dma_start3A_442 = arith.constant 0 : i32
    %dma_start3A_443 = tpu.memref_slice %arg2[%dma_start3A_441, %dma_start3A_442] : memref<1000000x64xf32, #tpu.memory_space<hbm>> -> memref<1000000x64xf32, #tpu.memory_space<hbm>>
    tpu.enqueue_indirect_dma source(%dma_start3A_443 : memref<1000000x64xf32, #tpu.memory_space<hbm>>) target(%dma_start3A_437 : memref<32x64xf32, #tpu.memory_space<vmem>>) offsets(%dma_start3A_440 : memref<32xi32, #tpu.memory_space<vmem>>) semaphore(%arg15 : memref<!tpu.dma_semaphore, #tpu.memory_space<semaphore_mem>>)
    %dma_start3A_444 = arith.constant 44 : i32
    %dma_start3A_445 = arith.constant 128 : i32
    %dma_start3A_446 = arith.constant 0 : i32
    %dma_start3A_447 = tpu.memref_slice %arg10[%dma_start3A_445, %dma_start3A_446] : memref<320x64xf32, #tpu.memory_space<vmem>> -> memref<32x64xf32, #tpu.memory_space<vmem>>
    %dma_start3A_448 = arith.constant 0 : i32
    %dma_start3A_449 = tpu.memref_slice %arg5[%dma_start3A_444, %dma_start3A_448] : memref<800x32xi32, #tpu.memory_space<vmem>> -> memref<1x32xi32, #tpu.memory_space<vmem>>
    %dma_start3A_450 = tpu.memref_squeeze %dma_start3A_449 : memref<1x32xi32, #tpu.memory_space<vmem>> -> memref<32xi32, #tpu.memory_space<vmem>>
    %dma_start3A_451 = arith.constant 0 : i32
    %dma_start3A_452 = arith.constant 0 : i32
    %dma_start3A_453 = tpu.memref_slice %arg2[%dma_start3A_451, %dma_start3A_452] : memref<1000000x64xf32, #tpu.memory_space<hbm>> -> memref<1000000x64xf32, #tpu.memory_space<hbm>>
    tpu.enqueue_indirect_dma source(%dma_start3A_453 : memref<1000000x64xf32, #tpu.memory_space<hbm>>) target(%dma_start3A_447 : memref<32x64xf32, #tpu.memory_space<vmem>>) offsets(%dma_start3A_450 : memref<32xi32, #tpu.memory_space<vmem>>) semaphore(%arg15 : memref<!tpu.dma_semaphore, #tpu.memory_space<semaphore_mem>>)
    %dma_start3A_454 = arith.constant 45 : i32
    %dma_start3A_455 = arith.constant 160 : i32
    %dma_start3A_456 = arith.constant 0 : i32
    %dma_start3A_457 = tpu.memref_slice %arg10[%dma_start3A_455, %dma_start3A_456] : memref<320x64xf32, #tpu.memory_space<vmem>> -> memref<32x64xf32, #tpu.memory_space<vmem>>
    %dma_start3A_458 = arith.constant 0 : i32
    %dma_start3A_459 = tpu.memref_slice %arg5[%dma_start3A_454, %dma_start3A_458] : memref<800x32xi32, #tpu.memory_space<vmem>> -> memref<1x32xi32, #tpu.memory_space<vmem>>
    %dma_start3A_460 = tpu.memref_squeeze %dma_start3A_459 : memref<1x32xi32, #tpu.memory_space<vmem>> -> memref<32xi32, #tpu.memory_space<vmem>>
    %dma_start3A_461 = arith.constant 0 : i32
    %dma_start3A_462 = arith.constant 0 : i32
    %dma_start3A_463 = tpu.memref_slice %arg2[%dma_start3A_461, %dma_start3A_462] : memref<1000000x64xf32, #tpu.memory_space<hbm>> -> memref<1000000x64xf32, #tpu.memory_space<hbm>>
    tpu.enqueue_indirect_dma source(%dma_start3A_463 : memref<1000000x64xf32, #tpu.memory_space<hbm>>) target(%dma_start3A_457 : memref<32x64xf32, #tpu.memory_space<vmem>>) offsets(%dma_start3A_460 : memref<32xi32, #tpu.memory_space<vmem>>) semaphore(%arg15 : memref<!tpu.dma_semaphore, #tpu.memory_space<semaphore_mem>>)
    %dma_start3A_464 = arith.constant 46 : i32
    %dma_start3A_465 = arith.constant 192 : i32
    %dma_start3A_466 = arith.constant 0 : i32
    %dma_start3A_467 = tpu.memref_slice %arg10[%dma_start3A_465, %dma_start3A_466] : memref<320x64xf32, #tpu.memory_space<vmem>> -> memref<32x64xf32, #tpu.memory_space<vmem>>
    %dma_start3A_468 = arith.constant 0 : i32
    %dma_start3A_469 = tpu.memref_slice %arg5[%dma_start3A_464, %dma_start3A_468] : memref<800x32xi32, #tpu.memory_space<vmem>> -> memref<1x32xi32, #tpu.memory_space<vmem>>
    %dma_start3A_470 = tpu.memref_squeeze %dma_start3A_469 : memref<1x32xi32, #tpu.memory_space<vmem>> -> memref<32xi32, #tpu.memory_space<vmem>>
    %dma_start3A_471 = arith.constant 0 : i32
    %dma_start3A_472 = arith.constant 0 : i32
    %dma_start3A_473 = tpu.memref_slice %arg2[%dma_start3A_471, %dma_start3A_472] : memref<1000000x64xf32, #tpu.memory_space<hbm>> -> memref<1000000x64xf32, #tpu.memory_space<hbm>>
    tpu.enqueue_indirect_dma source(%dma_start3A_473 : memref<1000000x64xf32, #tpu.memory_space<hbm>>) target(%dma_start3A_467 : memref<32x64xf32, #tpu.memory_space<vmem>>) offsets(%dma_start3A_470 : memref<32xi32, #tpu.memory_space<vmem>>) semaphore(%arg15 : memref<!tpu.dma_semaphore, #tpu.memory_space<semaphore_mem>>)
    %dma_start3A_474 = arith.constant 47 : i32
    %dma_start3A_475 = arith.constant 224 : i32
    %dma_start3A_476 = arith.constant 0 : i32
    %dma_start3A_477 = tpu.memref_slice %arg10[%dma_start3A_475, %dma_start3A_476] : memref<320x64xf32, #tpu.memory_space<vmem>> -> memref<32x64xf32, #tpu.memory_space<vmem>>
    %dma_start3A_478 = arith.constant 0 : i32
    %dma_start3A_479 = tpu.memref_slice %arg5[%dma_start3A_474, %dma_start3A_478] : memref<800x32xi32, #tpu.memory_space<vmem>> -> memref<1x32xi32, #tpu.memory_space<vmem>>
    %dma_start3A_480 = tpu.memref_squeeze %dma_start3A_479 : memref<1x32xi32, #tpu.memory_space<vmem>> -> memref<32xi32, #tpu.memory_space<vmem>>
    %dma_start3A_481 = arith.constant 0 : i32
    %dma_start3A_482 = arith.constant 0 : i32
    %dma_start3A_483 = tpu.memref_slice %arg2[%dma_start3A_481, %dma_start3A_482] : memref<1000000x64xf32, #tpu.memory_space<hbm>> -> memref<1000000x64xf32, #tpu.memory_space<hbm>>
    tpu.enqueue_indirect_dma source(%dma_start3A_483 : memref<1000000x64xf32, #tpu.memory_space<hbm>>) target(%dma_start3A_477 : memref<32x64xf32, #tpu.memory_space<vmem>>) offsets(%dma_start3A_480 : memref<32xi32, #tpu.memory_space<vmem>>) semaphore(%arg15 : memref<!tpu.dma_semaphore, #tpu.memory_space<semaphore_mem>>)
    %dma_start3A_484 = arith.constant 48 : i32
    %dma_start3A_485 = arith.constant 256 : i32
    %dma_start3A_486 = arith.constant 0 : i32
    %dma_start3A_487 = tpu.memref_slice %arg10[%dma_start3A_485, %dma_start3A_486] : memref<320x64xf32, #tpu.memory_space<vmem>> -> memref<32x64xf32, #tpu.memory_space<vmem>>
    %dma_start3A_488 = arith.constant 0 : i32
    %dma_start3A_489 = tpu.memref_slice %arg5[%dma_start3A_484, %dma_start3A_488] : memref<800x32xi32, #tpu.memory_space<vmem>> -> memref<1x32xi32, #tpu.memory_space<vmem>>
    %dma_start3A_490 = tpu.memref_squeeze %dma_start3A_489 : memref<1x32xi32, #tpu.memory_space<vmem>> -> memref<32xi32, #tpu.memory_space<vmem>>
    %dma_start3A_491 = arith.constant 0 : i32
    %dma_start3A_492 = arith.constant 0 : i32
    %dma_start3A_493 = tpu.memref_slice %arg2[%dma_start3A_491, %dma_start3A_492] : memref<1000000x64xf32, #tpu.memory_space<hbm>> -> memref<1000000x64xf32, #tpu.memory_space<hbm>>
    tpu.enqueue_indirect_dma source(%dma_start3A_493 : memref<1000000x64xf32, #tpu.memory_space<hbm>>) target(%dma_start3A_487 : memref<32x64xf32, #tpu.memory_space<vmem>>) offsets(%dma_start3A_490 : memref<32xi32, #tpu.memory_space<vmem>>) semaphore(%arg15 : memref<!tpu.dma_semaphore, #tpu.memory_space<semaphore_mem>>)
    %dma_start3A_494 = arith.constant 49 : i32
    %dma_start3A_495 = arith.constant 288 : i32
    %dma_start3A_496 = arith.constant 0 : i32
    %dma_start3A_497 = tpu.memref_slice %arg10[%dma_start3A_495, %dma_start3A_496] : memref<320x64xf32, #tpu.memory_space<vmem>> -> memref<32x64xf32, #tpu.memory_space<vmem>>
    %dma_start3A_498 = arith.constant 0 : i32
    %dma_start3A_499 = tpu.memref_slice %arg5[%dma_start3A_494, %dma_start3A_498] : memref<800x32xi32, #tpu.memory_space<vmem>> -> memref<1x32xi32, #tpu.memory_space<vmem>>
    %dma_start3A_500 = tpu.memref_squeeze %dma_start3A_499 : memref<1x32xi32, #tpu.memory_space<vmem>> -> memref<32xi32, #tpu.memory_space<vmem>>
    %dma_start3A_501 = arith.constant 0 : i32
    %dma_start3A_502 = arith.constant 0 : i32
    %dma_start3A_503 = tpu.memref_slice %arg2[%dma_start3A_501, %dma_start3A_502] : memref<1000000x64xf32, #tpu.memory_space<hbm>> -> memref<1000000x64xf32, #tpu.memory_space<hbm>>
    tpu.enqueue_indirect_dma source(%dma_start3A_503 : memref<1000000x64xf32, #tpu.memory_space<hbm>>) target(%dma_start3A_497 : memref<32x64xf32, #tpu.memory_space<vmem>>) offsets(%dma_start3A_500 : memref<32xi32, #tpu.memory_space<vmem>>) semaphore(%arg15 : memref<!tpu.dma_semaphore, #tpu.memory_space<semaphore_mem>>)
    %dma_wait3A = arith.constant 0 : i32
    %dma_wait3A_504 = arith.constant 0 : i32
    %dma_wait3A_505 = tpu.memref_slice %arg2[%dma_wait3A, %dma_wait3A_504] : memref<1000000x64xf32, #tpu.memory_space<hbm>> -> memref<320x64xf32, #tpu.memory_space<hbm>>
    %dma_wait3A_506 = arith.constant 0 : i32
    %dma_wait3A_507 = arith.constant 0 : i32
    %dma_wait3A_508 = tpu.memref_slice %arg2[%dma_wait3A_506, %dma_wait3A_507] : memref<1000000x64xf32, #tpu.memory_space<hbm>> -> memref<320x64xf32, #tpu.memory_space<hbm>>
    tpu.wait_dma2 semaphore(%arg11 : memref<!tpu.dma_semaphore, #tpu.memory_space<semaphore_mem>>) src(%dma_wait3A_508 : memref<320x64xf32, #tpu.memory_space<hbm>>) dst(%arg6 : memref<320x64xf32, #tpu.memory_space<vmem>>)
    %add3A_509 = arith.constant 0 : i32
    %add3A_510 = arith.addi %mul3A_2, %add3A_509 : i32
    %dma_start3A_511 = arith.constant 0 : i32
    %dma_start3A_512 = tpu.memref_slice %arg4[%add3A_510, %dma_start3A_511] : memref<819200x64xf32, #tpu.memory_space<hbm>> -> memref<320x64xf32, #tpu.memory_space<hbm>>
    %dma_start3A_513 = arith.constant 0 : i32
    %dma_start3A_514 = tpu.memref_slice %arg4[%add3A_510, %dma_start3A_513] : memref<819200x64xf32, #tpu.memory_space<hbm>> -> memref<320x64xf32, #tpu.memory_space<hbm>>
    tpu.enqueue_dma source(%arg6 : memref<320x64xf32, #tpu.memory_space<vmem>>) target(%dma_start3A_514 : memref<320x64xf32, #tpu.memory_space<hbm>>) target_semaphore(%arg16 : memref<!tpu.dma_semaphore, #tpu.memory_space<semaphore_mem>>)
    %scan3A = arith.constant 0 : i32
    %scan3A_515 = arith.constant 0 : i32
    %scan3A_516 = arith.constant 15 : i32
    %scan3A_517 = arith.addi %scan3A_515, %scan3A_516 : i32
    %scan3A_518 = arith.constant 1 : i32
    scf.for %scan3A_598 = %scan3A_515 to %scan3A_517 step %scan3A_518  : i32 {
      %mul3A_599 = arith.constant 5 : i32
      %mul3A_600 = arith.muli %scan3A_598, %mul3A_599 : i32
      %add3A_601 = arith.constant 1 : i32
      %add3A_602 = arith.addi %add3A_601, %mul3A_600 : i32
      %add3A_603 = arith.constant 0 : i32
      %add3A_604 = arith.addi %add3A_602, %add3A_603 : i32
      %dma_wait3A_605 = arith.constant 0 : i32
      %dma_wait3A_606 = arith.constant 0 : i32
      %dma_wait3A_607 = tpu.memref_slice %arg4[%dma_wait3A_605, %dma_wait3A_606] : memref<819200x64xf32, #tpu.memory_space<hbm>> -> memref<320x64xf32, #tpu.memory_space<hbm>>
      %dma_wait3A_608 = arith.constant 0 : i32
      %dma_wait3A_609 = arith.constant 0 : i32
      %dma_wait3A_610 = tpu.memref_slice %arg4[%dma_wait3A_608, %dma_wait3A_609] : memref<819200x64xf32, #tpu.memory_space<hbm>> -> memref<320x64xf32, #tpu.memory_space<hbm>>
      tpu.wait_dma2 semaphore(%arg16 : memref<!tpu.dma_semaphore, #tpu.memory_space<semaphore_mem>>) src(%arg6 : memref<320x64xf32, #tpu.memory_space<vmem>>) dst(%dma_wait3A_610 : memref<320x64xf32, #tpu.memory_space<hbm>>)
      %add3A_611 = arith.constant 5 : i32
      %add3A_612 = arith.addi %add3A_604, %add3A_611 : i32
      %sub3A = arith.constant 1 : i32
      %sub3A_613 = arith.subi %add3A_612, %sub3A : i32
      %mul3A_614 = arith.constant 10 : i32
      %mul3A_615 = arith.muli %sub3A_613, %mul3A_614 : i32
      %add3A_616 = arith.constant 0 : i32
      %add3A_617 = arith.addi %mul3A_615, %add3A_616 : i32
      %dma_start3A_618 = arith.constant 0 : i32
      %dma_start3A_619 = arith.constant 0 : i32
      %dma_start3A_620 = tpu.memref_slice %arg6[%dma_start3A_618, %dma_start3A_619] : memref<320x64xf32, #tpu.memory_space<vmem>> -> memref<32x64xf32, #tpu.memory_space<vmem>>
      %dma_start3A_621 = arith.constant 0 : i32
      %dma_start3A_622 = tpu.memref_slice %arg5[%add3A_617, %dma_start3A_621] : memref<800x32xi32, #tpu.memory_space<vmem>> -> memref<1x32xi32, #tpu.memory_space<vmem>>
      %dma_start3A_623 = tpu.memref_squeeze %dma_start3A_622 : memref<1x32xi32, #tpu.memory_space<vmem>> -> memref<32xi32, #tpu.memory_space<vmem>>
      %dma_start3A_624 = arith.constant 0 : i32
      %dma_start3A_625 = arith.constant 0 : i32
      %dma_start3A_626 = tpu.memref_slice %arg2[%dma_start3A_624, %dma_start3A_625] : memref<1000000x64xf32, #tpu.memory_space<hbm>> -> memref<1000000x64xf32, #tpu.memory_space<hbm>>
      tpu.enqueue_indirect_dma source(%dma_start3A_626 : memref<1000000x64xf32, #tpu.memory_space<hbm>>) target(%dma_start3A_620 : memref<32x64xf32, #tpu.memory_space<vmem>>) offsets(%dma_start3A_623 : memref<32xi32, #tpu.memory_space<vmem>>) semaphore(%arg11 : memref<!tpu.dma_semaphore, #tpu.memory_space<semaphore_mem>>)
      %mul3A_627 = arith.constant 10 : i32
      %mul3A_628 = arith.muli %sub3A_613, %mul3A_627 : i32
      %add3A_629 = arith.constant 1 : i32
      %add3A_630 = arith.addi %mul3A_628, %add3A_629 : i32
      %dma_start3A_631 = arith.constant 32 : i32
      %dma_start3A_632 = arith.constant 0 : i32
      %dma_start3A_633 = tpu.memref_slice %arg6[%dma_start3A_631, %dma_start3A_632] : memref<320x64xf32, #tpu.memory_space<vmem>> -> memref<32x64xf32, #tpu.memory_space<vmem>>
      %dma_start3A_634 = arith.constant 0 : i32
      %dma_start3A_635 = tpu.memref_slice %arg5[%add3A_630, %dma_start3A_634] : memref<800x32xi32, #tpu.memory_space<vmem>> -> memref<1x32xi32, #tpu.memory_space<vmem>>
      %dma_start3A_636 = tpu.memref_squeeze %dma_start3A_635 : memref<1x32xi32, #tpu.memory_space<vmem>> -> memref<32xi32, #tpu.memory_space<vmem>>
      %dma_start3A_637 = arith.constant 0 : i32
      %dma_start3A_638 = arith.constant 0 : i32
      %dma_start3A_639 = tpu.memref_slice %arg2[%dma_start3A_637, %dma_start3A_638] : memref<1000000x64xf32, #tpu.memory_space<hbm>> -> memref<1000000x64xf32, #tpu.memory_space<hbm>>
      tpu.enqueue_indirect_dma source(%dma_start3A_639 : memref<1000000x64xf32, #tpu.memory_space<hbm>>) target(%dma_start3A_633 : memref<32x64xf32, #tpu.memory_space<vmem>>) offsets(%dma_start3A_636 : memref<32xi32, #tpu.memory_space<vmem>>) semaphore(%arg11 : memref<!tpu.dma_semaphore, #tpu.memory_space<semaphore_mem>>)
      %mul3A_640 = arith.constant 10 : i32
      %mul3A_641 = arith.muli %sub3A_613, %mul3A_640 : i32
      %add3A_642 = arith.constant 2 : i32
      %add3A_643 = arith.addi %mul3A_641, %add3A_642 : i32
      %dma_start3A_644 = arith.constant 64 : i32
      %dma_start3A_645 = arith.constant 0 : i32
      %dma_start3A_646 = tpu.memref_slice %arg6[%dma_start3A_644, %dma_start3A_645] : memref<320x64xf32, #tpu.memory_space<vmem>> -> memref<32x64xf32, #tpu.memory_space<vmem>>
      %dma_start3A_647 = arith.constant 0 : i32
      %dma_start3A_648 = tpu.memref_slice %arg5[%add3A_643, %dma_start3A_647] : memref<800x32xi32, #tpu.memory_space<vmem>> -> memref<1x32xi32, #tpu.memory_space<vmem>>
      %dma_start3A_649 = tpu.memref_squeeze %dma_start3A_648 : memref<1x32xi32, #tpu.memory_space<vmem>> -> memref<32xi32, #tpu.memory_space<vmem>>
      %dma_start3A_650 = arith.constant 0 : i32
      %dma_start3A_651 = arith.constant 0 : i32
      %dma_start3A_652 = tpu.memref_slice %arg2[%dma_start3A_650, %dma_start3A_651] : memref<1000000x64xf32, #tpu.memory_space<hbm>> -> memref<1000000x64xf32, #tpu.memory_space<hbm>>
      tpu.enqueue_indirect_dma source(%dma_start3A_652 : memref<1000000x64xf32, #tpu.memory_space<hbm>>) target(%dma_start3A_646 : memref<32x64xf32, #tpu.memory_space<vmem>>) offsets(%dma_start3A_649 : memref<32xi32, #tpu.memory_space<vmem>>) semaphore(%arg11 : memref<!tpu.dma_semaphore, #tpu.memory_space<semaphore_mem>>)
      %mul3A_653 = arith.constant 10 : i32
      %mul3A_654 = arith.muli %sub3A_613, %mul3A_653 : i32
      %add3A_655 = arith.constant 3 : i32
      %add3A_656 = arith.addi %mul3A_654, %add3A_655 : i32
      %dma_start3A_657 = arith.constant 96 : i32
      %dma_start3A_658 = arith.constant 0 : i32
      %dma_start3A_659 = tpu.memref_slice %arg6[%dma_start3A_657, %dma_start3A_658] : memref<320x64xf32, #tpu.memory_space<vmem>> -> memref<32x64xf32, #tpu.memory_space<vmem>>
      %dma_start3A_660 = arith.constant 0 : i32
      %dma_start3A_661 = tpu.memref_slice %arg5[%add3A_656, %dma_start3A_660] : memref<800x32xi32, #tpu.memory_space<vmem>> -> memref<1x32xi32, #tpu.memory_space<vmem>>
      %dma_start3A_662 = tpu.memref_squeeze %dma_start3A_661 : memref<1x32xi32, #tpu.memory_space<vmem>> -> memref<32xi32, #tpu.memory_space<vmem>>
      %dma_start3A_663 = arith.constant 0 : i32
      %dma_start3A_664 = arith.constant 0 : i32
      %dma_start3A_665 = tpu.memref_slice %arg2[%dma_start3A_663, %dma_start3A_664] : memref<1000000x64xf32, #tpu.memory_space<hbm>> -> memref<1000000x64xf32, #tpu.memory_space<hbm>>
      tpu.enqueue_indirect_dma source(%dma_start3A_665 : memref<1000000x64xf32, #tpu.memory_space<hbm>>) target(%dma_start3A_659 : memref<32x64xf32, #tpu.memory_space<vmem>>) offsets(%dma_start3A_662 : memref<32xi32, #tpu.memory_space<vmem>>) semaphore(%arg11 : memref<!tpu.dma_semaphore, #tpu.memory_space<semaphore_mem>>)
      %mul3A_666 = arith.constant 10 : i32
      %mul3A_667 = arith.muli %sub3A_613, %mul3A_666 : i32
      %add3A_668 = arith.constant 4 : i32
      %add3A_669 = arith.addi %mul3A_667, %add3A_668 : i32
      %dma_start3A_670 = arith.constant 128 : i32
      %dma_start3A_671 = arith.constant 0 : i32
      %dma_start3A_672 = tpu.memref_slice %arg6[%dma_start3A_670, %dma_start3A_671] : memref<320x64xf32, #tpu.memory_space<vmem>> -> memref<32x64xf32, #tpu.memory_space<vmem>>
      %dma_start3A_673 = arith.constant 0 : i32
      %dma_start3A_674 = tpu.memref_slice %arg5[%add3A_669, %dma_start3A_673] : memref<800x32xi32, #tpu.memory_space<vmem>> -> memref<1x32xi32, #tpu.memory_space<vmem>>
      %dma_start3A_675 = tpu.memref_squeeze %dma_start3A_674 : memref<1x32xi32, #tpu.memory_space<vmem>> -> memref<32xi32, #tpu.memory_space<vmem>>
      %dma_start3A_676 = arith.constant 0 : i32
      %dma_start3A_677 = arith.constant 0 : i32
      %dma_start3A_678 = tpu.memref_slice %arg2[%dma_start3A_676, %dma_start3A_677] : memref<1000000x64xf32, #tpu.memory_space<hbm>> -> memref<1000000x64xf32, #tpu.memory_space<hbm>>
      tpu.enqueue_indirect_dma source(%dma_start3A_678 : memref<1000000x64xf32, #tpu.memory_space<hbm>>) target(%dma_start3A_672 : memref<32x64xf32, #tpu.memory_space<vmem>>) offsets(%dma_start3A_675 : memref<32xi32, #tpu.memory_space<vmem>>) semaphore(%arg11 : memref<!tpu.dma_semaphore, #tpu.memory_space<semaphore_mem>>)
      %mul3A_679 = arith.constant 10 : i32
      %mul3A_680 = arith.muli %sub3A_613, %mul3A_679 : i32
      %add3A_681 = arith.constant 5 : i32
      %add3A_682 = arith.addi %mul3A_680, %add3A_681 : i32
      %dma_start3A_683 = arith.constant 160 : i32
      %dma_start3A_684 = arith.constant 0 : i32
      %dma_start3A_685 = tpu.memref_slice %arg6[%dma_start3A_683, %dma_start3A_684] : memref<320x64xf32, #tpu.memory_space<vmem>> -> memref<32x64xf32, #tpu.memory_space<vmem>>
      %dma_start3A_686 = arith.constant 0 : i32
      %dma_start3A_687 = tpu.memref_slice %arg5[%add3A_682, %dma_start3A_686] : memref<800x32xi32, #tpu.memory_space<vmem>> -> memref<1x32xi32, #tpu.memory_space<vmem>>
      %dma_start3A_688 = tpu.memref_squeeze %dma_start3A_687 : memref<1x32xi32, #tpu.memory_space<vmem>> -> memref<32xi32, #tpu.memory_space<vmem>>
      %dma_start3A_689 = arith.constant 0 : i32
      %dma_start3A_690 = arith.constant 0 : i32
      %dma_start3A_691 = tpu.memref_slice %arg2[%dma_start3A_689, %dma_start3A_690] : memref<1000000x64xf32, #tpu.memory_space<hbm>> -> memref<1000000x64xf32, #tpu.memory_space<hbm>>
      tpu.enqueue_indirect_dma source(%dma_start3A_691 : memref<1000000x64xf32, #tpu.memory_space<hbm>>) target(%dma_start3A_685 : memref<32x64xf32, #tpu.memory_space<vmem>>) offsets(%dma_start3A_688 : memref<32xi32, #tpu.memory_space<vmem>>) semaphore(%arg11 : memref<!tpu.dma_semaphore, #tpu.memory_space<semaphore_mem>>)
      %mul3A_692 = arith.constant 10 : i32
      %mul3A_693 = arith.muli %sub3A_613, %mul3A_692 : i32
      %add3A_694 = arith.constant 6 : i32
      %add3A_695 = arith.addi %mul3A_693, %add3A_694 : i32
      %dma_start3A_696 = arith.constant 192 : i32
      %dma_start3A_697 = arith.constant 0 : i32
      %dma_start3A_698 = tpu.memref_slice %arg6[%dma_start3A_696, %dma_start3A_697] : memref<320x64xf32, #tpu.memory_space<vmem>> -> memref<32x64xf32, #tpu.memory_space<vmem>>
      %dma_start3A_699 = arith.constant 0 : i32
      %dma_start3A_700 = tpu.memref_slice %arg5[%add3A_695, %dma_start3A_699] : memref<800x32xi32, #tpu.memory_space<vmem>> -> memref<1x32xi32, #tpu.memory_space<vmem>>
      %dma_start3A_701 = tpu.memref_squeeze %dma_start3A_700 : memref<1x32xi32, #tpu.memory_space<vmem>> -> memref<32xi32, #tpu.memory_space<vmem>>
      %dma_start3A_702 = arith.constant 0 : i32
      %dma_start3A_703 = arith.constant 0 : i32
      %dma_start3A_704 = tpu.memref_slice %arg2[%dma_start3A_702, %dma_start3A_703] : memref<1000000x64xf32, #tpu.memory_space<hbm>> -> memref<1000000x64xf32, #tpu.memory_space<hbm>>
      tpu.enqueue_indirect_dma source(%dma_start3A_704 : memref<1000000x64xf32, #tpu.memory_space<hbm>>) target(%dma_start3A_698 : memref<32x64xf32, #tpu.memory_space<vmem>>) offsets(%dma_start3A_701 : memref<32xi32, #tpu.memory_space<vmem>>) semaphore(%arg11 : memref<!tpu.dma_semaphore, #tpu.memory_space<semaphore_mem>>)
      %mul3A_705 = arith.constant 10 : i32
      %mul3A_706 = arith.muli %sub3A_613, %mul3A_705 : i32
      %add3A_707 = arith.constant 7 : i32
      %add3A_708 = arith.addi %mul3A_706, %add3A_707 : i32
      %dma_start3A_709 = arith.constant 224 : i32
      %dma_start3A_710 = arith.constant 0 : i32
      %dma_start3A_711 = tpu.memref_slice %arg6[%dma_start3A_709, %dma_start3A_710] : memref<320x64xf32, #tpu.memory_space<vmem>> -> memref<32x64xf32, #tpu.memory_space<vmem>>
      %dma_start3A_712 = arith.constant 0 : i32
      %dma_start3A_713 = tpu.memref_slice %arg5[%add3A_708, %dma_start3A_712] : memref<800x32xi32, #tpu.memory_space<vmem>> -> memref<1x32xi32, #tpu.memory_space<vmem>>
      %dma_start3A_714 = tpu.memref_squeeze %dma_start3A_713 : memref<1x32xi32, #tpu.memory_space<vmem>> -> memref<32xi32, #tpu.memory_space<vmem>>
      %dma_start3A_715 = arith.constant 0 : i32
      %dma_start3A_716 = arith.constant 0 : i32
      %dma_start3A_717 = tpu.memref_slice %arg2[%dma_start3A_715, %dma_start3A_716] : memref<1000000x64xf32, #tpu.memory_space<hbm>> -> memref<1000000x64xf32, #tpu.memory_space<hbm>>
      tpu.enqueue_indirect_dma source(%dma_start3A_717 : memref<1000000x64xf32, #tpu.memory_space<hbm>>) target(%dma_start3A_711 : memref<32x64xf32, #tpu.memory_space<vmem>>) offsets(%dma_start3A_714 : memref<32xi32, #tpu.memory_space<vmem>>) semaphore(%arg11 : memref<!tpu.dma_semaphore, #tpu.memory_space<semaphore_mem>>)
      %mul3A_718 = arith.constant 10 : i32
      %mul3A_719 = arith.muli %sub3A_613, %mul3A_718 : i32
      %add3A_720 = arith.constant 8 : i32
      %add3A_721 = arith.addi %mul3A_719, %add3A_720 : i32
      %dma_start3A_722 = arith.constant 256 : i32
      %dma_start3A_723 = arith.constant 0 : i32
      %dma_start3A_724 = tpu.memref_slice %arg6[%dma_start3A_722, %dma_start3A_723] : memref<320x64xf32, #tpu.memory_space<vmem>> -> memref<32x64xf32, #tpu.memory_space<vmem>>
      %dma_start3A_725 = arith.constant 0 : i32
      %dma_start3A_726 = tpu.memref_slice %arg5[%add3A_721, %dma_start3A_725] : memref<800x32xi32, #tpu.memory_space<vmem>> -> memref<1x32xi32, #tpu.memory_space<vmem>>
      %dma_start3A_727 = tpu.memref_squeeze %dma_start3A_726 : memref<1x32xi32, #tpu.memory_space<vmem>> -> memref<32xi32, #tpu.memory_space<vmem>>
      %dma_start3A_728 = arith.constant 0 : i32
      %dma_start3A_729 = arith.constant 0 : i32
      %dma_start3A_730 = tpu.memref_slice %arg2[%dma_start3A_728, %dma_start3A_729] : memref<1000000x64xf32, #tpu.memory_space<hbm>> -> memref<1000000x64xf32, #tpu.memory_space<hbm>>
      tpu.enqueue_indirect_dma source(%dma_start3A_730 : memref<1000000x64xf32, #tpu.memory_space<hbm>>) target(%dma_start3A_724 : memref<32x64xf32, #tpu.memory_space<vmem>>) offsets(%dma_start3A_727 : memref<32xi32, #tpu.memory_space<vmem>>) semaphore(%arg11 : memref<!tpu.dma_semaphore, #tpu.memory_space<semaphore_mem>>)
      %mul3A_731 = arith.constant 10 : i32
      %mul3A_732 = arith.muli %sub3A_613, %mul3A_731 : i32
      %add3A_733 = arith.constant 9 : i32
      %add3A_734 = arith.addi %mul3A_732, %add3A_733 : i32
      %dma_start3A_735 = arith.constant 288 : i32
      %dma_start3A_736 = arith.constant 0 : i32
      %dma_start3A_737 = tpu.memref_slice %arg6[%dma_start3A_735, %dma_start3A_736] : memref<320x64xf32, #tpu.memory_space<vmem>> -> memref<32x64xf32, #tpu.memory_space<vmem>>
      %dma_start3A_738 = arith.constant 0 : i32
      %dma_start3A_739 = tpu.memref_slice %arg5[%add3A_734, %dma_start3A_738] : memref<800x32xi32, #tpu.memory_space<vmem>> -> memref<1x32xi32, #tpu.memory_space<vmem>>
      %dma_start3A_740 = tpu.memref_squeeze %dma_start3A_739 : memref<1x32xi32, #tpu.memory_space<vmem>> -> memref<32xi32, #tpu.memory_space<vmem>>
      %dma_start3A_741 = arith.constant 0 : i32
      %dma_start3A_742 = arith.constant 0 : i32
      %dma_start3A_743 = tpu.memref_slice %arg2[%dma_start3A_741, %dma_start3A_742] : memref<1000000x64xf32, #tpu.memory_space<hbm>> -> memref<1000000x64xf32, #tpu.memory_space<hbm>>
      tpu.enqueue_indirect_dma source(%dma_start3A_743 : memref<1000000x64xf32, #tpu.memory_space<hbm>>) target(%dma_start3A_737 : memref<32x64xf32, #tpu.memory_space<vmem>>) offsets(%dma_start3A_740 : memref<32xi32, #tpu.memory_space<vmem>>) semaphore(%arg11 : memref<!tpu.dma_semaphore, #tpu.memory_space<semaphore_mem>>)
      %dma_wait3A_744 = arith.constant 0 : i32
      %dma_wait3A_745 = arith.constant 0 : i32
      %dma_wait3A_746 = tpu.memref_slice %arg2[%dma_wait3A_744, %dma_wait3A_745] : memref<1000000x64xf32, #tpu.memory_space<hbm>> -> memref<320x64xf32, #tpu.memory_space<hbm>>
      %dma_wait3A_747 = arith.constant 0 : i32
      %dma_wait3A_748 = arith.constant 0 : i32
      %dma_wait3A_749 = tpu.memref_slice %arg2[%dma_wait3A_747, %dma_wait3A_748] : memref<1000000x64xf32, #tpu.memory_space<hbm>> -> memref<320x64xf32, #tpu.memory_space<hbm>>
      tpu.wait_dma2 semaphore(%arg12 : memref<!tpu.dma_semaphore, #tpu.memory_space<semaphore_mem>>) src(%dma_wait3A_749 : memref<320x64xf32, #tpu.memory_space<hbm>>) dst(%arg7 : memref<320x64xf32, #tpu.memory_space<vmem>>)
      %mul3A_750 = arith.constant 320 : i32
      %mul3A_751 = arith.muli %add3A_604, %mul3A_750 : i32
      %add3A_752 = arith.addi %mul3A_2, %mul3A_751 : i32
      %dma_start3A_753 = arith.constant 0 : i32
      %dma_start3A_754 = tpu.memref_slice %arg4[%add3A_752, %dma_start3A_753] : memref<819200x64xf32, #tpu.memory_space<hbm>> -> memref<320x64xf32, #tpu.memory_space<hbm>>
      %dma_start3A_755 = arith.constant 0 : i32
      %dma_start3A_756 = tpu.memref_slice %arg4[%add3A_752, %dma_start3A_755] : memref<819200x64xf32, #tpu.memory_space<hbm>> -> memref<320x64xf32, #tpu.memory_space<hbm>>
      tpu.enqueue_dma source(%arg7 : memref<320x64xf32, #tpu.memory_space<vmem>>) target(%dma_start3A_756 : memref<320x64xf32, #tpu.memory_space<hbm>>) target_semaphore(%arg17 : memref<!tpu.dma_semaphore, #tpu.memory_space<semaphore_mem>>)
      %add3A_757 = arith.constant 1 : i32
      %add3A_758 = arith.addi %add3A_602, %add3A_757 : i32
      %dma_wait3A_759 = arith.constant 0 : i32
      %dma_wait3A_760 = arith.constant 0 : i32
      %dma_wait3A_761 = tpu.memref_slice %arg4[%dma_wait3A_759, %dma_wait3A_760] : memref<819200x64xf32, #tpu.memory_space<hbm>> -> memref<320x64xf32, #tpu.memory_space<hbm>>
      %dma_wait3A_762 = arith.constant 0 : i32
      %dma_wait3A_763 = arith.constant 0 : i32
      %dma_wait3A_764 = tpu.memref_slice %arg4[%dma_wait3A_762, %dma_wait3A_763] : memref<819200x64xf32, #tpu.memory_space<hbm>> -> memref<320x64xf32, #tpu.memory_space<hbm>>
      tpu.wait_dma2 semaphore(%arg17 : memref<!tpu.dma_semaphore, #tpu.memory_space<semaphore_mem>>) src(%arg7 : memref<320x64xf32, #tpu.memory_space<vmem>>) dst(%dma_wait3A_764 : memref<320x64xf32, #tpu.memory_space<hbm>>)
      %add3A_765 = arith.constant 5 : i32
      %add3A_766 = arith.addi %add3A_758, %add3A_765 : i32
      %sub3A_767 = arith.constant 1 : i32
      %sub3A_768 = arith.subi %add3A_766, %sub3A_767 : i32
      %mul3A_769 = arith.constant 10 : i32
      %mul3A_770 = arith.muli %sub3A_768, %mul3A_769 : i32
      %add3A_771 = arith.constant 0 : i32
      %add3A_772 = arith.addi %mul3A_770, %add3A_771 : i32
      %dma_start3A_773 = arith.constant 0 : i32
      %dma_start3A_774 = arith.constant 0 : i32
      %dma_start3A_775 = tpu.memref_slice %arg7[%dma_start3A_773, %dma_start3A_774] : memref<320x64xf32, #tpu.memory_space<vmem>> -> memref<32x64xf32, #tpu.memory_space<vmem>>
      %dma_start3A_776 = arith.constant 0 : i32
      %dma_start3A_777 = tpu.memref_slice %arg5[%add3A_772, %dma_start3A_776] : memref<800x32xi32, #tpu.memory_space<vmem>> -> memref<1x32xi32, #tpu.memory_space<vmem>>
      %dma_start3A_778 = tpu.memref_squeeze %dma_start3A_777 : memref<1x32xi32, #tpu.memory_space<vmem>> -> memref<32xi32, #tpu.memory_space<vmem>>
      %dma_start3A_779 = arith.constant 0 : i32
      %dma_start3A_780 = arith.constant 0 : i32
      %dma_start3A_781 = tpu.memref_slice %arg2[%dma_start3A_779, %dma_start3A_780] : memref<1000000x64xf32, #tpu.memory_space<hbm>> -> memref<1000000x64xf32, #tpu.memory_space<hbm>>
      tpu.enqueue_indirect_dma source(%dma_start3A_781 : memref<1000000x64xf32, #tpu.memory_space<hbm>>) target(%dma_start3A_775 : memref<32x64xf32, #tpu.memory_space<vmem>>) offsets(%dma_start3A_778 : memref<32xi32, #tpu.memory_space<vmem>>) semaphore(%arg12 : memref<!tpu.dma_semaphore, #tpu.memory_space<semaphore_mem>>)
      %mul3A_782 = arith.constant 10 : i32
      %mul3A_783 = arith.muli %sub3A_768, %mul3A_782 : i32
      %add3A_784 = arith.constant 1 : i32
      %add3A_785 = arith.addi %mul3A_783, %add3A_784 : i32
      %dma_start3A_786 = arith.constant 32 : i32
      %dma_start3A_787 = arith.constant 0 : i32
      %dma_start3A_788 = tpu.memref_slice %arg7[%dma_start3A_786, %dma_start3A_787] : memref<320x64xf32, #tpu.memory_space<vmem>> -> memref<32x64xf32, #tpu.memory_space<vmem>>
      %dma_start3A_789 = arith.constant 0 : i32
      %dma_start3A_790 = tpu.memref_slice %arg5[%add3A_785, %dma_start3A_789] : memref<800x32xi32, #tpu.memory_space<vmem>> -> memref<1x32xi32, #tpu.memory_space<vmem>>
      %dma_start3A_791 = tpu.memref_squeeze %dma_start3A_790 : memref<1x32xi32, #tpu.memory_space<vmem>> -> memref<32xi32, #tpu.memory_space<vmem>>
      %dma_start3A_792 = arith.constant 0 : i32
      %dma_start3A_793 = arith.constant 0 : i32
      %dma_start3A_794 = tpu.memref_slice %arg2[%dma_start3A_792, %dma_start3A_793] : memref<1000000x64xf32, #tpu.memory_space<hbm>> -> memref<1000000x64xf32, #tpu.memory_space<hbm>>
      tpu.enqueue_indirect_dma source(%dma_start3A_794 : memref<1000000x64xf32, #tpu.memory_space<hbm>>) target(%dma_start3A_788 : memref<32x64xf32, #tpu.memory_space<vmem>>) offsets(%dma_start3A_791 : memref<32xi32, #tpu.memory_space<vmem>>) semaphore(%arg12 : memref<!tpu.dma_semaphore, #tpu.memory_space<semaphore_mem>>)
      %mul3A_795 = arith.constant 10 : i32
      %mul3A_796 = arith.muli %sub3A_768, %mul3A_795 : i32
      %add3A_797 = arith.constant 2 : i32
      %add3A_798 = arith.addi %mul3A_796, %add3A_797 : i32
      %dma_start3A_799 = arith.constant 64 : i32
      %dma_start3A_800 = arith.constant 0 : i32
      %dma_start3A_801 = tpu.memref_slice %arg7[%dma_start3A_799, %dma_start3A_800] : memref<320x64xf32, #tpu.memory_space<vmem>> -> memref<32x64xf32, #tpu.memory_space<vmem>>
      %dma_start3A_802 = arith.constant 0 : i32
      %dma_start3A_803 = tpu.memref_slice %arg5[%add3A_798, %dma_start3A_802] : memref<800x32xi32, #tpu.memory_space<vmem>> -> memref<1x32xi32, #tpu.memory_space<vmem>>
      %dma_start3A_804 = tpu.memref_squeeze %dma_start3A_803 : memref<1x32xi32, #tpu.memory_space<vmem>> -> memref<32xi32, #tpu.memory_space<vmem>>
      %dma_start3A_805 = arith.constant 0 : i32
      %dma_start3A_806 = arith.constant 0 : i32
      %dma_start3A_807 = tpu.memref_slice %arg2[%dma_start3A_805, %dma_start3A_806] : memref<1000000x64xf32, #tpu.memory_space<hbm>> -> memref<1000000x64xf32, #tpu.memory_space<hbm>>
      tpu.enqueue_indirect_dma source(%dma_start3A_807 : memref<1000000x64xf32, #tpu.memory_space<hbm>>) target(%dma_start3A_801 : memref<32x64xf32, #tpu.memory_space<vmem>>) offsets(%dma_start3A_804 : memref<32xi32, #tpu.memory_space<vmem>>) semaphore(%arg12 : memref<!tpu.dma_semaphore, #tpu.memory_space<semaphore_mem>>)
      %mul3A_808 = arith.constant 10 : i32
      %mul3A_809 = arith.muli %sub3A_768, %mul3A_808 : i32
      %add3A_810 = arith.constant 3 : i32
      %add3A_811 = arith.addi %mul3A_809, %add3A_810 : i32
      %dma_start3A_812 = arith.constant 96 : i32
      %dma_start3A_813 = arith.constant 0 : i32
      %dma_start3A_814 = tpu.memref_slice %arg7[%dma_start3A_812, %dma_start3A_813] : memref<320x64xf32, #tpu.memory_space<vmem>> -> memref<32x64xf32, #tpu.memory_space<vmem>>
      %dma_start3A_815 = arith.constant 0 : i32
      %dma_start3A_816 = tpu.memref_slice %arg5[%add3A_811, %dma_start3A_815] : memref<800x32xi32, #tpu.memory_space<vmem>> -> memref<1x32xi32, #tpu.memory_space<vmem>>
      %dma_start3A_817 = tpu.memref_squeeze %dma_start3A_816 : memref<1x32xi32, #tpu.memory_space<vmem>> -> memref<32xi32, #tpu.memory_space<vmem>>
      %dma_start3A_818 = arith.constant 0 : i32
      %dma_start3A_819 = arith.constant 0 : i32
      %dma_start3A_820 = tpu.memref_slice %arg2[%dma_start3A_818, %dma_start3A_819] : memref<1000000x64xf32, #tpu.memory_space<hbm>> -> memref<1000000x64xf32, #tpu.memory_space<hbm>>
      tpu.enqueue_indirect_dma source(%dma_start3A_820 : memref<1000000x64xf32, #tpu.memory_space<hbm>>) target(%dma_start3A_814 : memref<32x64xf32, #tpu.memory_space<vmem>>) offsets(%dma_start3A_817 : memref<32xi32, #tpu.memory_space<vmem>>) semaphore(%arg12 : memref<!tpu.dma_semaphore, #tpu.memory_space<semaphore_mem>>)
      %mul3A_821 = arith.constant 10 : i32
      %mul3A_822 = arith.muli %sub3A_768, %mul3A_821 : i32
      %add3A_823 = arith.constant 4 : i32
      %add3A_824 = arith.addi %mul3A_822, %add3A_823 : i32
      %dma_start3A_825 = arith.constant 128 : i32
      %dma_start3A_826 = arith.constant 0 : i32
      %dma_start3A_827 = tpu.memref_slice %arg7[%dma_start3A_825, %dma_start3A_826] : memref<320x64xf32, #tpu.memory_space<vmem>> -> memref<32x64xf32, #tpu.memory_space<vmem>>
      %dma_start3A_828 = arith.constant 0 : i32
      %dma_start3A_829 = tpu.memref_slice %arg5[%add3A_824, %dma_start3A_828] : memref<800x32xi32, #tpu.memory_space<vmem>> -> memref<1x32xi32, #tpu.memory_space<vmem>>
      %dma_start3A_830 = tpu.memref_squeeze %dma_start3A_829 : memref<1x32xi32, #tpu.memory_space<vmem>> -> memref<32xi32, #tpu.memory_space<vmem>>
      %dma_start3A_831 = arith.constant 0 : i32
      %dma_start3A_832 = arith.constant 0 : i32
      %dma_start3A_833 = tpu.memref_slice %arg2[%dma_start3A_831, %dma_start3A_832] : memref<1000000x64xf32, #tpu.memory_space<hbm>> -> memref<1000000x64xf32, #tpu.memory_space<hbm>>
      tpu.enqueue_indirect_dma source(%dma_start3A_833 : memref<1000000x64xf32, #tpu.memory_space<hbm>>) target(%dma_start3A_827 : memref<32x64xf32, #tpu.memory_space<vmem>>) offsets(%dma_start3A_830 : memref<32xi32, #tpu.memory_space<vmem>>) semaphore(%arg12 : memref<!tpu.dma_semaphore, #tpu.memory_space<semaphore_mem>>)
      %mul3A_834 = arith.constant 10 : i32
      %mul3A_835 = arith.muli %sub3A_768, %mul3A_834 : i32
      %add3A_836 = arith.constant 5 : i32
      %add3A_837 = arith.addi %mul3A_835, %add3A_836 : i32
      %dma_start3A_838 = arith.constant 160 : i32
      %dma_start3A_839 = arith.constant 0 : i32
      %dma_start3A_840 = tpu.memref_slice %arg7[%dma_start3A_838, %dma_start3A_839] : memref<320x64xf32, #tpu.memory_space<vmem>> -> memref<32x64xf32, #tpu.memory_space<vmem>>
      %dma_start3A_841 = arith.constant 0 : i32
      %dma_start3A_842 = tpu.memref_slice %arg5[%add3A_837, %dma_start3A_841] : memref<800x32xi32, #tpu.memory_space<vmem>> -> memref<1x32xi32, #tpu.memory_space<vmem>>
      %dma_start3A_843 = tpu.memref_squeeze %dma_start3A_842 : memref<1x32xi32, #tpu.memory_space<vmem>> -> memref<32xi32, #tpu.memory_space<vmem>>
      %dma_start3A_844 = arith.constant 0 : i32
      %dma_start3A_845 = arith.constant 0 : i32
      %dma_start3A_846 = tpu.memref_slice %arg2[%dma_start3A_844, %dma_start3A_845] : memref<1000000x64xf32, #tpu.memory_space<hbm>> -> memref<1000000x64xf32, #tpu.memory_space<hbm>>
      tpu.enqueue_indirect_dma source(%dma_start3A_846 : memref<1000000x64xf32, #tpu.memory_space<hbm>>) target(%dma_start3A_840 : memref<32x64xf32, #tpu.memory_space<vmem>>) offsets(%dma_start3A_843 : memref<32xi32, #tpu.memory_space<vmem>>) semaphore(%arg12 : memref<!tpu.dma_semaphore, #tpu.memory_space<semaphore_mem>>)
      %mul3A_847 = arith.constant 10 : i32
      %mul3A_848 = arith.muli %sub3A_768, %mul3A_847 : i32
      %add3A_849 = arith.constant 6 : i32
      %add3A_850 = arith.addi %mul3A_848, %add3A_849 : i32
      %dma_start3A_851 = arith.constant 192 : i32
      %dma_start3A_852 = arith.constant 0 : i32
      %dma_start3A_853 = tpu.memref_slice %arg7[%dma_start3A_851, %dma_start3A_852] : memref<320x64xf32, #tpu.memory_space<vmem>> -> memref<32x64xf32, #tpu.memory_space<vmem>>
      %dma_start3A_854 = arith.constant 0 : i32
      %dma_start3A_855 = tpu.memref_slice %arg5[%add3A_850, %dma_start3A_854] : memref<800x32xi32, #tpu.memory_space<vmem>> -> memref<1x32xi32, #tpu.memory_space<vmem>>
      %dma_start3A_856 = tpu.memref_squeeze %dma_start3A_855 : memref<1x32xi32, #tpu.memory_space<vmem>> -> memref<32xi32, #tpu.memory_space<vmem>>
      %dma_start3A_857 = arith.constant 0 : i32
      %dma_start3A_858 = arith.constant 0 : i32
      %dma_start3A_859 = tpu.memref_slice %arg2[%dma_start3A_857, %dma_start3A_858] : memref<1000000x64xf32, #tpu.memory_space<hbm>> -> memref<1000000x64xf32, #tpu.memory_space<hbm>>
      tpu.enqueue_indirect_dma source(%dma_start3A_859 : memref<1000000x64xf32, #tpu.memory_space<hbm>>) target(%dma_start3A_853 : memref<32x64xf32, #tpu.memory_space<vmem>>) offsets(%dma_start3A_856 : memref<32xi32, #tpu.memory_space<vmem>>) semaphore(%arg12 : memref<!tpu.dma_semaphore, #tpu.memory_space<semaphore_mem>>)
      %mul3A_860 = arith.constant 10 : i32
      %mul3A_861 = arith.muli %sub3A_768, %mul3A_860 : i32
      %add3A_862 = arith.constant 7 : i32
      %add3A_863 = arith.addi %mul3A_861, %add3A_862 : i32
      %dma_start3A_864 = arith.constant 224 : i32
      %dma_start3A_865 = arith.constant 0 : i32
      %dma_start3A_866 = tpu.memref_slice %arg7[%dma_start3A_864, %dma_start3A_865] : memref<320x64xf32, #tpu.memory_space<vmem>> -> memref<32x64xf32, #tpu.memory_space<vmem>>
      %dma_start3A_867 = arith.constant 0 : i32
      %dma_start3A_868 = tpu.memref_slice %arg5[%add3A_863, %dma_start3A_867] : memref<800x32xi32, #tpu.memory_space<vmem>> -> memref<1x32xi32, #tpu.memory_space<vmem>>
      %dma_start3A_869 = tpu.memref_squeeze %dma_start3A_868 : memref<1x32xi32, #tpu.memory_space<vmem>> -> memref<32xi32, #tpu.memory_space<vmem>>
      %dma_start3A_870 = arith.constant 0 : i32
      %dma_start3A_871 = arith.constant 0 : i32
      %dma_start3A_872 = tpu.memref_slice %arg2[%dma_start3A_870, %dma_start3A_871] : memref<1000000x64xf32, #tpu.memory_space<hbm>> -> memref<1000000x64xf32, #tpu.memory_space<hbm>>
      tpu.enqueue_indirect_dma source(%dma_start3A_872 : memref<1000000x64xf32, #tpu.memory_space<hbm>>) target(%dma_start3A_866 : memref<32x64xf32, #tpu.memory_space<vmem>>) offsets(%dma_start3A_869 : memref<32xi32, #tpu.memory_space<vmem>>) semaphore(%arg12 : memref<!tpu.dma_semaphore, #tpu.memory_space<semaphore_mem>>)
      %mul3A_873 = arith.constant 10 : i32
      %mul3A_874 = arith.muli %sub3A_768, %mul3A_873 : i32
      %add3A_875 = arith.constant 8 : i32
      %add3A_876 = arith.addi %mul3A_874, %add3A_875 : i32
      %dma_start3A_877 = arith.constant 256 : i32
      %dma_start3A_878 = arith.constant 0 : i32
      %dma_start3A_879 = tpu.memref_slice %arg7[%dma_start3A_877, %dma_start3A_878] : memref<320x64xf32, #tpu.memory_space<vmem>> -> memref<32x64xf32, #tpu.memory_space<vmem>>
      %dma_start3A_880 = arith.constant 0 : i32
      %dma_start3A_881 = tpu.memref_slice %arg5[%add3A_876, %dma_start3A_880] : memref<800x32xi32, #tpu.memory_space<vmem>> -> memref<1x32xi32, #tpu.memory_space<vmem>>
      %dma_start3A_882 = tpu.memref_squeeze %dma_start3A_881 : memref<1x32xi32, #tpu.memory_space<vmem>> -> memref<32xi32, #tpu.memory_space<vmem>>
      %dma_start3A_883 = arith.constant 0 : i32
      %dma_start3A_884 = arith.constant 0 : i32
      %dma_start3A_885 = tpu.memref_slice %arg2[%dma_start3A_883, %dma_start3A_884] : memref<1000000x64xf32, #tpu.memory_space<hbm>> -> memref<1000000x64xf32, #tpu.memory_space<hbm>>
      tpu.enqueue_indirect_dma source(%dma_start3A_885 : memref<1000000x64xf32, #tpu.memory_space<hbm>>) target(%dma_start3A_879 : memref<32x64xf32, #tpu.memory_space<vmem>>) offsets(%dma_start3A_882 : memref<32xi32, #tpu.memory_space<vmem>>) semaphore(%arg12 : memref<!tpu.dma_semaphore, #tpu.memory_space<semaphore_mem>>)
      %mul3A_886 = arith.constant 10 : i32
      %mul3A_887 = arith.muli %sub3A_768, %mul3A_886 : i32
      %add3A_888 = arith.constant 9 : i32
      %add3A_889 = arith.addi %mul3A_887, %add3A_888 : i32
      %dma_start3A_890 = arith.constant 288 : i32
      %dma_start3A_891 = arith.constant 0 : i32
      %dma_start3A_892 = tpu.memref_slice %arg7[%dma_start3A_890, %dma_start3A_891] : memref<320x64xf32, #tpu.memory_space<vmem>> -> memref<32x64xf32, #tpu.memory_space<vmem>>
      %dma_start3A_893 = arith.constant 0 : i32
      %dma_start3A_894 = tpu.memref_slice %arg5[%add3A_889, %dma_start3A_893] : memref<800x32xi32, #tpu.memory_space<vmem>> -> memref<1x32xi32, #tpu.memory_space<vmem>>
      %dma_start3A_895 = tpu.memref_squeeze %dma_start3A_894 : memref<1x32xi32, #tpu.memory_space<vmem>> -> memref<32xi32, #tpu.memory_space<vmem>>
      %dma_start3A_896 = arith.constant 0 : i32
      %dma_start3A_897 = arith.constant 0 : i32
      %dma_start3A_898 = tpu.memref_slice %arg2[%dma_start3A_896, %dma_start3A_897] : memref<1000000x64xf32, #tpu.memory_space<hbm>> -> memref<1000000x64xf32, #tpu.memory_space<hbm>>
      tpu.enqueue_indirect_dma source(%dma_start3A_898 : memref<1000000x64xf32, #tpu.memory_space<hbm>>) target(%dma_start3A_892 : memref<32x64xf32, #tpu.memory_space<vmem>>) offsets(%dma_start3A_895 : memref<32xi32, #tpu.memory_space<vmem>>) semaphore(%arg12 : memref<!tpu.dma_semaphore, #tpu.memory_space<semaphore_mem>>)
      %dma_wait3A_899 = arith.constant 0 : i32
      %dma_wait3A_900 = arith.constant 0 : i32
      %dma_wait3A_901 = tpu.memref_slice %arg2[%dma_wait3A_899, %dma_wait3A_900] : memref<1000000x64xf32, #tpu.memory_space<hbm>> -> memref<320x64xf32, #tpu.memory_space<hbm>>
      %dma_wait3A_902 = arith.constant 0 : i32
      %dma_wait3A_903 = arith.constant 0 : i32
      %dma_wait3A_904 = tpu.memref_slice %arg2[%dma_wait3A_902, %dma_wait3A_903] : memref<1000000x64xf32, #tpu.memory_space<hbm>> -> memref<320x64xf32, #tpu.memory_space<hbm>>
      tpu.wait_dma2 semaphore(%arg13 : memref<!tpu.dma_semaphore, #tpu.memory_space<semaphore_mem>>) src(%dma_wait3A_904 : memref<320x64xf32, #tpu.memory_space<hbm>>) dst(%arg8 : memref<320x64xf32, #tpu.memory_space<vmem>>)
      %mul3A_905 = arith.constant 320 : i32
      %mul3A_906 = arith.muli %add3A_758, %mul3A_905 : i32
      %add3A_907 = arith.addi %mul3A_2, %mul3A_906 : i32
      %dma_start3A_908 = arith.constant 0 : i32
      %dma_start3A_909 = tpu.memref_slice %arg4[%add3A_907, %dma_start3A_908] : memref<819200x64xf32, #tpu.memory_space<hbm>> -> memref<320x64xf32, #tpu.memory_space<hbm>>
      %dma_start3A_910 = arith.constant 0 : i32
      %dma_start3A_911 = tpu.memref_slice %arg4[%add3A_907, %dma_start3A_910] : memref<819200x64xf32, #tpu.memory_space<hbm>> -> memref<320x64xf32, #tpu.memory_space<hbm>>
      tpu.enqueue_dma source(%arg8 : memref<320x64xf32, #tpu.memory_space<vmem>>) target(%dma_start3A_911 : memref<320x64xf32, #tpu.memory_space<hbm>>) target_semaphore(%arg18 : memref<!tpu.dma_semaphore, #tpu.memory_space<semaphore_mem>>)
      %add3A_912 = arith.constant 2 : i32
      %add3A_913 = arith.addi %add3A_602, %add3A_912 : i32
      %dma_wait3A_914 = arith.constant 0 : i32
      %dma_wait3A_915 = arith.constant 0 : i32
      %dma_wait3A_916 = tpu.memref_slice %arg4[%dma_wait3A_914, %dma_wait3A_915] : memref<819200x64xf32, #tpu.memory_space<hbm>> -> memref<320x64xf32, #tpu.memory_space<hbm>>
      %dma_wait3A_917 = arith.constant 0 : i32
      %dma_wait3A_918 = arith.constant 0 : i32
      %dma_wait3A_919 = tpu.memref_slice %arg4[%dma_wait3A_917, %dma_wait3A_918] : memref<819200x64xf32, #tpu.memory_space<hbm>> -> memref<320x64xf32, #tpu.memory_space<hbm>>
      tpu.wait_dma2 semaphore(%arg18 : memref<!tpu.dma_semaphore, #tpu.memory_space<semaphore_mem>>) src(%arg8 : memref<320x64xf32, #tpu.memory_space<vmem>>) dst(%dma_wait3A_919 : memref<320x64xf32, #tpu.memory_space<hbm>>)
      %add3A_920 = arith.constant 5 : i32
      %add3A_921 = arith.addi %add3A_913, %add3A_920 : i32
      %sub3A_922 = arith.constant 1 : i32
      %sub3A_923 = arith.subi %add3A_921, %sub3A_922 : i32
      %mul3A_924 = arith.constant 10 : i32
      %mul3A_925 = arith.muli %sub3A_923, %mul3A_924 : i32
      %add3A_926 = arith.constant 0 : i32
      %add3A_927 = arith.addi %mul3A_925, %add3A_926 : i32
      %dma_start3A_928 = arith.constant 0 : i32
      %dma_start3A_929 = arith.constant 0 : i32
      %dma_start3A_930 = tpu.memref_slice %arg8[%dma_start3A_928, %dma_start3A_929] : memref<320x64xf32, #tpu.memory_space<vmem>> -> memref<32x64xf32, #tpu.memory_space<vmem>>
      %dma_start3A_931 = arith.constant 0 : i32
      %dma_start3A_932 = tpu.memref_slice %arg5[%add3A_927, %dma_start3A_931] : memref<800x32xi32, #tpu.memory_space<vmem>> -> memref<1x32xi32, #tpu.memory_space<vmem>>
      %dma_start3A_933 = tpu.memref_squeeze %dma_start3A_932 : memref<1x32xi32, #tpu.memory_space<vmem>> -> memref<32xi32, #tpu.memory_space<vmem>>
      %dma_start3A_934 = arith.constant 0 : i32
      %dma_start3A_935 = arith.constant 0 : i32
      %dma_start3A_936 = tpu.memref_slice %arg2[%dma_start3A_934, %dma_start3A_935] : memref<1000000x64xf32, #tpu.memory_space<hbm>> -> memref<1000000x64xf32, #tpu.memory_space<hbm>>
      tpu.enqueue_indirect_dma source(%dma_start3A_936 : memref<1000000x64xf32, #tpu.memory_space<hbm>>) target(%dma_start3A_930 : memref<32x64xf32, #tpu.memory_space<vmem>>) offsets(%dma_start3A_933 : memref<32xi32, #tpu.memory_space<vmem>>) semaphore(%arg13 : memref<!tpu.dma_semaphore, #tpu.memory_space<semaphore_mem>>)
      %mul3A_937 = arith.constant 10 : i32
      %mul3A_938 = arith.muli %sub3A_923, %mul3A_937 : i32
      %add3A_939 = arith.constant 1 : i32
      %add3A_940 = arith.addi %mul3A_938, %add3A_939 : i32
      %dma_start3A_941 = arith.constant 32 : i32
      %dma_start3A_942 = arith.constant 0 : i32
      %dma_start3A_943 = tpu.memref_slice %arg8[%dma_start3A_941, %dma_start3A_942] : memref<320x64xf32, #tpu.memory_space<vmem>> -> memref<32x64xf32, #tpu.memory_space<vmem>>
      %dma_start3A_944 = arith.constant 0 : i32
      %dma_start3A_945 = tpu.memref_slice %arg5[%add3A_940, %dma_start3A_944] : memref<800x32xi32, #tpu.memory_space<vmem>> -> memref<1x32xi32, #tpu.memory_space<vmem>>
      %dma_start3A_946 = tpu.memref_squeeze %dma_start3A_945 : memref<1x32xi32, #tpu.memory_space<vmem>> -> memref<32xi32, #tpu.memory_space<vmem>>
      %dma_start3A_947 = arith.constant 0 : i32
      %dma_start3A_948 = arith.constant 0 : i32
      %dma_start3A_949 = tpu.memref_slice %arg2[%dma_start3A_947, %dma_start3A_948] : memref<1000000x64xf32, #tpu.memory_space<hbm>> -> memref<1000000x64xf32, #tpu.memory_space<hbm>>
      tpu.enqueue_indirect_dma source(%dma_start3A_949 : memref<1000000x64xf32, #tpu.memory_space<hbm>>) target(%dma_start3A_943 : memref<32x64xf32, #tpu.memory_space<vmem>>) offsets(%dma_start3A_946 : memref<32xi32, #tpu.memory_space<vmem>>) semaphore(%arg13 : memref<!tpu.dma_semaphore, #tpu.memory_space<semaphore_mem>>)
      %mul3A_950 = arith.constant 10 : i32
      %mul3A_951 = arith.muli %sub3A_923, %mul3A_950 : i32
      %add3A_952 = arith.constant 2 : i32
      %add3A_953 = arith.addi %mul3A_951, %add3A_952 : i32
      %dma_start3A_954 = arith.constant 64 : i32
      %dma_start3A_955 = arith.constant 0 : i32
      %dma_start3A_956 = tpu.memref_slice %arg8[%dma_start3A_954, %dma_start3A_955] : memref<320x64xf32, #tpu.memory_space<vmem>> -> memref<32x64xf32, #tpu.memory_space<vmem>>
      %dma_start3A_957 = arith.constant 0 : i32
      %dma_start3A_958 = tpu.memref_slice %arg5[%add3A_953, %dma_start3A_957] : memref<800x32xi32, #tpu.memory_space<vmem>> -> memref<1x32xi32, #tpu.memory_space<vmem>>
      %dma_start3A_959 = tpu.memref_squeeze %dma_start3A_958 : memref<1x32xi32, #tpu.memory_space<vmem>> -> memref<32xi32, #tpu.memory_space<vmem>>
      %dma_start3A_960 = arith.constant 0 : i32
      %dma_start3A_961 = arith.constant 0 : i32
      %dma_start3A_962 = tpu.memref_slice %arg2[%dma_start3A_960, %dma_start3A_961] : memref<1000000x64xf32, #tpu.memory_space<hbm>> -> memref<1000000x64xf32, #tpu.memory_space<hbm>>
      tpu.enqueue_indirect_dma source(%dma_start3A_962 : memref<1000000x64xf32, #tpu.memory_space<hbm>>) target(%dma_start3A_956 : memref<32x64xf32, #tpu.memory_space<vmem>>) offsets(%dma_start3A_959 : memref<32xi32, #tpu.memory_space<vmem>>) semaphore(%arg13 : memref<!tpu.dma_semaphore, #tpu.memory_space<semaphore_mem>>)
      %mul3A_963 = arith.constant 10 : i32
      %mul3A_964 = arith.muli %sub3A_923, %mul3A_963 : i32
      %add3A_965 = arith.constant 3 : i32
      %add3A_966 = arith.addi %mul3A_964, %add3A_965 : i32
      %dma_start3A_967 = arith.constant 96 : i32
      %dma_start3A_968 = arith.constant 0 : i32
      %dma_start3A_969 = tpu.memref_slice %arg8[%dma_start3A_967, %dma_start3A_968] : memref<320x64xf32, #tpu.memory_space<vmem>> -> memref<32x64xf32, #tpu.memory_space<vmem>>
      %dma_start3A_970 = arith.constant 0 : i32
      %dma_start3A_971 = tpu.memref_slice %arg5[%add3A_966, %dma_start3A_970] : memref<800x32xi32, #tpu.memory_space<vmem>> -> memref<1x32xi32, #tpu.memory_space<vmem>>
      %dma_start3A_972 = tpu.memref_squeeze %dma_start3A_971 : memref<1x32xi32, #tpu.memory_space<vmem>> -> memref<32xi32, #tpu.memory_space<vmem>>
      %dma_start3A_973 = arith.constant 0 : i32
      %dma_start3A_974 = arith.constant 0 : i32
      %dma_start3A_975 = tpu.memref_slice %arg2[%dma_start3A_973, %dma_start3A_974] : memref<1000000x64xf32, #tpu.memory_space<hbm>> -> memref<1000000x64xf32, #tpu.memory_space<hbm>>
      tpu.enqueue_indirect_dma source(%dma_start3A_975 : memref<1000000x64xf32, #tpu.memory_space<hbm>>) target(%dma_start3A_969 : memref<32x64xf32, #tpu.memory_space<vmem>>) offsets(%dma_start3A_972 : memref<32xi32, #tpu.memory_space<vmem>>) semaphore(%arg13 : memref<!tpu.dma_semaphore, #tpu.memory_space<semaphore_mem>>)
      %mul3A_976 = arith.constant 10 : i32
      %mul3A_977 = arith.muli %sub3A_923, %mul3A_976 : i32
      %add3A_978 = arith.constant 4 : i32
      %add3A_979 = arith.addi %mul3A_977, %add3A_978 : i32
      %dma_start3A_980 = arith.constant 128 : i32
      %dma_start3A_981 = arith.constant 0 : i32
      %dma_start3A_982 = tpu.memref_slice %arg8[%dma_start3A_980, %dma_start3A_981] : memref<320x64xf32, #tpu.memory_space<vmem>> -> memref<32x64xf32, #tpu.memory_space<vmem>>
      %dma_start3A_983 = arith.constant 0 : i32
      %dma_start3A_984 = tpu.memref_slice %arg5[%add3A_979, %dma_start3A_983] : memref<800x32xi32, #tpu.memory_space<vmem>> -> memref<1x32xi32, #tpu.memory_space<vmem>>
      %dma_start3A_985 = tpu.memref_squeeze %dma_start3A_984 : memref<1x32xi32, #tpu.memory_space<vmem>> -> memref<32xi32, #tpu.memory_space<vmem>>
      %dma_start3A_986 = arith.constant 0 : i32
      %dma_start3A_987 = arith.constant 0 : i32
      %dma_start3A_988 = tpu.memref_slice %arg2[%dma_start3A_986, %dma_start3A_987] : memref<1000000x64xf32, #tpu.memory_space<hbm>> -> memref<1000000x64xf32, #tpu.memory_space<hbm>>
      tpu.enqueue_indirect_dma source(%dma_start3A_988 : memref<1000000x64xf32, #tpu.memory_space<hbm>>) target(%dma_start3A_982 : memref<32x64xf32, #tpu.memory_space<vmem>>) offsets(%dma_start3A_985 : memref<32xi32, #tpu.memory_space<vmem>>) semaphore(%arg13 : memref<!tpu.dma_semaphore, #tpu.memory_space<semaphore_mem>>)
      %mul3A_989 = arith.constant 10 : i32
      %mul3A_990 = arith.muli %sub3A_923, %mul3A_989 : i32
      %add3A_991 = arith.constant 5 : i32
      %add3A_992 = arith.addi %mul3A_990, %add3A_991 : i32
      %dma_start3A_993 = arith.constant 160 : i32
      %dma_start3A_994 = arith.constant 0 : i32
      %dma_start3A_995 = tpu.memref_slice %arg8[%dma_start3A_993, %dma_start3A_994] : memref<320x64xf32, #tpu.memory_space<vmem>> -> memref<32x64xf32, #tpu.memory_space<vmem>>
      %dma_start3A_996 = arith.constant 0 : i32
      %dma_start3A_997 = tpu.memref_slice %arg5[%add3A_992, %dma_start3A_996] : memref<800x32xi32, #tpu.memory_space<vmem>> -> memref<1x32xi32, #tpu.memory_space<vmem>>
      %dma_start3A_998 = tpu.memref_squeeze %dma_start3A_997 : memref<1x32xi32, #tpu.memory_space<vmem>> -> memref<32xi32, #tpu.memory_space<vmem>>
      %dma_start3A_999 = arith.constant 0 : i32
      %dma_start3A_1000 = arith.constant 0 : i32
      %dma_start3A_1001 = tpu.memref_slice %arg2[%dma_start3A_999, %dma_start3A_1000] : memref<1000000x64xf32, #tpu.memory_space<hbm>> -> memref<1000000x64xf32, #tpu.memory_space<hbm>>
      tpu.enqueue_indirect_dma source(%dma_start3A_1001 : memref<1000000x64xf32, #tpu.memory_space<hbm>>) target(%dma_start3A_995 : memref<32x64xf32, #tpu.memory_space<vmem>>) offsets(%dma_start3A_998 : memref<32xi32, #tpu.memory_space<vmem>>) semaphore(%arg13 : memref<!tpu.dma_semaphore, #tpu.memory_space<semaphore_mem>>)
      %mul3A_1002 = arith.constant 10 : i32
      %mul3A_1003 = arith.muli %sub3A_923, %mul3A_1002 : i32
      %add3A_1004 = arith.constant 6 : i32
      %add3A_1005 = arith.addi %mul3A_1003, %add3A_1004 : i32
      %dma_start3A_1006 = arith.constant 192 : i32
      %dma_start3A_1007 = arith.constant 0 : i32
      %dma_start3A_1008 = tpu.memref_slice %arg8[%dma_start3A_1006, %dma_start3A_1007] : memref<320x64xf32, #tpu.memory_space<vmem>> -> memref<32x64xf32, #tpu.memory_space<vmem>>
      %dma_start3A_1009 = arith.constant 0 : i32
      %dma_start3A_1010 = tpu.memref_slice %arg5[%add3A_1005, %dma_start3A_1009] : memref<800x32xi32, #tpu.memory_space<vmem>> -> memref<1x32xi32, #tpu.memory_space<vmem>>
      %dma_start3A_1011 = tpu.memref_squeeze %dma_start3A_1010 : memref<1x32xi32, #tpu.memory_space<vmem>> -> memref<32xi32, #tpu.memory_space<vmem>>
      %dma_start3A_1012 = arith.constant 0 : i32
      %dma_start3A_1013 = arith.constant 0 : i32
      %dma_start3A_1014 = tpu.memref_slice %arg2[%dma_start3A_1012, %dma_start3A_1013] : memref<1000000x64xf32, #tpu.memory_space<hbm>> -> memref<1000000x64xf32, #tpu.memory_space<hbm>>
      tpu.enqueue_indirect_dma source(%dma_start3A_1014 : memref<1000000x64xf32, #tpu.memory_space<hbm>>) target(%dma_start3A_1008 : memref<32x64xf32, #tpu.memory_space<vmem>>) offsets(%dma_start3A_1011 : memref<32xi32, #tpu.memory_space<vmem>>) semaphore(%arg13 : memref<!tpu.dma_semaphore, #tpu.memory_space<semaphore_mem>>)
      %mul3A_1015 = arith.constant 10 : i32
      %mul3A_1016 = arith.muli %sub3A_923, %mul3A_1015 : i32
      %add3A_1017 = arith.constant 7 : i32
      %add3A_1018 = arith.addi %mul3A_1016, %add3A_1017 : i32
      %dma_start3A_1019 = arith.constant 224 : i32
      %dma_start3A_1020 = arith.constant 0 : i32
      %dma_start3A_1021 = tpu.memref_slice %arg8[%dma_start3A_1019, %dma_start3A_1020] : memref<320x64xf32, #tpu.memory_space<vmem>> -> memref<32x64xf32, #tpu.memory_space<vmem>>
      %dma_start3A_1022 = arith.constant 0 : i32
      %dma_start3A_1023 = tpu.memref_slice %arg5[%add3A_1018, %dma_start3A_1022] : memref<800x32xi32, #tpu.memory_space<vmem>> -> memref<1x32xi32, #tpu.memory_space<vmem>>
      %dma_start3A_1024 = tpu.memref_squeeze %dma_start3A_1023 : memref<1x32xi32, #tpu.memory_space<vmem>> -> memref<32xi32, #tpu.memory_space<vmem>>
      %dma_start3A_1025 = arith.constant 0 : i32
      %dma_start3A_1026 = arith.constant 0 : i32
      %dma_start3A_1027 = tpu.memref_slice %arg2[%dma_start3A_1025, %dma_start3A_1026] : memref<1000000x64xf32, #tpu.memory_space<hbm>> -> memref<1000000x64xf32, #tpu.memory_space<hbm>>
      tpu.enqueue_indirect_dma source(%dma_start3A_1027 : memref<1000000x64xf32, #tpu.memory_space<hbm>>) target(%dma_start3A_1021 : memref<32x64xf32, #tpu.memory_space<vmem>>) offsets(%dma_start3A_1024 : memref<32xi32, #tpu.memory_space<vmem>>) semaphore(%arg13 : memref<!tpu.dma_semaphore, #tpu.memory_space<semaphore_mem>>)
      %mul3A_1028 = arith.constant 10 : i32
      %mul3A_1029 = arith.muli %sub3A_923, %mul3A_1028 : i32
      %add3A_1030 = arith.constant 8 : i32
      %add3A_1031 = arith.addi %mul3A_1029, %add3A_1030 : i32
      %dma_start3A_1032 = arith.constant 256 : i32
      %dma_start3A_1033 = arith.constant 0 : i32
      %dma_start3A_1034 = tpu.memref_slice %arg8[%dma_start3A_1032, %dma_start3A_1033] : memref<320x64xf32, #tpu.memory_space<vmem>> -> memref<32x64xf32, #tpu.memory_space<vmem>>
      %dma_start3A_1035 = arith.constant 0 : i32
      %dma_start3A_1036 = tpu.memref_slice %arg5[%add3A_1031, %dma_start3A_1035] : memref<800x32xi32, #tpu.memory_space<vmem>> -> memref<1x32xi32, #tpu.memory_space<vmem>>
      %dma_start3A_1037 = tpu.memref_squeeze %dma_start3A_1036 : memref<1x32xi32, #tpu.memory_space<vmem>> -> memref<32xi32, #tpu.memory_space<vmem>>
      %dma_start3A_1038 = arith.constant 0 : i32
      %dma_start3A_1039 = arith.constant 0 : i32
      %dma_start3A_1040 = tpu.memref_slice %arg2[%dma_start3A_1038, %dma_start3A_1039] : memref<1000000x64xf32, #tpu.memory_space<hbm>> -> memref<1000000x64xf32, #tpu.memory_space<hbm>>
      tpu.enqueue_indirect_dma source(%dma_start3A_1040 : memref<1000000x64xf32, #tpu.memory_space<hbm>>) target(%dma_start3A_1034 : memref<32x64xf32, #tpu.memory_space<vmem>>) offsets(%dma_start3A_1037 : memref<32xi32, #tpu.memory_space<vmem>>) semaphore(%arg13 : memref<!tpu.dma_semaphore, #tpu.memory_space<semaphore_mem>>)
      %mul3A_1041 = arith.constant 10 : i32
      %mul3A_1042 = arith.muli %sub3A_923, %mul3A_1041 : i32
      %add3A_1043 = arith.constant 9 : i32
      %add3A_1044 = arith.addi %mul3A_1042, %add3A_1043 : i32
      %dma_start3A_1045 = arith.constant 288 : i32
      %dma_start3A_1046 = arith.constant 0 : i32
      %dma_start3A_1047 = tpu.memref_slice %arg8[%dma_start3A_1045, %dma_start3A_1046] : memref<320x64xf32, #tpu.memory_space<vmem>> -> memref<32x64xf32, #tpu.memory_space<vmem>>
      %dma_start3A_1048 = arith.constant 0 : i32
      %dma_start3A_1049 = tpu.memref_slice %arg5[%add3A_1044, %dma_start3A_1048] : memref<800x32xi32, #tpu.memory_space<vmem>> -> memref<1x32xi32, #tpu.memory_space<vmem>>
      %dma_start3A_1050 = tpu.memref_squeeze %dma_start3A_1049 : memref<1x32xi32, #tpu.memory_space<vmem>> -> memref<32xi32, #tpu.memory_space<vmem>>
      %dma_start3A_1051 = arith.constant 0 : i32
      %dma_start3A_1052 = arith.constant 0 : i32
      %dma_start3A_1053 = tpu.memref_slice %arg2[%dma_start3A_1051, %dma_start3A_1052] : memref<1000000x64xf32, #tpu.memory_space<hbm>> -> memref<1000000x64xf32, #tpu.memory_space<hbm>>
      tpu.enqueue_indirect_dma source(%dma_start3A_1053 : memref<1000000x64xf32, #tpu.memory_space<hbm>>) target(%dma_start3A_1047 : memref<32x64xf32, #tpu.memory_space<vmem>>) offsets(%dma_start3A_1050 : memref<32xi32, #tpu.memory_space<vmem>>) semaphore(%arg13 : memref<!tpu.dma_semaphore, #tpu.memory_space<semaphore_mem>>)
      %dma_wait3A_1054 = arith.constant 0 : i32
      %dma_wait3A_1055 = arith.constant 0 : i32
      %dma_wait3A_1056 = tpu.memref_slice %arg2[%dma_wait3A_1054, %dma_wait3A_1055] : memref<1000000x64xf32, #tpu.memory_space<hbm>> -> memref<320x64xf32, #tpu.memory_space<hbm>>
      %dma_wait3A_1057 = arith.constant 0 : i32
      %dma_wait3A_1058 = arith.constant 0 : i32
      %dma_wait3A_1059 = tpu.memref_slice %arg2[%dma_wait3A_1057, %dma_wait3A_1058] : memref<1000000x64xf32, #tpu.memory_space<hbm>> -> memref<320x64xf32, #tpu.memory_space<hbm>>
      tpu.wait_dma2 semaphore(%arg14 : memref<!tpu.dma_semaphore, #tpu.memory_space<semaphore_mem>>) src(%dma_wait3A_1059 : memref<320x64xf32, #tpu.memory_space<hbm>>) dst(%arg9 : memref<320x64xf32, #tpu.memory_space<vmem>>)
      %mul3A_1060 = arith.constant 320 : i32
      %mul3A_1061 = arith.muli %add3A_913, %mul3A_1060 : i32
      %add3A_1062 = arith.addi %mul3A_2, %mul3A_1061 : i32
      %dma_start3A_1063 = arith.constant 0 : i32
      %dma_start3A_1064 = tpu.memref_slice %arg4[%add3A_1062, %dma_start3A_1063] : memref<819200x64xf32, #tpu.memory_space<hbm>> -> memref<320x64xf32, #tpu.memory_space<hbm>>
      %dma_start3A_1065 = arith.constant 0 : i32
      %dma_start3A_1066 = tpu.memref_slice %arg4[%add3A_1062, %dma_start3A_1065] : memref<819200x64xf32, #tpu.memory_space<hbm>> -> memref<320x64xf32, #tpu.memory_space<hbm>>
      tpu.enqueue_dma source(%arg9 : memref<320x64xf32, #tpu.memory_space<vmem>>) target(%dma_start3A_1066 : memref<320x64xf32, #tpu.memory_space<hbm>>) target_semaphore(%arg19 : memref<!tpu.dma_semaphore, #tpu.memory_space<semaphore_mem>>)
      %add3A_1067 = arith.constant 3 : i32
      %add3A_1068 = arith.addi %add3A_602, %add3A_1067 : i32
      %dma_wait3A_1069 = arith.constant 0 : i32
      %dma_wait3A_1070 = arith.constant 0 : i32
      %dma_wait3A_1071 = tpu.memref_slice %arg4[%dma_wait3A_1069, %dma_wait3A_1070] : memref<819200x64xf32, #tpu.memory_space<hbm>> -> memref<320x64xf32, #tpu.memory_space<hbm>>
      %dma_wait3A_1072 = arith.constant 0 : i32
      %dma_wait3A_1073 = arith.constant 0 : i32
      %dma_wait3A_1074 = tpu.memref_slice %arg4[%dma_wait3A_1072, %dma_wait3A_1073] : memref<819200x64xf32, #tpu.memory_space<hbm>> -> memref<320x64xf32, #tpu.memory_space<hbm>>
      tpu.wait_dma2 semaphore(%arg19 : memref<!tpu.dma_semaphore, #tpu.memory_space<semaphore_mem>>) src(%arg9 : memref<320x64xf32, #tpu.memory_space<vmem>>) dst(%dma_wait3A_1074 : memref<320x64xf32, #tpu.memory_space<hbm>>)
      %add3A_1075 = arith.constant 5 : i32
      %add3A_1076 = arith.addi %add3A_1068, %add3A_1075 : i32
      %sub3A_1077 = arith.constant 1 : i32
      %sub3A_1078 = arith.subi %add3A_1076, %sub3A_1077 : i32
      %mul3A_1079 = arith.constant 10 : i32
      %mul3A_1080 = arith.muli %sub3A_1078, %mul3A_1079 : i32
      %add3A_1081 = arith.constant 0 : i32
      %add3A_1082 = arith.addi %mul3A_1080, %add3A_1081 : i32
      %dma_start3A_1083 = arith.constant 0 : i32
      %dma_start3A_1084 = arith.constant 0 : i32
      %dma_start3A_1085 = tpu.memref_slice %arg9[%dma_start3A_1083, %dma_start3A_1084] : memref<320x64xf32, #tpu.memory_space<vmem>> -> memref<32x64xf32, #tpu.memory_space<vmem>>
      %dma_start3A_1086 = arith.constant 0 : i32
      %dma_start3A_1087 = tpu.memref_slice %arg5[%add3A_1082, %dma_start3A_1086] : memref<800x32xi32, #tpu.memory_space<vmem>> -> memref<1x32xi32, #tpu.memory_space<vmem>>
      %dma_start3A_1088 = tpu.memref_squeeze %dma_start3A_1087 : memref<1x32xi32, #tpu.memory_space<vmem>> -> memref<32xi32, #tpu.memory_space<vmem>>
      %dma_start3A_1089 = arith.constant 0 : i32
      %dma_start3A_1090 = arith.constant 0 : i32
      %dma_start3A_1091 = tpu.memref_slice %arg2[%dma_start3A_1089, %dma_start3A_1090] : memref<1000000x64xf32, #tpu.memory_space<hbm>> -> memref<1000000x64xf32, #tpu.memory_space<hbm>>
      tpu.enqueue_indirect_dma source(%dma_start3A_1091 : memref<1000000x64xf32, #tpu.memory_space<hbm>>) target(%dma_start3A_1085 : memref<32x64xf32, #tpu.memory_space<vmem>>) offsets(%dma_start3A_1088 : memref<32xi32, #tpu.memory_space<vmem>>) semaphore(%arg14 : memref<!tpu.dma_semaphore, #tpu.memory_space<semaphore_mem>>)
      %mul3A_1092 = arith.constant 10 : i32
      %mul3A_1093 = arith.muli %sub3A_1078, %mul3A_1092 : i32
      %add3A_1094 = arith.constant 1 : i32
      %add3A_1095 = arith.addi %mul3A_1093, %add3A_1094 : i32
      %dma_start3A_1096 = arith.constant 32 : i32
      %dma_start3A_1097 = arith.constant 0 : i32
      %dma_start3A_1098 = tpu.memref_slice %arg9[%dma_start3A_1096, %dma_start3A_1097] : memref<320x64xf32, #tpu.memory_space<vmem>> -> memref<32x64xf32, #tpu.memory_space<vmem>>
      %dma_start3A_1099 = arith.constant 0 : i32
      %dma_start3A_1100 = tpu.memref_slice %arg5[%add3A_1095, %dma_start3A_1099] : memref<800x32xi32, #tpu.memory_space<vmem>> -> memref<1x32xi32, #tpu.memory_space<vmem>>
      %dma_start3A_1101 = tpu.memref_squeeze %dma_start3A_1100 : memref<1x32xi32, #tpu.memory_space<vmem>> -> memref<32xi32, #tpu.memory_space<vmem>>
      %dma_start3A_1102 = arith.constant 0 : i32
      %dma_start3A_1103 = arith.constant 0 : i32
      %dma_start3A_1104 = tpu.memref_slice %arg2[%dma_start3A_1102, %dma_start3A_1103] : memref<1000000x64xf32, #tpu.memory_space<hbm>> -> memref<1000000x64xf32, #tpu.memory_space<hbm>>
      tpu.enqueue_indirect_dma source(%dma_start3A_1104 : memref<1000000x64xf32, #tpu.memory_space<hbm>>) target(%dma_start3A_1098 : memref<32x64xf32, #tpu.memory_space<vmem>>) offsets(%dma_start3A_1101 : memref<32xi32, #tpu.memory_space<vmem>>) semaphore(%arg14 : memref<!tpu.dma_semaphore, #tpu.memory_space<semaphore_mem>>)
      %mul3A_1105 = arith.constant 10 : i32
      %mul3A_1106 = arith.muli %sub3A_1078, %mul3A_1105 : i32
      %add3A_1107 = arith.constant 2 : i32
      %add3A_1108 = arith.addi %mul3A_1106, %add3A_1107 : i32
      %dma_start3A_1109 = arith.constant 64 : i32
      %dma_start3A_1110 = arith.constant 0 : i32
      %dma_start3A_1111 = tpu.memref_slice %arg9[%dma_start3A_1109, %dma_start3A_1110] : memref<320x64xf32, #tpu.memory_space<vmem>> -> memref<32x64xf32, #tpu.memory_space<vmem>>
      %dma_start3A_1112 = arith.constant 0 : i32
      %dma_start3A_1113 = tpu.memref_slice %arg5[%add3A_1108, %dma_start3A_1112] : memref<800x32xi32, #tpu.memory_space<vmem>> -> memref<1x32xi32, #tpu.memory_space<vmem>>
      %dma_start3A_1114 = tpu.memref_squeeze %dma_start3A_1113 : memref<1x32xi32, #tpu.memory_space<vmem>> -> memref<32xi32, #tpu.memory_space<vmem>>
      %dma_start3A_1115 = arith.constant 0 : i32
      %dma_start3A_1116 = arith.constant 0 : i32
      %dma_start3A_1117 = tpu.memref_slice %arg2[%dma_start3A_1115, %dma_start3A_1116] : memref<1000000x64xf32, #tpu.memory_space<hbm>> -> memref<1000000x64xf32, #tpu.memory_space<hbm>>
      tpu.enqueue_indirect_dma source(%dma_start3A_1117 : memref<1000000x64xf32, #tpu.memory_space<hbm>>) target(%dma_start3A_1111 : memref<32x64xf32, #tpu.memory_space<vmem>>) offsets(%dma_start3A_1114 : memref<32xi32, #tpu.memory_space<vmem>>) semaphore(%arg14 : memref<!tpu.dma_semaphore, #tpu.memory_space<semaphore_mem>>)
      %mul3A_1118 = arith.constant 10 : i32
      %mul3A_1119 = arith.muli %sub3A_1078, %mul3A_1118 : i32
      %add3A_1120 = arith.constant 3 : i32
      %add3A_1121 = arith.addi %mul3A_1119, %add3A_1120 : i32
      %dma_start3A_1122 = arith.constant 96 : i32
      %dma_start3A_1123 = arith.constant 0 : i32
      %dma_start3A_1124 = tpu.memref_slice %arg9[%dma_start3A_1122, %dma_start3A_1123] : memref<320x64xf32, #tpu.memory_space<vmem>> -> memref<32x64xf32, #tpu.memory_space<vmem>>
      %dma_start3A_1125 = arith.constant 0 : i32
      %dma_start3A_1126 = tpu.memref_slice %arg5[%add3A_1121, %dma_start3A_1125] : memref<800x32xi32, #tpu.memory_space<vmem>> -> memref<1x32xi32, #tpu.memory_space<vmem>>
      %dma_start3A_1127 = tpu.memref_squeeze %dma_start3A_1126 : memref<1x32xi32, #tpu.memory_space<vmem>> -> memref<32xi32, #tpu.memory_space<vmem>>
      %dma_start3A_1128 = arith.constant 0 : i32
      %dma_start3A_1129 = arith.constant 0 : i32
      %dma_start3A_1130 = tpu.memref_slice %arg2[%dma_start3A_1128, %dma_start3A_1129] : memref<1000000x64xf32, #tpu.memory_space<hbm>> -> memref<1000000x64xf32, #tpu.memory_space<hbm>>
      tpu.enqueue_indirect_dma source(%dma_start3A_1130 : memref<1000000x64xf32, #tpu.memory_space<hbm>>) target(%dma_start3A_1124 : memref<32x64xf32, #tpu.memory_space<vmem>>) offsets(%dma_start3A_1127 : memref<32xi32, #tpu.memory_space<vmem>>) semaphore(%arg14 : memref<!tpu.dma_semaphore, #tpu.memory_space<semaphore_mem>>)
      %mul3A_1131 = arith.constant 10 : i32
      %mul3A_1132 = arith.muli %sub3A_1078, %mul3A_1131 : i32
      %add3A_1133 = arith.constant 4 : i32
      %add3A_1134 = arith.addi %mul3A_1132, %add3A_1133 : i32
      %dma_start3A_1135 = arith.constant 128 : i32
      %dma_start3A_1136 = arith.constant 0 : i32
      %dma_start3A_1137 = tpu.memref_slice %arg9[%dma_start3A_1135, %dma_start3A_1136] : memref<320x64xf32, #tpu.memory_space<vmem>> -> memref<32x64xf32, #tpu.memory_space<vmem>>
      %dma_start3A_1138 = arith.constant 0 : i32
      %dma_start3A_1139 = tpu.memref_slice %arg5[%add3A_1134, %dma_start3A_1138] : memref<800x32xi32, #tpu.memory_space<vmem>> -> memref<1x32xi32, #tpu.memory_space<vmem>>
      %dma_start3A_1140 = tpu.memref_squeeze %dma_start3A_1139 : memref<1x32xi32, #tpu.memory_space<vmem>> -> memref<32xi32, #tpu.memory_space<vmem>>
      %dma_start3A_1141 = arith.constant 0 : i32
      %dma_start3A_1142 = arith.constant 0 : i32
      %dma_start3A_1143 = tpu.memref_slice %arg2[%dma_start3A_1141, %dma_start3A_1142] : memref<1000000x64xf32, #tpu.memory_space<hbm>> -> memref<1000000x64xf32, #tpu.memory_space<hbm>>
      tpu.enqueue_indirect_dma source(%dma_start3A_1143 : memref<1000000x64xf32, #tpu.memory_space<hbm>>) target(%dma_start3A_1137 : memref<32x64xf32, #tpu.memory_space<vmem>>) offsets(%dma_start3A_1140 : memref<32xi32, #tpu.memory_space<vmem>>) semaphore(%arg14 : memref<!tpu.dma_semaphore, #tpu.memory_space<semaphore_mem>>)
      %mul3A_1144 = arith.constant 10 : i32
      %mul3A_1145 = arith.muli %sub3A_1078, %mul3A_1144 : i32
      %add3A_1146 = arith.constant 5 : i32
      %add3A_1147 = arith.addi %mul3A_1145, %add3A_1146 : i32
      %dma_start3A_1148 = arith.constant 160 : i32
      %dma_start3A_1149 = arith.constant 0 : i32
      %dma_start3A_1150 = tpu.memref_slice %arg9[%dma_start3A_1148, %dma_start3A_1149] : memref<320x64xf32, #tpu.memory_space<vmem>> -> memref<32x64xf32, #tpu.memory_space<vmem>>
      %dma_start3A_1151 = arith.constant 0 : i32
      %dma_start3A_1152 = tpu.memref_slice %arg5[%add3A_1147, %dma_start3A_1151] : memref<800x32xi32, #tpu.memory_space<vmem>> -> memref<1x32xi32, #tpu.memory_space<vmem>>
      %dma_start3A_1153 = tpu.memref_squeeze %dma_start3A_1152 : memref<1x32xi32, #tpu.memory_space<vmem>> -> memref<32xi32, #tpu.memory_space<vmem>>
      %dma_start3A_1154 = arith.constant 0 : i32
      %dma_start3A_1155 = arith.constant 0 : i32
      %dma_start3A_1156 = tpu.memref_slice %arg2[%dma_start3A_1154, %dma_start3A_1155] : memref<1000000x64xf32, #tpu.memory_space<hbm>> -> memref<1000000x64xf32, #tpu.memory_space<hbm>>
      tpu.enqueue_indirect_dma source(%dma_start3A_1156 : memref<1000000x64xf32, #tpu.memory_space<hbm>>) target(%dma_start3A_1150 : memref<32x64xf32, #tpu.memory_space<vmem>>) offsets(%dma_start3A_1153 : memref<32xi32, #tpu.memory_space<vmem>>) semaphore(%arg14 : memref<!tpu.dma_semaphore, #tpu.memory_space<semaphore_mem>>)
      %mul3A_1157 = arith.constant 10 : i32
      %mul3A_1158 = arith.muli %sub3A_1078, %mul3A_1157 : i32
      %add3A_1159 = arith.constant 6 : i32
      %add3A_1160 = arith.addi %mul3A_1158, %add3A_1159 : i32
      %dma_start3A_1161 = arith.constant 192 : i32
      %dma_start3A_1162 = arith.constant 0 : i32
      %dma_start3A_1163 = tpu.memref_slice %arg9[%dma_start3A_1161, %dma_start3A_1162] : memref<320x64xf32, #tpu.memory_space<vmem>> -> memref<32x64xf32, #tpu.memory_space<vmem>>
      %dma_start3A_1164 = arith.constant 0 : i32
      %dma_start3A_1165 = tpu.memref_slice %arg5[%add3A_1160, %dma_start3A_1164] : memref<800x32xi32, #tpu.memory_space<vmem>> -> memref<1x32xi32, #tpu.memory_space<vmem>>
      %dma_start3A_1166 = tpu.memref_squeeze %dma_start3A_1165 : memref<1x32xi32, #tpu.memory_space<vmem>> -> memref<32xi32, #tpu.memory_space<vmem>>
      %dma_start3A_1167 = arith.constant 0 : i32
      %dma_start3A_1168 = arith.constant 0 : i32
      %dma_start3A_1169 = tpu.memref_slice %arg2[%dma_start3A_1167, %dma_start3A_1168] : memref<1000000x64xf32, #tpu.memory_space<hbm>> -> memref<1000000x64xf32, #tpu.memory_space<hbm>>
      tpu.enqueue_indirect_dma source(%dma_start3A_1169 : memref<1000000x64xf32, #tpu.memory_space<hbm>>) target(%dma_start3A_1163 : memref<32x64xf32, #tpu.memory_space<vmem>>) offsets(%dma_start3A_1166 : memref<32xi32, #tpu.memory_space<vmem>>) semaphore(%arg14 : memref<!tpu.dma_semaphore, #tpu.memory_space<semaphore_mem>>)
      %mul3A_1170 = arith.constant 10 : i32
      %mul3A_1171 = arith.muli %sub3A_1078, %mul3A_1170 : i32
      %add3A_1172 = arith.constant 7 : i32
      %add3A_1173 = arith.addi %mul3A_1171, %add3A_1172 : i32
      %dma_start3A_1174 = arith.constant 224 : i32
      %dma_start3A_1175 = arith.constant 0 : i32
      %dma_start3A_1176 = tpu.memref_slice %arg9[%dma_start3A_1174, %dma_start3A_1175] : memref<320x64xf32, #tpu.memory_space<vmem>> -> memref<32x64xf32, #tpu.memory_space<vmem>>
      %dma_start3A_1177 = arith.constant 0 : i32
      %dma_start3A_1178 = tpu.memref_slice %arg5[%add3A_1173, %dma_start3A_1177] : memref<800x32xi32, #tpu.memory_space<vmem>> -> memref<1x32xi32, #tpu.memory_space<vmem>>
      %dma_start3A_1179 = tpu.memref_squeeze %dma_start3A_1178 : memref<1x32xi32, #tpu.memory_space<vmem>> -> memref<32xi32, #tpu.memory_space<vmem>>
      %dma_start3A_1180 = arith.constant 0 : i32
      %dma_start3A_1181 = arith.constant 0 : i32
      %dma_start3A_1182 = tpu.memref_slice %arg2[%dma_start3A_1180, %dma_start3A_1181] : memref<1000000x64xf32, #tpu.memory_space<hbm>> -> memref<1000000x64xf32, #tpu.memory_space<hbm>>
      tpu.enqueue_indirect_dma source(%dma_start3A_1182 : memref<1000000x64xf32, #tpu.memory_space<hbm>>) target(%dma_start3A_1176 : memref<32x64xf32, #tpu.memory_space<vmem>>) offsets(%dma_start3A_1179 : memref<32xi32, #tpu.memory_space<vmem>>) semaphore(%arg14 : memref<!tpu.dma_semaphore, #tpu.memory_space<semaphore_mem>>)
      %mul3A_1183 = arith.constant 10 : i32
      %mul3A_1184 = arith.muli %sub3A_1078, %mul3A_1183 : i32
      %add3A_1185 = arith.constant 8 : i32
      %add3A_1186 = arith.addi %mul3A_1184, %add3A_1185 : i32
      %dma_start3A_1187 = arith.constant 256 : i32
      %dma_start3A_1188 = arith.constant 0 : i32
      %dma_start3A_1189 = tpu.memref_slice %arg9[%dma_start3A_1187, %dma_start3A_1188] : memref<320x64xf32, #tpu.memory_space<vmem>> -> memref<32x64xf32, #tpu.memory_space<vmem>>
      %dma_start3A_1190 = arith.constant 0 : i32
      %dma_start3A_1191 = tpu.memref_slice %arg5[%add3A_1186, %dma_start3A_1190] : memref<800x32xi32, #tpu.memory_space<vmem>> -> memref<1x32xi32, #tpu.memory_space<vmem>>
      %dma_start3A_1192 = tpu.memref_squeeze %dma_start3A_1191 : memref<1x32xi32, #tpu.memory_space<vmem>> -> memref<32xi32, #tpu.memory_space<vmem>>
      %dma_start3A_1193 = arith.constant 0 : i32
      %dma_start3A_1194 = arith.constant 0 : i32
      %dma_start3A_1195 = tpu.memref_slice %arg2[%dma_start3A_1193, %dma_start3A_1194] : memref<1000000x64xf32, #tpu.memory_space<hbm>> -> memref<1000000x64xf32, #tpu.memory_space<hbm>>
      tpu.enqueue_indirect_dma source(%dma_start3A_1195 : memref<1000000x64xf32, #tpu.memory_space<hbm>>) target(%dma_start3A_1189 : memref<32x64xf32, #tpu.memory_space<vmem>>) offsets(%dma_start3A_1192 : memref<32xi32, #tpu.memory_space<vmem>>) semaphore(%arg14 : memref<!tpu.dma_semaphore, #tpu.memory_space<semaphore_mem>>)
      %mul3A_1196 = arith.constant 10 : i32
      %mul3A_1197 = arith.muli %sub3A_1078, %mul3A_1196 : i32
      %add3A_1198 = arith.constant 9 : i32
      %add3A_1199 = arith.addi %mul3A_1197, %add3A_1198 : i32
      %dma_start3A_1200 = arith.constant 288 : i32
      %dma_start3A_1201 = arith.constant 0 : i32
      %dma_start3A_1202 = tpu.memref_slice %arg9[%dma_start3A_1200, %dma_start3A_1201] : memref<320x64xf32, #tpu.memory_space<vmem>> -> memref<32x64xf32, #tpu.memory_space<vmem>>
      %dma_start3A_1203 = arith.constant 0 : i32
      %dma_start3A_1204 = tpu.memref_slice %arg5[%add3A_1199, %dma_start3A_1203] : memref<800x32xi32, #tpu.memory_space<vmem>> -> memref<1x32xi32, #tpu.memory_space<vmem>>
      %dma_start3A_1205 = tpu.memref_squeeze %dma_start3A_1204 : memref<1x32xi32, #tpu.memory_space<vmem>> -> memref<32xi32, #tpu.memory_space<vmem>>
      %dma_start3A_1206 = arith.constant 0 : i32
      %dma_start3A_1207 = arith.constant 0 : i32
      %dma_start3A_1208 = tpu.memref_slice %arg2[%dma_start3A_1206, %dma_start3A_1207] : memref<1000000x64xf32, #tpu.memory_space<hbm>> -> memref<1000000x64xf32, #tpu.memory_space<hbm>>
      tpu.enqueue_indirect_dma source(%dma_start3A_1208 : memref<1000000x64xf32, #tpu.memory_space<hbm>>) target(%dma_start3A_1202 : memref<32x64xf32, #tpu.memory_space<vmem>>) offsets(%dma_start3A_1205 : memref<32xi32, #tpu.memory_space<vmem>>) semaphore(%arg14 : memref<!tpu.dma_semaphore, #tpu.memory_space<semaphore_mem>>)
      %dma_wait3A_1209 = arith.constant 0 : i32
      %dma_wait3A_1210 = arith.constant 0 : i32
      %dma_wait3A_1211 = tpu.memref_slice %arg2[%dma_wait3A_1209, %dma_wait3A_1210] : memref<1000000x64xf32, #tpu.memory_space<hbm>> -> memref<320x64xf32, #tpu.memory_space<hbm>>
      %dma_wait3A_1212 = arith.constant 0 : i32
      %dma_wait3A_1213 = arith.constant 0 : i32
      %dma_wait3A_1214 = tpu.memref_slice %arg2[%dma_wait3A_1212, %dma_wait3A_1213] : memref<1000000x64xf32, #tpu.memory_space<hbm>> -> memref<320x64xf32, #tpu.memory_space<hbm>>
      tpu.wait_dma2 semaphore(%arg15 : memref<!tpu.dma_semaphore, #tpu.memory_space<semaphore_mem>>) src(%dma_wait3A_1214 : memref<320x64xf32, #tpu.memory_space<hbm>>) dst(%arg10 : memref<320x64xf32, #tpu.memory_space<vmem>>)
      %mul3A_1215 = arith.constant 320 : i32
      %mul3A_1216 = arith.muli %add3A_1068, %mul3A_1215 : i32
      %add3A_1217 = arith.addi %mul3A_2, %mul3A_1216 : i32
      %dma_start3A_1218 = arith.constant 0 : i32
      %dma_start3A_1219 = tpu.memref_slice %arg4[%add3A_1217, %dma_start3A_1218] : memref<819200x64xf32, #tpu.memory_space<hbm>> -> memref<320x64xf32, #tpu.memory_space<hbm>>
      %dma_start3A_1220 = arith.constant 0 : i32
      %dma_start3A_1221 = tpu.memref_slice %arg4[%add3A_1217, %dma_start3A_1220] : memref<819200x64xf32, #tpu.memory_space<hbm>> -> memref<320x64xf32, #tpu.memory_space<hbm>>
      tpu.enqueue_dma source(%arg10 : memref<320x64xf32, #tpu.memory_space<vmem>>) target(%dma_start3A_1221 : memref<320x64xf32, #tpu.memory_space<hbm>>) target_semaphore(%arg20 : memref<!tpu.dma_semaphore, #tpu.memory_space<semaphore_mem>>)
      %add3A_1222 = arith.constant 4 : i32
      %add3A_1223 = arith.addi %add3A_602, %add3A_1222 : i32
      %dma_wait3A_1224 = arith.constant 0 : i32
      %dma_wait3A_1225 = arith.constant 0 : i32
      %dma_wait3A_1226 = tpu.memref_slice %arg4[%dma_wait3A_1224, %dma_wait3A_1225] : memref<819200x64xf32, #tpu.memory_space<hbm>> -> memref<320x64xf32, #tpu.memory_space<hbm>>
      %dma_wait3A_1227 = arith.constant 0 : i32
      %dma_wait3A_1228 = arith.constant 0 : i32
      %dma_wait3A_1229 = tpu.memref_slice %arg4[%dma_wait3A_1227, %dma_wait3A_1228] : memref<819200x64xf32, #tpu.memory_space<hbm>> -> memref<320x64xf32, #tpu.memory_space<hbm>>
      tpu.wait_dma2 semaphore(%arg20 : memref<!tpu.dma_semaphore, #tpu.memory_space<semaphore_mem>>) src(%arg10 : memref<320x64xf32, #tpu.memory_space<vmem>>) dst(%dma_wait3A_1229 : memref<320x64xf32, #tpu.memory_space<hbm>>)
      %add3A_1230 = arith.constant 5 : i32
      %add3A_1231 = arith.addi %add3A_1223, %add3A_1230 : i32
      %sub3A_1232 = arith.constant 1 : i32
      %sub3A_1233 = arith.subi %add3A_1231, %sub3A_1232 : i32
      %mul3A_1234 = arith.constant 10 : i32
      %mul3A_1235 = arith.muli %sub3A_1233, %mul3A_1234 : i32
      %add3A_1236 = arith.constant 0 : i32
      %add3A_1237 = arith.addi %mul3A_1235, %add3A_1236 : i32
      %dma_start3A_1238 = arith.constant 0 : i32
      %dma_start3A_1239 = arith.constant 0 : i32
      %dma_start3A_1240 = tpu.memref_slice %arg10[%dma_start3A_1238, %dma_start3A_1239] : memref<320x64xf32, #tpu.memory_space<vmem>> -> memref<32x64xf32, #tpu.memory_space<vmem>>
      %dma_start3A_1241 = arith.constant 0 : i32
      %dma_start3A_1242 = tpu.memref_slice %arg5[%add3A_1237, %dma_start3A_1241] : memref<800x32xi32, #tpu.memory_space<vmem>> -> memref<1x32xi32, #tpu.memory_space<vmem>>
      %dma_start3A_1243 = tpu.memref_squeeze %dma_start3A_1242 : memref<1x32xi32, #tpu.memory_space<vmem>> -> memref<32xi32, #tpu.memory_space<vmem>>
      %dma_start3A_1244 = arith.constant 0 : i32
      %dma_start3A_1245 = arith.constant 0 : i32
      %dma_start3A_1246 = tpu.memref_slice %arg2[%dma_start3A_1244, %dma_start3A_1245] : memref<1000000x64xf32, #tpu.memory_space<hbm>> -> memref<1000000x64xf32, #tpu.memory_space<hbm>>
      tpu.enqueue_indirect_dma source(%dma_start3A_1246 : memref<1000000x64xf32, #tpu.memory_space<hbm>>) target(%dma_start3A_1240 : memref<32x64xf32, #tpu.memory_space<vmem>>) offsets(%dma_start3A_1243 : memref<32xi32, #tpu.memory_space<vmem>>) semaphore(%arg15 : memref<!tpu.dma_semaphore, #tpu.memory_space<semaphore_mem>>)
      %mul3A_1247 = arith.constant 10 : i32
      %mul3A_1248 = arith.muli %sub3A_1233, %mul3A_1247 : i32
      %add3A_1249 = arith.constant 1 : i32
      %add3A_1250 = arith.addi %mul3A_1248, %add3A_1249 : i32
      %dma_start3A_1251 = arith.constant 32 : i32
      %dma_start3A_1252 = arith.constant 0 : i32
      %dma_start3A_1253 = tpu.memref_slice %arg10[%dma_start3A_1251, %dma_start3A_1252] : memref<320x64xf32, #tpu.memory_space<vmem>> -> memref<32x64xf32, #tpu.memory_space<vmem>>
      %dma_start3A_1254 = arith.constant 0 : i32
      %dma_start3A_1255 = tpu.memref_slice %arg5[%add3A_1250, %dma_start3A_1254] : memref<800x32xi32, #tpu.memory_space<vmem>> -> memref<1x32xi32, #tpu.memory_space<vmem>>
      %dma_start3A_1256 = tpu.memref_squeeze %dma_start3A_1255 : memref<1x32xi32, #tpu.memory_space<vmem>> -> memref<32xi32, #tpu.memory_space<vmem>>
      %dma_start3A_1257 = arith.constant 0 : i32
      %dma_start3A_1258 = arith.constant 0 : i32
      %dma_start3A_1259 = tpu.memref_slice %arg2[%dma_start3A_1257, %dma_start3A_1258] : memref<1000000x64xf32, #tpu.memory_space<hbm>> -> memref<1000000x64xf32, #tpu.memory_space<hbm>>
      tpu.enqueue_indirect_dma source(%dma_start3A_1259 : memref<1000000x64xf32, #tpu.memory_space<hbm>>) target(%dma_start3A_1253 : memref<32x64xf32, #tpu.memory_space<vmem>>) offsets(%dma_start3A_1256 : memref<32xi32, #tpu.memory_space<vmem>>) semaphore(%arg15 : memref<!tpu.dma_semaphore, #tpu.memory_space<semaphore_mem>>)
      %mul3A_1260 = arith.constant 10 : i32
      %mul3A_1261 = arith.muli %sub3A_1233, %mul3A_1260 : i32
      %add3A_1262 = arith.constant 2 : i32
      %add3A_1263 = arith.addi %mul3A_1261, %add3A_1262 : i32
      %dma_start3A_1264 = arith.constant 64 : i32
      %dma_start3A_1265 = arith.constant 0 : i32
      %dma_start3A_1266 = tpu.memref_slice %arg10[%dma_start3A_1264, %dma_start3A_1265] : memref<320x64xf32, #tpu.memory_space<vmem>> -> memref<32x64xf32, #tpu.memory_space<vmem>>
      %dma_start3A_1267 = arith.constant 0 : i32
      %dma_start3A_1268 = tpu.memref_slice %arg5[%add3A_1263, %dma_start3A_1267] : memref<800x32xi32, #tpu.memory_space<vmem>> -> memref<1x32xi32, #tpu.memory_space<vmem>>
      %dma_start3A_1269 = tpu.memref_squeeze %dma_start3A_1268 : memref<1x32xi32, #tpu.memory_space<vmem>> -> memref<32xi32, #tpu.memory_space<vmem>>
      %dma_start3A_1270 = arith.constant 0 : i32
      %dma_start3A_1271 = arith.constant 0 : i32
      %dma_start3A_1272 = tpu.memref_slice %arg2[%dma_start3A_1270, %dma_start3A_1271] : memref<1000000x64xf32, #tpu.memory_space<hbm>> -> memref<1000000x64xf32, #tpu.memory_space<hbm>>
      tpu.enqueue_indirect_dma source(%dma_start3A_1272 : memref<1000000x64xf32, #tpu.memory_space<hbm>>) target(%dma_start3A_1266 : memref<32x64xf32, #tpu.memory_space<vmem>>) offsets(%dma_start3A_1269 : memref<32xi32, #tpu.memory_space<vmem>>) semaphore(%arg15 : memref<!tpu.dma_semaphore, #tpu.memory_space<semaphore_mem>>)
      %mul3A_1273 = arith.constant 10 : i32
      %mul3A_1274 = arith.muli %sub3A_1233, %mul3A_1273 : i32
      %add3A_1275 = arith.constant 3 : i32
      %add3A_1276 = arith.addi %mul3A_1274, %add3A_1275 : i32
      %dma_start3A_1277 = arith.constant 96 : i32
      %dma_start3A_1278 = arith.constant 0 : i32
      %dma_start3A_1279 = tpu.memref_slice %arg10[%dma_start3A_1277, %dma_start3A_1278] : memref<320x64xf32, #tpu.memory_space<vmem>> -> memref<32x64xf32, #tpu.memory_space<vmem>>
      %dma_start3A_1280 = arith.constant 0 : i32
      %dma_start3A_1281 = tpu.memref_slice %arg5[%add3A_1276, %dma_start3A_1280] : memref<800x32xi32, #tpu.memory_space<vmem>> -> memref<1x32xi32, #tpu.memory_space<vmem>>
      %dma_start3A_1282 = tpu.memref_squeeze %dma_start3A_1281 : memref<1x32xi32, #tpu.memory_space<vmem>> -> memref<32xi32, #tpu.memory_space<vmem>>
      %dma_start3A_1283 = arith.constant 0 : i32
      %dma_start3A_1284 = arith.constant 0 : i32
      %dma_start3A_1285 = tpu.memref_slice %arg2[%dma_start3A_1283, %dma_start3A_1284] : memref<1000000x64xf32, #tpu.memory_space<hbm>> -> memref<1000000x64xf32, #tpu.memory_space<hbm>>
      tpu.enqueue_indirect_dma source(%dma_start3A_1285 : memref<1000000x64xf32, #tpu.memory_space<hbm>>) target(%dma_start3A_1279 : memref<32x64xf32, #tpu.memory_space<vmem>>) offsets(%dma_start3A_1282 : memref<32xi32, #tpu.memory_space<vmem>>) semaphore(%arg15 : memref<!tpu.dma_semaphore, #tpu.memory_space<semaphore_mem>>)
      %mul3A_1286 = arith.constant 10 : i32
      %mul3A_1287 = arith.muli %sub3A_1233, %mul3A_1286 : i32
      %add3A_1288 = arith.constant 4 : i32
      %add3A_1289 = arith.addi %mul3A_1287, %add3A_1288 : i32
      %dma_start3A_1290 = arith.constant 128 : i32
      %dma_start3A_1291 = arith.constant 0 : i32
      %dma_start3A_1292 = tpu.memref_slice %arg10[%dma_start3A_1290, %dma_start3A_1291] : memref<320x64xf32, #tpu.memory_space<vmem>> -> memref<32x64xf32, #tpu.memory_space<vmem>>
      %dma_start3A_1293 = arith.constant 0 : i32
      %dma_start3A_1294 = tpu.memref_slice %arg5[%add3A_1289, %dma_start3A_1293] : memref<800x32xi32, #tpu.memory_space<vmem>> -> memref<1x32xi32, #tpu.memory_space<vmem>>
      %dma_start3A_1295 = tpu.memref_squeeze %dma_start3A_1294 : memref<1x32xi32, #tpu.memory_space<vmem>> -> memref<32xi32, #tpu.memory_space<vmem>>
      %dma_start3A_1296 = arith.constant 0 : i32
      %dma_start3A_1297 = arith.constant 0 : i32
      %dma_start3A_1298 = tpu.memref_slice %arg2[%dma_start3A_1296, %dma_start3A_1297] : memref<1000000x64xf32, #tpu.memory_space<hbm>> -> memref<1000000x64xf32, #tpu.memory_space<hbm>>
      tpu.enqueue_indirect_dma source(%dma_start3A_1298 : memref<1000000x64xf32, #tpu.memory_space<hbm>>) target(%dma_start3A_1292 : memref<32x64xf32, #tpu.memory_space<vmem>>) offsets(%dma_start3A_1295 : memref<32xi32, #tpu.memory_space<vmem>>) semaphore(%arg15 : memref<!tpu.dma_semaphore, #tpu.memory_space<semaphore_mem>>)
      %mul3A_1299 = arith.constant 10 : i32
      %mul3A_1300 = arith.muli %sub3A_1233, %mul3A_1299 : i32
      %add3A_1301 = arith.constant 5 : i32
      %add3A_1302 = arith.addi %mul3A_1300, %add3A_1301 : i32
      %dma_start3A_1303 = arith.constant 160 : i32
      %dma_start3A_1304 = arith.constant 0 : i32
      %dma_start3A_1305 = tpu.memref_slice %arg10[%dma_start3A_1303, %dma_start3A_1304] : memref<320x64xf32, #tpu.memory_space<vmem>> -> memref<32x64xf32, #tpu.memory_space<vmem>>
      %dma_start3A_1306 = arith.constant 0 : i32
      %dma_start3A_1307 = tpu.memref_slice %arg5[%add3A_1302, %dma_start3A_1306] : memref<800x32xi32, #tpu.memory_space<vmem>> -> memref<1x32xi32, #tpu.memory_space<vmem>>
      %dma_start3A_1308 = tpu.memref_squeeze %dma_start3A_1307 : memref<1x32xi32, #tpu.memory_space<vmem>> -> memref<32xi32, #tpu.memory_space<vmem>>
      %dma_start3A_1309 = arith.constant 0 : i32
      %dma_start3A_1310 = arith.constant 0 : i32
      %dma_start3A_1311 = tpu.memref_slice %arg2[%dma_start3A_1309, %dma_start3A_1310] : memref<1000000x64xf32, #tpu.memory_space<hbm>> -> memref<1000000x64xf32, #tpu.memory_space<hbm>>
      tpu.enqueue_indirect_dma source(%dma_start3A_1311 : memref<1000000x64xf32, #tpu.memory_space<hbm>>) target(%dma_start3A_1305 : memref<32x64xf32, #tpu.memory_space<vmem>>) offsets(%dma_start3A_1308 : memref<32xi32, #tpu.memory_space<vmem>>) semaphore(%arg15 : memref<!tpu.dma_semaphore, #tpu.memory_space<semaphore_mem>>)
      %mul3A_1312 = arith.constant 10 : i32
      %mul3A_1313 = arith.muli %sub3A_1233, %mul3A_1312 : i32
      %add3A_1314 = arith.constant 6 : i32
      %add3A_1315 = arith.addi %mul3A_1313, %add3A_1314 : i32
      %dma_start3A_1316 = arith.constant 192 : i32
      %dma_start3A_1317 = arith.constant 0 : i32
      %dma_start3A_1318 = tpu.memref_slice %arg10[%dma_start3A_1316, %dma_start3A_1317] : memref<320x64xf32, #tpu.memory_space<vmem>> -> memref<32x64xf32, #tpu.memory_space<vmem>>
      %dma_start3A_1319 = arith.constant 0 : i32
      %dma_start3A_1320 = tpu.memref_slice %arg5[%add3A_1315, %dma_start3A_1319] : memref<800x32xi32, #tpu.memory_space<vmem>> -> memref<1x32xi32, #tpu.memory_space<vmem>>
      %dma_start3A_1321 = tpu.memref_squeeze %dma_start3A_1320 : memref<1x32xi32, #tpu.memory_space<vmem>> -> memref<32xi32, #tpu.memory_space<vmem>>
      %dma_start3A_1322 = arith.constant 0 : i32
      %dma_start3A_1323 = arith.constant 0 : i32
      %dma_start3A_1324 = tpu.memref_slice %arg2[%dma_start3A_1322, %dma_start3A_1323] : memref<1000000x64xf32, #tpu.memory_space<hbm>> -> memref<1000000x64xf32, #tpu.memory_space<hbm>>
      tpu.enqueue_indirect_dma source(%dma_start3A_1324 : memref<1000000x64xf32, #tpu.memory_space<hbm>>) target(%dma_start3A_1318 : memref<32x64xf32, #tpu.memory_space<vmem>>) offsets(%dma_start3A_1321 : memref<32xi32, #tpu.memory_space<vmem>>) semaphore(%arg15 : memref<!tpu.dma_semaphore, #tpu.memory_space<semaphore_mem>>)
      %mul3A_1325 = arith.constant 10 : i32
      %mul3A_1326 = arith.muli %sub3A_1233, %mul3A_1325 : i32
      %add3A_1327 = arith.constant 7 : i32
      %add3A_1328 = arith.addi %mul3A_1326, %add3A_1327 : i32
      %dma_start3A_1329 = arith.constant 224 : i32
      %dma_start3A_1330 = arith.constant 0 : i32
      %dma_start3A_1331 = tpu.memref_slice %arg10[%dma_start3A_1329, %dma_start3A_1330] : memref<320x64xf32, #tpu.memory_space<vmem>> -> memref<32x64xf32, #tpu.memory_space<vmem>>
      %dma_start3A_1332 = arith.constant 0 : i32
      %dma_start3A_1333 = tpu.memref_slice %arg5[%add3A_1328, %dma_start3A_1332] : memref<800x32xi32, #tpu.memory_space<vmem>> -> memref<1x32xi32, #tpu.memory_space<vmem>>
      %dma_start3A_1334 = tpu.memref_squeeze %dma_start3A_1333 : memref<1x32xi32, #tpu.memory_space<vmem>> -> memref<32xi32, #tpu.memory_space<vmem>>
      %dma_start3A_1335 = arith.constant 0 : i32
      %dma_start3A_1336 = arith.constant 0 : i32
      %dma_start3A_1337 = tpu.memref_slice %arg2[%dma_start3A_1335, %dma_start3A_1336] : memref<1000000x64xf32, #tpu.memory_space<hbm>> -> memref<1000000x64xf32, #tpu.memory_space<hbm>>
      tpu.enqueue_indirect_dma source(%dma_start3A_1337 : memref<1000000x64xf32, #tpu.memory_space<hbm>>) target(%dma_start3A_1331 : memref<32x64xf32, #tpu.memory_space<vmem>>) offsets(%dma_start3A_1334 : memref<32xi32, #tpu.memory_space<vmem>>) semaphore(%arg15 : memref<!tpu.dma_semaphore, #tpu.memory_space<semaphore_mem>>)
      %mul3A_1338 = arith.constant 10 : i32
      %mul3A_1339 = arith.muli %sub3A_1233, %mul3A_1338 : i32
      %add3A_1340 = arith.constant 8 : i32
      %add3A_1341 = arith.addi %mul3A_1339, %add3A_1340 : i32
      %dma_start3A_1342 = arith.constant 256 : i32
      %dma_start3A_1343 = arith.constant 0 : i32
      %dma_start3A_1344 = tpu.memref_slice %arg10[%dma_start3A_1342, %dma_start3A_1343] : memref<320x64xf32, #tpu.memory_space<vmem>> -> memref<32x64xf32, #tpu.memory_space<vmem>>
      %dma_start3A_1345 = arith.constant 0 : i32
      %dma_start3A_1346 = tpu.memref_slice %arg5[%add3A_1341, %dma_start3A_1345] : memref<800x32xi32, #tpu.memory_space<vmem>> -> memref<1x32xi32, #tpu.memory_space<vmem>>
      %dma_start3A_1347 = tpu.memref_squeeze %dma_start3A_1346 : memref<1x32xi32, #tpu.memory_space<vmem>> -> memref<32xi32, #tpu.memory_space<vmem>>
      %dma_start3A_1348 = arith.constant 0 : i32
      %dma_start3A_1349 = arith.constant 0 : i32
      %dma_start3A_1350 = tpu.memref_slice %arg2[%dma_start3A_1348, %dma_start3A_1349] : memref<1000000x64xf32, #tpu.memory_space<hbm>> -> memref<1000000x64xf32, #tpu.memory_space<hbm>>
      tpu.enqueue_indirect_dma source(%dma_start3A_1350 : memref<1000000x64xf32, #tpu.memory_space<hbm>>) target(%dma_start3A_1344 : memref<32x64xf32, #tpu.memory_space<vmem>>) offsets(%dma_start3A_1347 : memref<32xi32, #tpu.memory_space<vmem>>) semaphore(%arg15 : memref<!tpu.dma_semaphore, #tpu.memory_space<semaphore_mem>>)
      %mul3A_1351 = arith.constant 10 : i32
      %mul3A_1352 = arith.muli %sub3A_1233, %mul3A_1351 : i32
      %add3A_1353 = arith.constant 9 : i32
      %add3A_1354 = arith.addi %mul3A_1352, %add3A_1353 : i32
      %dma_start3A_1355 = arith.constant 288 : i32
      %dma_start3A_1356 = arith.constant 0 : i32
      %dma_start3A_1357 = tpu.memref_slice %arg10[%dma_start3A_1355, %dma_start3A_1356] : memref<320x64xf32, #tpu.memory_space<vmem>> -> memref<32x64xf32, #tpu.memory_space<vmem>>
      %dma_start3A_1358 = arith.constant 0 : i32
      %dma_start3A_1359 = tpu.memref_slice %arg5[%add3A_1354, %dma_start3A_1358] : memref<800x32xi32, #tpu.memory_space<vmem>> -> memref<1x32xi32, #tpu.memory_space<vmem>>
      %dma_start3A_1360 = tpu.memref_squeeze %dma_start3A_1359 : memref<1x32xi32, #tpu.memory_space<vmem>> -> memref<32xi32, #tpu.memory_space<vmem>>
      %dma_start3A_1361 = arith.constant 0 : i32
      %dma_start3A_1362 = arith.constant 0 : i32
      %dma_start3A_1363 = tpu.memref_slice %arg2[%dma_start3A_1361, %dma_start3A_1362] : memref<1000000x64xf32, #tpu.memory_space<hbm>> -> memref<1000000x64xf32, #tpu.memory_space<hbm>>
      tpu.enqueue_indirect_dma source(%dma_start3A_1363 : memref<1000000x64xf32, #tpu.memory_space<hbm>>) target(%dma_start3A_1357 : memref<32x64xf32, #tpu.memory_space<vmem>>) offsets(%dma_start3A_1360 : memref<32xi32, #tpu.memory_space<vmem>>) semaphore(%arg15 : memref<!tpu.dma_semaphore, #tpu.memory_space<semaphore_mem>>)
      %dma_wait3A_1364 = arith.constant 0 : i32
      %dma_wait3A_1365 = arith.constant 0 : i32
      %dma_wait3A_1366 = tpu.memref_slice %arg2[%dma_wait3A_1364, %dma_wait3A_1365] : memref<1000000x64xf32, #tpu.memory_space<hbm>> -> memref<320x64xf32, #tpu.memory_space<hbm>>
      %dma_wait3A_1367 = arith.constant 0 : i32
      %dma_wait3A_1368 = arith.constant 0 : i32
      %dma_wait3A_1369 = tpu.memref_slice %arg2[%dma_wait3A_1367, %dma_wait3A_1368] : memref<1000000x64xf32, #tpu.memory_space<hbm>> -> memref<320x64xf32, #tpu.memory_space<hbm>>
      tpu.wait_dma2 semaphore(%arg11 : memref<!tpu.dma_semaphore, #tpu.memory_space<semaphore_mem>>) src(%dma_wait3A_1369 : memref<320x64xf32, #tpu.memory_space<hbm>>) dst(%arg6 : memref<320x64xf32, #tpu.memory_space<vmem>>)
      %mul3A_1370 = arith.constant 320 : i32
      %mul3A_1371 = arith.muli %add3A_1223, %mul3A_1370 : i32
      %add3A_1372 = arith.addi %mul3A_2, %mul3A_1371 : i32
      %dma_start3A_1373 = arith.constant 0 : i32
      %dma_start3A_1374 = tpu.memref_slice %arg4[%add3A_1372, %dma_start3A_1373] : memref<819200x64xf32, #tpu.memory_space<hbm>> -> memref<320x64xf32, #tpu.memory_space<hbm>>
      %dma_start3A_1375 = arith.constant 0 : i32
      %dma_start3A_1376 = tpu.memref_slice %arg4[%add3A_1372, %dma_start3A_1375] : memref<819200x64xf32, #tpu.memory_space<hbm>> -> memref<320x64xf32, #tpu.memory_space<hbm>>
      tpu.enqueue_dma source(%arg6 : memref<320x64xf32, #tpu.memory_space<vmem>>) target(%dma_start3A_1376 : memref<320x64xf32, #tpu.memory_space<hbm>>) target_semaphore(%arg16 : memref<!tpu.dma_semaphore, #tpu.memory_space<semaphore_mem>>)
    }
    %scan3A_519 = arith.constant 15 : i32
    %dma_wait3A_520 = arith.constant 0 : i32
    %dma_wait3A_521 = arith.constant 0 : i32
    %dma_wait3A_522 = tpu.memref_slice %arg2[%dma_wait3A_520, %dma_wait3A_521] : memref<1000000x64xf32, #tpu.memory_space<hbm>> -> memref<320x64xf32, #tpu.memory_space<hbm>>
    %dma_wait3A_523 = arith.constant 0 : i32
    %dma_wait3A_524 = arith.constant 0 : i32
    %dma_wait3A_525 = tpu.memref_slice %arg2[%dma_wait3A_523, %dma_wait3A_524] : memref<1000000x64xf32, #tpu.memory_space<hbm>> -> memref<320x64xf32, #tpu.memory_space<hbm>>
    tpu.wait_dma2 semaphore(%arg12 : memref<!tpu.dma_semaphore, #tpu.memory_space<semaphore_mem>>) src(%dma_wait3A_525 : memref<320x64xf32, #tpu.memory_space<hbm>>) dst(%arg7 : memref<320x64xf32, #tpu.memory_space<vmem>>)
    %add3A_526 = arith.constant 24320 : i32
    %add3A_527 = arith.addi %mul3A_2, %add3A_526 : i32
    %dma_start3A_528 = arith.constant 0 : i32
    %dma_start3A_529 = tpu.memref_slice %arg4[%add3A_527, %dma_start3A_528] : memref<819200x64xf32, #tpu.memory_space<hbm>> -> memref<320x64xf32, #tpu.memory_space<hbm>>
    %dma_start3A_530 = arith.constant 0 : i32
    %dma_start3A_531 = tpu.memref_slice %arg4[%add3A_527, %dma_start3A_530] : memref<819200x64xf32, #tpu.memory_space<hbm>> -> memref<320x64xf32, #tpu.memory_space<hbm>>
    tpu.enqueue_dma source(%arg7 : memref<320x64xf32, #tpu.memory_space<vmem>>) target(%dma_start3A_531 : memref<320x64xf32, #tpu.memory_space<hbm>>) target_semaphore(%arg17 : memref<!tpu.dma_semaphore, #tpu.memory_space<semaphore_mem>>)
    %dma_wait3A_532 = arith.constant 0 : i32
    %dma_wait3A_533 = arith.constant 0 : i32
    %dma_wait3A_534 = tpu.memref_slice %arg2[%dma_wait3A_532, %dma_wait3A_533] : memref<1000000x64xf32, #tpu.memory_space<hbm>> -> memref<320x64xf32, #tpu.memory_space<hbm>>
    %dma_wait3A_535 = arith.constant 0 : i32
    %dma_wait3A_536 = arith.constant 0 : i32
    %dma_wait3A_537 = tpu.memref_slice %arg2[%dma_wait3A_535, %dma_wait3A_536] : memref<1000000x64xf32, #tpu.memory_space<hbm>> -> memref<320x64xf32, #tpu.memory_space<hbm>>
    tpu.wait_dma2 semaphore(%arg13 : memref<!tpu.dma_semaphore, #tpu.memory_space<semaphore_mem>>) src(%dma_wait3A_537 : memref<320x64xf32, #tpu.memory_space<hbm>>) dst(%arg8 : memref<320x64xf32, #tpu.memory_space<vmem>>)
    %add3A_538 = arith.constant 24640 : i32
    %add3A_539 = arith.addi %mul3A_2, %add3A_538 : i32
    %dma_start3A_540 = arith.constant 0 : i32
    %dma_start3A_541 = tpu.memref_slice %arg4[%add3A_539, %dma_start3A_540] : memref<819200x64xf32, #tpu.memory_space<hbm>> -> memref<320x64xf32, #tpu.memory_space<hbm>>
    %dma_start3A_542 = arith.constant 0 : i32
    %dma_start3A_543 = tpu.memref_slice %arg4[%add3A_539, %dma_start3A_542] : memref<819200x64xf32, #tpu.memory_space<hbm>> -> memref<320x64xf32, #tpu.memory_space<hbm>>
    tpu.enqueue_dma source(%arg8 : memref<320x64xf32, #tpu.memory_space<vmem>>) target(%dma_start3A_543 : memref<320x64xf32, #tpu.memory_space<hbm>>) target_semaphore(%arg18 : memref<!tpu.dma_semaphore, #tpu.memory_space<semaphore_mem>>)
    %dma_wait3A_544 = arith.constant 0 : i32
    %dma_wait3A_545 = arith.constant 0 : i32
    %dma_wait3A_546 = tpu.memref_slice %arg2[%dma_wait3A_544, %dma_wait3A_545] : memref<1000000x64xf32, #tpu.memory_space<hbm>> -> memref<320x64xf32, #tpu.memory_space<hbm>>
    %dma_wait3A_547 = arith.constant 0 : i32
    %dma_wait3A_548 = arith.constant 0 : i32
    %dma_wait3A_549 = tpu.memref_slice %arg2[%dma_wait3A_547, %dma_wait3A_548] : memref<1000000x64xf32, #tpu.memory_space<hbm>> -> memref<320x64xf32, #tpu.memory_space<hbm>>
    tpu.wait_dma2 semaphore(%arg14 : memref<!tpu.dma_semaphore, #tpu.memory_space<semaphore_mem>>) src(%dma_wait3A_549 : memref<320x64xf32, #tpu.memory_space<hbm>>) dst(%arg9 : memref<320x64xf32, #tpu.memory_space<vmem>>)
    %add3A_550 = arith.constant 24960 : i32
    %add3A_551 = arith.addi %mul3A_2, %add3A_550 : i32
    %dma_start3A_552 = arith.constant 0 : i32
    %dma_start3A_553 = tpu.memref_slice %arg4[%add3A_551, %dma_start3A_552] : memref<819200x64xf32, #tpu.memory_space<hbm>> -> memref<320x64xf32, #tpu.memory_space<hbm>>
    %dma_start3A_554 = arith.constant 0 : i32
    %dma_start3A_555 = tpu.memref_slice %arg4[%add3A_551, %dma_start3A_554] : memref<819200x64xf32, #tpu.memory_space<hbm>> -> memref<320x64xf32, #tpu.memory_space<hbm>>
    tpu.enqueue_dma source(%arg9 : memref<320x64xf32, #tpu.memory_space<vmem>>) target(%dma_start3A_555 : memref<320x64xf32, #tpu.memory_space<hbm>>) target_semaphore(%arg19 : memref<!tpu.dma_semaphore, #tpu.memory_space<semaphore_mem>>)
    %dma_wait3A_556 = arith.constant 0 : i32
    %dma_wait3A_557 = arith.constant 0 : i32
    %dma_wait3A_558 = tpu.memref_slice %arg2[%dma_wait3A_556, %dma_wait3A_557] : memref<1000000x64xf32, #tpu.memory_space<hbm>> -> memref<320x64xf32, #tpu.memory_space<hbm>>
    %dma_wait3A_559 = arith.constant 0 : i32
    %dma_wait3A_560 = arith.constant 0 : i32
    %dma_wait3A_561 = tpu.memref_slice %arg2[%dma_wait3A_559, %dma_wait3A_560] : memref<1000000x64xf32, #tpu.memory_space<hbm>> -> memref<320x64xf32, #tpu.memory_space<hbm>>
    tpu.wait_dma2 semaphore(%arg15 : memref<!tpu.dma_semaphore, #tpu.memory_space<semaphore_mem>>) src(%dma_wait3A_561 : memref<320x64xf32, #tpu.memory_space<hbm>>) dst(%arg10 : memref<320x64xf32, #tpu.memory_space<vmem>>)
    %add3A_562 = arith.constant 25280 : i32
    %add3A_563 = arith.addi %mul3A_2, %add3A_562 : i32
    %dma_start3A_564 = arith.constant 0 : i32
    %dma_start3A_565 = tpu.memref_slice %arg4[%add3A_563, %dma_start3A_564] : memref<819200x64xf32, #tpu.memory_space<hbm>> -> memref<320x64xf32, #tpu.memory_space<hbm>>
    %dma_start3A_566 = arith.constant 0 : i32
    %dma_start3A_567 = tpu.memref_slice %arg4[%add3A_563, %dma_start3A_566] : memref<819200x64xf32, #tpu.memory_space<hbm>> -> memref<320x64xf32, #tpu.memory_space<hbm>>
    tpu.enqueue_dma source(%arg10 : memref<320x64xf32, #tpu.memory_space<vmem>>) target(%dma_start3A_567 : memref<320x64xf32, #tpu.memory_space<hbm>>) target_semaphore(%arg20 : memref<!tpu.dma_semaphore, #tpu.memory_space<semaphore_mem>>)
    %dma_wait3A_568 = arith.constant 0 : i32
    %dma_wait3A_569 = arith.constant 0 : i32
    %dma_wait3A_570 = tpu.memref_slice %arg4[%dma_wait3A_568, %dma_wait3A_569] : memref<819200x64xf32, #tpu.memory_space<hbm>> -> memref<320x64xf32, #tpu.memory_space<hbm>>
    %dma_wait3A_571 = arith.constant 0 : i32
    %dma_wait3A_572 = arith.constant 0 : i32
    %dma_wait3A_573 = tpu.memref_slice %arg4[%dma_wait3A_571, %dma_wait3A_572] : memref<819200x64xf32, #tpu.memory_space<hbm>> -> memref<320x64xf32, #tpu.memory_space<hbm>>
    tpu.wait_dma2 semaphore(%arg16 : memref<!tpu.dma_semaphore, #tpu.memory_space<semaphore_mem>>) src(%arg6 : memref<320x64xf32, #tpu.memory_space<vmem>>) dst(%dma_wait3A_573 : memref<320x64xf32, #tpu.memory_space<hbm>>)
    %dma_wait3A_574 = arith.constant 0 : i32
    %dma_wait3A_575 = arith.constant 0 : i32
    %dma_wait3A_576 = tpu.memref_slice %arg4[%dma_wait3A_574, %dma_wait3A_575] : memref<819200x64xf32, #tpu.memory_space<hbm>> -> memref<320x64xf32, #tpu.memory_space<hbm>>
    %dma_wait3A_577 = arith.constant 0 : i32
    %dma_wait3A_578 = arith.constant 0 : i32
    %dma_wait3A_579 = tpu.memref_slice %arg4[%dma_wait3A_577, %dma_wait3A_578] : memref<819200x64xf32, #tpu.memory_space<hbm>> -> memref<320x64xf32, #tpu.memory_space<hbm>>
    tpu.wait_dma2 semaphore(%arg17 : memref<!tpu.dma_semaphore, #tpu.memory_space<semaphore_mem>>) src(%arg7 : memref<320x64xf32, #tpu.memory_space<vmem>>) dst(%dma_wait3A_579 : memref<320x64xf32, #tpu.memory_space<hbm>>)
    %dma_wait3A_580 = arith.constant 0 : i32
    %dma_wait3A_581 = arith.constant 0 : i32
    %dma_wait3A_582 = tpu.memref_slice %arg4[%dma_wait3A_580, %dma_wait3A_581] : memref<819200x64xf32, #tpu.memory_space<hbm>> -> memref<320x64xf32, #tpu.memory_space<hbm>>
    %dma_wait3A_583 = arith.constant 0 : i32
    %dma_wait3A_584 = arith.constant 0 : i32
    %dma_wait3A_585 = tpu.memref_slice %arg4[%dma_wait3A_583, %dma_wait3A_584] : memref<819200x64xf32, #tpu.memory_space<hbm>> -> memref<320x64xf32, #tpu.memory_space<hbm>>
    tpu.wait_dma2 semaphore(%arg18 : memref<!tpu.dma_semaphore, #tpu.memory_space<semaphore_mem>>) src(%arg8 : memref<320x64xf32, #tpu.memory_space<vmem>>) dst(%dma_wait3A_585 : memref<320x64xf32, #tpu.memory_space<hbm>>)
    %dma_wait3A_586 = arith.constant 0 : i32
    %dma_wait3A_587 = arith.constant 0 : i32
    %dma_wait3A_588 = tpu.memref_slice %arg4[%dma_wait3A_586, %dma_wait3A_587] : memref<819200x64xf32, #tpu.memory_space<hbm>> -> memref<320x64xf32, #tpu.memory_space<hbm>>
    %dma_wait3A_589 = arith.constant 0 : i32
    %dma_wait3A_590 = arith.constant 0 : i32
    %dma_wait3A_591 = tpu.memref_slice %arg4[%dma_wait3A_589, %dma_wait3A_590] : memref<819200x64xf32, #tpu.memory_space<hbm>> -> memref<320x64xf32, #tpu.memory_space<hbm>>
    tpu.wait_dma2 semaphore(%arg19 : memref<!tpu.dma_semaphore, #tpu.memory_space<semaphore_mem>>) src(%arg9 : memref<320x64xf32, #tpu.memory_space<vmem>>) dst(%dma_wait3A_591 : memref<320x64xf32, #tpu.memory_space<hbm>>)
    %dma_wait3A_592 = arith.constant 0 : i32
    %dma_wait3A_593 = arith.constant 0 : i32
    %dma_wait3A_594 = tpu.memref_slice %arg4[%dma_wait3A_592, %dma_wait3A_593] : memref<819200x64xf32, #tpu.memory_space<hbm>> -> memref<320x64xf32, #tpu.memory_space<hbm>>
    %dma_wait3A_595 = arith.constant 0 : i32
    %dma_wait3A_596 = arith.constant 0 : i32
    %dma_wait3A_597 = tpu.memref_slice %arg4[%dma_wait3A_595, %dma_wait3A_596] : memref<819200x64xf32, #tpu.memory_space<hbm>> -> memref<320x64xf32, #tpu.memory_space<hbm>>
    tpu.wait_dma2 semaphore(%arg20 : memref<!tpu.dma_semaphore, #tpu.memory_space<semaphore_mem>>) src(%arg10 : memref<320x64xf32, #tpu.memory_space<vmem>>) dst(%dma_wait3A_597 : memref<320x64xf32, #tpu.memory_space<hbm>>)
    return
  }
}

</mosaic_0001>

<sc_bundles>
// kernel: kernel.3.cloned.1.call-start
scs
__scs_entry_jumppad:
0x0: {  	(pc) =	sbr.rel $0x88, $3  }
0x1: {  	(tag) =	ssettag $0x0;
	lr =	simm.s32 $0x1  }
0x2: {  	[smem:$0x3F9F] =	sst lr;
	_ =	strace $0xD0000000  }
0x3: {  	_ = 	snop  }
0x4: {  	_ = 	snop  }
0x5: {  	_ = 	snop  }
0x6: {  	_ = 	snop  }
0x7: {  	_ = 	snop  }
__scs_overlays_trampoline_lowered:
0x8: {  	[smem:$0x3FAE] =	sst s0  }
0x9: {  	[smem:$0x3FAF] =	sst s1  }
0xa: {  	[smem:$0x3FB0] =	sst s2  }
0xb: {  	[smem:$0x3FB1] =	sst s3  }
0xc: {  	[smem:$0x3FB2] =	sst s4  }
0xd: {  	[smem:$0x3FB3] =	sst s5  }
0xe: {  	[smem:$0x3FB4] =	sst s6  }
0xf: {  	[smem:$0x3FB5] =	sst s7  }
0x10: {  	[smem:$0x3FB6] =	sst s8  }
0x11: {  	[smem:$0x3FB7] =	sst s9;
	s0 =	simm.s32 @!p0 $0x0  }
0x12: {  	s1 =	sld [smem:$0x3F9D];
	s0 =	simm.s32 @p0 $0x1  }
0x13: {  	[smem:$0x3FB8] =	sst s0;
	s0 =	simm.s32 @!p1 $0x0  }
0x14: {  	s2 =	sld [smem:$0x3F9C];
	s0 =	simm.s32 @p1 $0x1  }
0x15: {  	[smem:$0x3FB9] =	sst s0;
	s0 =	simm.s32 @!p2 $0x0  }
0x16: {  	s3 =	sld [smem:$0x3FDB];
	s0 =	simm.s32 @p2 $0x1  }
0x17: {  	s4 =	simm.s32 $0x1BF5;
	[smem:$0x3FBB] =	sst s0  }
0x18: {  	s0 =	sld [smem:$0x3F9E];
	_ =	swait.ge [sflag:s4], $0x0  }
0x19: {  	s7 =	sld [smem:$0x3F9F]  }
0x1a: {  	s8 =	sadd.s32 $0xFFFFE003, lr  }
0x1b: {  	s9 =	sadd.s32 $0xFFFFFEF7, lr;
	s5 =	simm.s32 $0xFFFFFFFF;
	p2 =	slt.u32 s8, $0xFFFFF086  }
0x1c: {  	p1 =	slt.u32 s9, $0xF7A;
	s5 =	simm.s32 @!p2 $0x0  }
0x1d: {  	s5 =	simm.s32 @p1 $0x1;
	p0 =	seq.s32 s7, s2  }
0x1e: {  	s7 =	smul.u32 @!p0 $0xF7A, s2;
	p2 =	seq.s32 @!p0 s5, $0x0  }
0x1f: {  	s9 =	smul.u32 $0xF7A, s1;
	s8 =	simm.s32 @!p0 $0x1BF5;
	p2 =	por !p2, p0  }
0x20: {  	[sflag:s8] =	ssyncset.s32 @!p0 $0xFFFFF086;
	s6 =	sadd.s32 @!p0 s3, s7;
	s7 =	simm.s32 @!p0 $0x108  }
0x21: {  	s3 =	sadd.s32 s3, s9;
	s6 =	sadd.s32 @!p0 $0x88, s6;
	s7 =	simm.s32 @p2 $0x1082  }
0x22: {  	[simem:s7], [sflag:s8] =	dma.local @!p0 [hbm:s6], $0xF7A  }
0x23: {  	s9 =	sor.u32 $0xD0000000, s2;
	s6 =	simm.s32 $0x108;
	_ =	swait.ge @!p0 [sflag:s8], $0x0  }
0x24: {  	s3 =	sadd.s32 $0x88, s3;
	s6 =	simm.s32 @!p1 $0x1082;
	[sflag:s4] =	ssyncset.s32 $0xFFFFF086  }
0x25: {  	[simem:s6], [sflag:s4] =	dma.local [hbm:s3], $0xF7A  }
0x26: {  	[smem:$0x3F9F] =	sst s1;
	(tag) =	ssettag s2;
	_ =	strace s9  }
0x27: {  	s1 =	sld [smem:$0x3FAF]  }
0x28: {  	s2 =	sld [smem:$0x3FB0]  }
0x29: {  	s4 =	sld [smem:$0x3FB2]  }
0x2a: {  	p0 =	seq.s32 s5, $0x0;
	s5 =	sld [smem:$0x3FB3]  }
0x2b: {  	s6 =	sld [smem:$0x3FB4]  }
0x2c: {  	s7 =	sld [smem:$0x3FB5]  }
0x2d: {  	s3 =	simm.s32 $0x108;
	s8 =	sld [smem:$0x3FB6]  }
0x2e: {  	s3 =	simm.s32 @!p0 $0x1082;
	s9 =	sld [smem:$0x3FB7]  }
0x2f: {  	lr =	sadd.s32 s0, s3;
	s0 =	sld [smem:$0x3FAE]  }
0x30: {  	s3 =	sld [smem:$0x3FB1]  }
0x31: {  	[smem:$0x3FBA] =	sst s10  }
0x32: {  	s10 =	sld [smem:$0x3FB8];
	_ =	sdelay $0x3  }
0x33: {  	p0 =	seq.s32 s10, $0x1;
	s10 =	sld [smem:$0x3FBA];
	_ =	sdelay $0x3  }
0x34: {  	[smem:$0x3FBA] =	sst s10  }
0x35: {  	s10 =	sld [smem:$0x3FB9];
	_ =	sdelay $0x3  }
0x36: {  	p1 =	seq.s32 s10, $0x1;
	s10 =	sld [smem:$0x3FBA];
	_ =	sdelay $0x3  }
0x37: {  	[smem:$0x3FBA] =	sst s10  }
0x38: {  	s10 =	sld [smem:$0x3FBB]  }
0x39: {  	_ = 	snop;
	(pc) =	sbr.ind lr, $3  }
0x3a: {  	_ = 	snop  }
0x3b: {  	_ = 	snop  }
0x3c: {  	p2 =	seq.s32 s10, $0x1;
	s10 =	sld [smem:$0x3FBA]  }
0x3d: {  	_ =	shalt  }
0x3e: {  	_ =	shalt  }
0x3f: {  	_ =	shalt  }
0x40: {  	_ =	shalt  }
0x41: {  	_ =	shalt  }
0x42: {  	_ =	shalt  }
0x43: {  	_ =	shalt  }
0x44: {  	_ =	shalt  }
0x45: {  	_ =	shalt  }
0x46: {  	_ =	shalt  }
0x47: {  	_ =	shalt  }
0x48: {  	_ =	shalt  }
0x49: {  	_ =	shalt  }
0x4a: {  	_ =	shalt  }
0x4b: {  	_ =	shalt  }
0x4c: {  	_ =	shalt  }
0x4d: {  	_ =	shalt  }
0x4e: {  	_ =	shalt  }
0x4f: {  	_ =	shalt  }
0x50: {  	_ =	shalt  }
0x51: {  	_ =	shalt  }
0x52: {  	_ =	shalt  }
0x53: {  	_ =	shalt  }
0x54: {  	_ =	shalt  }
0x55: {  	_ =	shalt  }
0x56: {  	_ =	shalt  }
0x57: {  	_ =	shalt  }
0x58: {  	_ =	shalt  }
0x59: {  	_ =	shalt  }
0x5a: {  	_ =	shalt  }
0x5b: {  	_ =	shalt  }
0x5c: {  	_ =	shalt  }
0x5d: {  	_ =	shalt  }
0x5e: {  	_ =	shalt  }
0x5f: {  	_ =	shalt  }
0x60: {  	_ =	shalt  }
0x61: {  	_ =	shalt  }
0x62: {  	_ =	shalt  }
0x63: {  	_ =	shalt  }
0x64: {  	_ =	shalt  }
0x65: {  	_ =	shalt  }
0x66: {  	_ =	shalt  }
0x67: {  	_ =	shalt  }
0x68: {  	_ =	shalt  }
0x69: {  	_ =	shalt  }
0x6a: {  	_ =	shalt  }
0x6b: {  	_ =	shalt  }
0x6c: {  	_ =	shalt  }
0x6d: {  	_ =	shalt  }
0x6e: {  	_ =	shalt  }
0x6f: {  	_ =	shalt  }
0x70: {  	_ =	shalt  }
0x71: {  	_ =	shalt  }
0x72: {  	_ =	shalt  }
0x73: {  	_ =	shalt  }
0x74: {  	_ =	shalt  }
0x75: {  	_ =	shalt  }
0x76: {  	_ =	shalt  }
0x77: {  	_ =	shalt  }
0x78: {  	_ =	shalt  }
0x79: {  	_ =	shalt  }
0x7a: {  	_ =	shalt  }
0x7b: {  	_ =	shalt  }
0x7c: {  	_ =	shalt  }
0x7d: {  	_ =	shalt  }
0x7e: {  	_ =	shalt  }
0x7f: {  	_ =	shalt  }
0x80: {  	_ =	shalt  }
0x81: {  	_ =	shalt  }
0x82: {  	_ =	shalt  }
0x83: {  	_ =	shalt  }
0x84: {  	_ =	shalt  }
0x85: {  	_ =	shalt  }
0x86: {  	_ =	shalt  }
0x87: {  	_ =	shalt  }
.Lfunc_end0:
.L_simem_size_0:
called_computation.1_lowered:
.L_overlay_start_0:
0x88: {  	s2 =	sld [smem:$0x3FD9]  }
0x89: {  	s3 =	sld [smem:$0x3FFE];
	_ =	sdelay $0x1  }
0x8a: {  	s1 =	srdreg.scid  }
0x8b: {  	s0 =	sand.u32 $0x1, s1  }
0x8c: {  	s17 =	sshll.u32 s0, $0xA;
	s2 =	sadd.s32 s3, s2  }
0x8d: {  	s2 =	sadd.s32 s2, s17  }
0x8e: {  	[smem:$0x3FC6] =	sst s2  }
0x8f: {  	_ = 	snop  }
0x90: {  	s2 =	sld [smem:$0x3FD0];
	(tm) =	ssettm $0x1  }
0x91: {  	s18 =	sld [smem:$0x3FFB];
	_ =	sdelay $0x3  }
0x92: {  	_ =	strace s18  }
0x93: {  	s3 =	sld [smem:$0x3FFC];
	_ =	sdelay $0x3  }
0x94: {  	_ =	strace s3  }
0x95: {  	s3 =	sld [smem:$0x3FFD];
	_ =	sdelay $0x3  }
0x96: {  	_ =	strace s3  }
0x97: {  	_ =	strace $0x8FFFFFFF  }
0x98: {  	s19 =	sld [smem:$0x3FDB];
	_ =	sdelay $0x1  }
0x99: {  	s4 =	simm.s32 $_scs_section_size  }
0x9a: {  	s5 =	simm.s32 $_size__tile_overlayer_lowered;
	s6 =	simm.s32 $_tile_overlayer_lowered  }
0x9b: {  	s22 =	simm.s32 $0x1BFF;
	s21 =	sshll.u32 s6, $0x1;
	s3 =	sadd.s32 s4, s19  }
0x9c: {  	s7 =	simm.s32 $0x0;
	s20 =	sshll.u32 s5, $0x1;
	s5 =	sadd.s32 s21, s3  }
0x9d: {  	[timem:s7], [sflag:s22] =	dma.local [hbm:s5], s20  }
0x9e: {  	_ =	swait.ge [sflag:s22], s20  }
0x9f: {  	s4 =	ssub.s32 $0x0, s20;
	[sflag:s22] =	ssyncset.done $0x0  }
0xa0: {  	[sflag:s22] =	ssyncadd.s32 s4;
	_ =	sdelay $0x1  }
0xa1: {  	s23 =	simm.s32 $0x1B8B  }
0xa2: {  	_ =	swait.ge [sflag:s23], $0x1  }
0xa3: {  	[sflag:s23] =	ssyncset.done $0x0  }
0xa4: {  	s25 =	simm.s32 $0x1B8E;
	s24 =	sld [smem:$0x3FFE];
	[sflag:s23] =	ssyncadd.s32 $0xFFFFFFFF  }
0xa5: {  	s26 =	simm.s32 $execute0_lowered;
	[smem:$0x3FD2] =	sst s25  }
0xa6: {  	s5 =	sshll.u32 s26, $0x1;
	_ =	strace $0x80000046;
	[dreg:$0x1] =	wrdreg $0xFFFFFFFF  }
0xa7: {  	s28 =	simm.s32 $_size_execute0_lowered;
	s3 =	sadd.s32 s3, s5;
	[dreg:$0x0] =	wrdreg $0x0  }
0xa8: {  	s5 =	sshll.u32 s28, $0x1;
	[dreg:$0x2] =	wrdreg s3  }
0xa9: {  	[dreg:$0x3] =	wrdreg s5  }
0xaa: {  	[dreg:$0x4] =	wrdreg $0xC0  }
0xab: {  	_ =	task [dreg:s7], $0x5FFFF  }
0xac: {  	[dreg:$0x1] =	wrdreg $0xFFFFFFFF  }
0xad: {  	[dreg:$0x0] =	wrdreg $0x60  }
0xae: {  	[dreg:$0x2] =	wrdreg s24  }
0xaf: {  	[dreg:$0x3] =	wrdreg s2  }
0xb0: {  	[dreg:$0x4] =	wrdreg $0x9  }
0xb1: {  	_ =	task.clear_ibuf [dreg:s7], $0x5FFFF;
	_ =	strace $0x90000046  }
0xb2: {  	s29 =	simm.s32 $0x9;
	_ =	strace $0x80000048  }
0xb3: {  	_ =	swait.ge [sflag:s29], $0x1  }
0xb4: {  	[sflag:s29] =	ssyncadd.s32 $0xFFFFFFFF  }
0xb5: {  	_ =	strace $0x90000048  }
0xb6: {  	_ =	sfence  }
0xb7: {  	s30 =	sld [smem:$0x0];
	_ =	sdelay $0x2  }
0xb8: {  	s31 =	sshll.u32 s1, $0xD;
	s1 =	sshrl.u32 s1, $0x2  }
0xb9: {  	s3 =	sand.u32 $0x4000, s31;
	s1 =	sadd.s32 s1, s30  }
0xba: {  	s0 =	sor.u32 s3, s0;
	s1 =	sshll.u32 s1, $0x11  }
0xbb: {  	s0 =	sor.u32 s1, s0  }
0xbc: {  	s0 =	sadd.s32 $0x8F2B, s0  }
0xbd: {  	[sflag:s0] =	ssyncadd.remote.s32 $0x1  }
0xbe: {  	_ =	sfence.sel $0xFFFF  }
0xbf: {  	[dreg:$0x0] =	wrdreg $0xFFFFFFFF;
	(pc) =	sbr.abs _section_cstart, $3  }
0xc0: {  	[dreg:$0x1] =	wrdreg $0xFFFFFFFF  }
0xc1: {  	_ =	task.clear_ibuf [dreg:s7], $0x2FFFF;
	_ =	strace $0x9FFFFFFF  }
0xc2: {  	(tm) =	ssettm $0x7FFFFFFF  }
0xc3: {  	_ =	shalt  }
tec
execute0_lowered:
.L_overlay_start_1:
0x0: {  	(tag) =	ssettag $0x1  }
0x1: {  	s0 =	srdreg.scid;
	s1 =	rddreg [dreg:$0x0]  }
0x2: {  	s9 =	stileid.u32;
	s4 =	rddreg [dreg:$0x1]  }
0x3: {  	s17 =	simm.s32 $0x20;
	s10 =	simm.s32 $0x9400;
	s11 =	simm.s32 $0x9C00  }
0x4: {  	s12 =	simm.s32 $0xA400;
	s16 =	simm.s32 $0xAC00;
	s31 =	simm.s32 $0x1A400  }
0x5: {  	s13 =	simm.s32 $0x1;
	s14 =	simm.s32 $0x6;
	s15 =	simm.s32 $0x2  }
0x6: {  	s0 =	sand.u32 $0x1, s0;
	s2 =	sshll.u32 s9, $0x1;
	s9 =	smul.u32 $0xC800, s9  }
0x7: {  	s3 =	sor.u32 s0, s2;
	s8 =	ssub.s32 $0x2, s0;
	s0 =	smul.u32 $0x6400, s0  }
0x8: {  	s28 =	simm.s32 $0x4;
	s2 =	simm.s32 $0x0;
	s5 =	smul.u32 $0xC80, s3  }
0x9: {  	s30 =	simm.s32 $0x9;
	[smem:$0x7FF] =	sst s2;
	s6 =	smul.u32 $0x32000, s3  }
0xa: {  	s7 =	smul.u32 $0x190000, s3;
	s3 =	sadd.s32 $0xF42E00, s1;
	s18 =	sshrl.u32 s8, $0x1  }
0xb: {  	_ =	strace $0x80000047;
	s0 =	sadd.s32 s0, s9;
	s9 =	simm.s32 $0x10400  }
0xc: {  	s1 =	sadd.s32 s5, s1;
	s5 =	ssub.s32 s8, s18;
	s19 =	sshrl.u32 s7, $0x3  }
0xd: {  	s6 =	sadd.s32 s4, s6;
	s0 =	sshll.u32 s0, $0x3;
	s7 =	simm.s32 $0x8400  }
0xe: {  	s8 =	simm.s32 $0x8C00;
	s1 =	sadd.s32 $0xA00, s1;
	[dreg:$0x4] =	wrdreg s6  }
0xf: {  	s0 =	sadd.s32 s4, s0;
	s23 =	smax.u32 s5, $0x1;
	[dreg:$0x3] =	wrdreg s1  }
0x10: {  	s18 =	simm.s32 $0xCC00;
	[dreg:$0x9] =	wrdreg s23;
	s24 =	sadd.s32 $0x2800, s0  }
0x11: {  	s5 =	simm.s32 $0x7400;
	s25 =	sadd.s32 $0x1E00, s0;
	[dreg:$0xa] =	wrdreg s24  }
0x12: {  	s6 =	simm.s32 $0x7C00;
	s26 =	sadd.s32 $0x1400, s0;
	[dreg:$0xb] =	wrdreg s25  }
0x13: {  	s1 =	sadd.s32 s4, s19;
	s29 =	sadd.s32 $0xA00, s0;
	[dreg:$0xc] =	wrdreg s26  }
0x14: {  	s0 =	sadd.s32 $0x3200, s0;
	s4 =	simm.s32 $0x6C00;
	[dreg:$0xd] =	wrdreg s29  }
0x15: {  	s23 =	simm.s32 $0x15400;
	s20 =	sadd.s32 $0x2F800, s1;
	[dreg:$0xe] =	wrdreg s0  }
0x16: {  	s19 =	simm.s32 $0x7;
	s21 =	sadd.s32 $0x30200, s1;
	[dreg:$0x5] =	wrdreg s20  }
0x17: {  	s22 =	sadd.s32 $0x30C00, s1;
	s1 =	sadd.s32 $0x31600, s1;
	[dreg:$0x6] =	wrdreg s21  }
0x18: {  	s24 =	simm.s32 $0xC400;
	s25 =	simm.s32 $0x8;
	[dreg:$0x7] =	wrdreg s22  }
0x19: {  	s26 =	simm.s32 $0x0;
	[dreg:$0x8] =	wrdreg s1;
	s22 =	simm.s32 $0xBC00  }
0x1a: {  	s21 =	simm.s32 $0x3;
	s1 =	simm.s32 $0x5;
	s20 =	simm.s32 $0xA  }
.LBB2_1:
0x1b: {  	[dreg:$0xf] =	wrdreg s26  }
0x1c: {  	s0 =	rddreg [dreg:$0x3];
	s26 =	simm.s32 $0xB  }
0x1d: {  	[tilespmem:s2], [sflag:$0xB] =	stream.linear.gather [hbm4b:s0+s2], $0x6400, $0x38;
	[tilespmem:$0x1F400] =	vst v63  }
0x1e: {  	_ =	swait.ge [sflag:s26], $0x6400  }
0x1f: {  	[sflag:s26] =	ssyncset.done $0x0  }
0x20: {  	[sflag:s26] =	ssyncadd.s32 $0xFFFF9C00;
	s26 =	simm.s32 $0x6400  }
0x21: {  	[tilespmem:s26], [sflag:$0x1] =	stream.indirect.gather [hbm4b:s3+s17], $0x40, s2, s17, $0xb8;
	[tilespmem:$0x1F400] =	vst v63  }
0x22: {  	_ = 	snop  }
0x23: {  	[tilespmem:s4], [sflag:$0x1] =	stream.indirect.gather [hbm4b:s3+s17], $0x40, s17, s17, $0xb8;
	[tilespmem:$0x1F400] =	vst v63  }
0x24: {  	s29 =	simm.s32 $0x40  }
0x25: {  	[tilespmem:s5], [sflag:$0x1] =	stream.indirect.gather [hbm4b:s3+s17], $0x40, s29, s17, $0xb8;
	[tilespmem:$0x1F400] =	vst v63  }
0x26: {  	s29 =	simm.s32 $0x60  }
0x27: {  	[tilespmem:s6], [sflag:$0x1] =	stream.indirect.gather [hbm4b:s3+s17], $0x40, s29, s17, $0xb8;
	[tilespmem:$0x1F400] =	vst v63  }
0x28: {  	s29 =	simm.s32 $0x80  }
0x29: {  	[tilespmem:s7], [sflag:$0x1] =	stream.indirect.gather [hbm4b:s3+s17], $0x40, s29, s17, $0xb8;
	[tilespmem:$0x1F400] =	vst v63  }
0x2a: {  	s29 =	simm.s32 $0xA0  }
0x2b: {  	[tilespmem:s8], [sflag:$0x1] =	stream.indirect.gather [hbm4b:s3+s17], $0x40, s29, s17, $0xb8;
	[tilespmem:$0x1F400] =	vst v63  }
0x2c: {  	s29 =	simm.s32 $0xC0  }
0x2d: {  	[tilespmem:s10], [sflag:$0x1] =	stream.indirect.gather [hbm4b:s3+s17], $0x40, s29, s17, $0xb8;
	[tilespmem:$0x1F400] =	vst v63  }
0x2e: {  	s29 =	simm.s32 $0xE0  }
0x2f: {  	[tilespmem:s11], [sflag:$0x1] =	stream.indirect.gather [hbm4b:s3+s17], $0x40, s29, s17, $0xb8;
	[tilespmem:$0x1F400] =	vst v63  }
0x30: {  	s29 =	simm.s32 $0x100  }
0x31: {  	[tilespmem:s12], [sflag:$0x1] =	stream.indirect.gather [hbm4b:s3+s17], $0x40, s29, s17, $0xb8;
	[tilespmem:$0x1F400] =	vst v63  }
0x32: {  	s29 =	simm.s32 $0x120  }
0x33: {  	[tilespmem:s16], [sflag:$0x1] =	stream.indirect.gather [hbm4b:s3+s17], $0x40, s29, s17, $0xb8;
	[tilespmem:$0x1F400] =	vst v63  }
0x34: {  	s0 =	simm.s32 $0x140;
	s29 =	simm.s32 $0xB400  }
0x35: {  	[tilespmem:s29], [sflag:$0x2] =	stream.indirect.gather [hbm4b:s3+s17], $0x40, s0, s17, $0xb8;
	[tilespmem:$0x1F400] =	vst v63  }
0x36: {  	s29 =	simm.s32 $0x160  }
0x37: {  	[tilespmem:s22], [sflag:$0x2] =	stream.indirect.gather [hbm4b:s3+s17], $0x40, s29, s17, $0xb8;
	[tilespmem:$0x1F400] =	vst v63  }
0x38: {  	s29 =	simm.s32 $0x180  }
0x39: {  	[tilespmem:s24], [sflag:$0x2] =	stream.indirect.gather [hbm4b:s3+s17], $0x40, s29, s17, $0xb8;
	[tilespmem:$0x1F400] =	vst v63  }
0x3a: {  	s29 =	simm.s32 $0x1A0  }
0x3b: {  	[tilespmem:s18], [sflag:$0x2] =	stream.indirect.gather [hbm4b:s3+s17], $0x40, s29, s17, $0xb8;
	[tilespmem:$0x1F400] =	vst v63  }
0x3c: {  	s0 =	simm.s32 $0x1C0;
	s29 =	simm.s32 $0xD400  }
0x3d: {  	[tilespmem:s29], [sflag:$0x2] =	stream.indirect.gather [hbm4b:s3+s17], $0x40, s0, s17, $0xb8;
	[tilespmem:$0x1F400] =	vst v63  }
0x3e: {  	s0 =	simm.s32 $0x1E0;
	s29 =	simm.s32 $0xDC00  }
0x3f: {  	[tilespmem:s29], [sflag:$0x2] =	stream.indirect.gather [hbm4b:s3+s17], $0x40, s0, s17, $0xb8;
	[tilespmem:$0x1F400] =	vst v63  }
0x40: {  	s0 =	simm.s32 $0x200;
	s29 =	simm.s32 $0xE400  }
0x41: {  	[tilespmem:s29], [sflag:$0x2] =	stream.indirect.gather [hbm4b:s3+s17], $0x40, s0, s17, $0xb8;
	[tilespmem:$0x1F400] =	vst v63  }
0x42: {  	s0 =	simm.s32 $0x220;
	s29 =	simm.s32 $0xEC00  }
0x43: {  	[tilespmem:s29], [sflag:$0x2] =	stream.indirect.gather [hbm4b:s3+s17], $0x40, s0, s17, $0xb8;
	[tilespmem:$0x1F400] =	vst v63  }
0x44: {  	s0 =	simm.s32 $0x240;
	s29 =	simm.s32 $0xF400  }
0x45: {  	[tilespmem:s29], [sflag:$0x2] =	stream.indirect.gather [hbm4b:s3+s17], $0x40, s0, s17, $0xb8;
	[tilespmem:$0x1F400] =	vst v63  }
0x46: {  	s0 =	simm.s32 $0x260;
	s29 =	simm.s32 $0xFC00  }
0x47: {  	[tilespmem:s29], [sflag:$0x2] =	stream.indirect.gather [hbm4b:s3+s17], $0x40, s0, s17, $0xb8;
	[tilespmem:$0x1F400] =	vst v63  }
0x48: {  	s29 =	simm.s32 $0x280  }
0x49: {  	[tilespmem:s9], [sflag:$0x3] =	stream.indirect.gather [hbm4b:s3+s17], $0x40, s29, s17, $0xb8;
	[tilespmem:$0x1F400] =	vst v63  }
0x4a: {  	s0 =	simm.s32 $0x2A0;
	s29 =	simm.s32 $0x10C00  }
0x4b: {  	[tilespmem:s29], [sflag:$0x3] =	stream.indirect.gather [hbm4b:s3+s17], $0x40, s0, s17, $0xb8;
	[tilespmem:$0x1F400] =	vst v63  }
0x4c: {  	s0 =	simm.s32 $0x2C0;
	s29 =	simm.s32 $0x11400  }
0x4d: {  	[tilespmem:s29], [sflag:$0x3] =	stream.indirect.gather [hbm4b:s3+s17], $0x40, s0, s17, $0xb8;
	[tilespmem:$0x1F400] =	vst v63  }
0x4e: {  	s0 =	simm.s32 $0x2E0;
	s29 =	simm.s32 $0x11C00  }
0x4f: {  	[tilespmem:s29], [sflag:$0x3] =	stream.indirect.gather [hbm4b:s3+s17], $0x40, s0, s17, $0xb8;
	[tilespmem:$0x1F400] =	vst v63  }
0x50: {  	s0 =	simm.s32 $0x300;
	s29 =	simm.s32 $0x12400  }
0x51: {  	[tilespmem:s29], [sflag:$0x3] =	stream.indirect.gather [hbm4b:s3+s17], $0x40, s0, s17, $0xb8;
	[tilespmem:$0x1F400] =	vst v63  }
0x52: {  	s0 =	simm.s32 $0x320;
	s29 =	simm.s32 $0x12C00  }
0x53: {  	[tilespmem:s29], [sflag:$0x3] =	stream.indirect.gather [hbm4b:s3+s17], $0x40, s0, s17, $0xb8;
	[tilespmem:$0x1F400] =	vst v63  }
0x54: {  	s0 =	simm.s32 $0x340;
	s29 =	simm.s32 $0x13400  }
0x55: {  	[tilespmem:s29], [sflag:$0x3] =	stream.indirect.gather [hbm4b:s3+s17], $0x40, s0, s17, $0xb8;
	[tilespmem:$0x1F400] =	vst v63  }
0x56: {  	s0 =	simm.s32 $0x360;
	s29 =	simm.s32 $0x13C00  }
0x57: {  	[tilespmem:s29], [sflag:$0x3] =	stream.indirect.gather [hbm4b:s3+s17], $0x40, s0, s17, $0xb8;
	[tilespmem:$0x1F400] =	vst v63  }
0x58: {  	s0 =	simm.s32 $0x380;
	s29 =	simm.s32 $0x14400  }
0x59: {  	[tilespmem:s29], [sflag:$0x3] =	stream.indirect.gather [hbm4b:s3+s17], $0x40, s0, s17, $0xb8;
	[tilespmem:$0x1F400] =	vst v63  }
0x5a: {  	s0 =	simm.s32 $0x3A0;
	s29 =	simm.s32 $0x14C00  }
0x5b: {  	[tilespmem:s29], [sflag:$0x3] =	stream.indirect.gather [hbm4b:s3+s17], $0x40, s0, s17, $0xb8;
	[tilespmem:$0x1F400] =	vst v63  }
0x5c: {  	s29 =	simm.s32 $0x3C0  }
0x5d: {  	[tilespmem:s23], [sflag:$0x4] =	stream.indirect.gather [hbm4b:s3+s17], $0x40, s29, s17, $0xb8;
	[tilespmem:$0x1F400] =	vst v63  }
0x5e: {  	s0 =	simm.s32 $0x3E0;
	s29 =	simm.s32 $0x15C00  }
0x5f: {  	[tilespmem:s29], [sflag:$0x4] =	stream.indirect.gather [hbm4b:s3+s17], $0x40, s0, s17, $0xb8;
	[tilespmem:$0x1F400] =	vst v63  }
0x60: {  	s0 =	simm.s32 $0x400;
	s29 =	simm.s32 $0x16400  }
0x61: {  	[tilespmem:s29], [sflag:$0x4] =	stream.indirect.gather [hbm4b:s3+s17], $0x40, s0, s17, $0xb8;
	[tilespmem:$0x1F400] =	vst v63  }
0x62: {  	s0 =	simm.s32 $0x420;
	s29 =	simm.s32 $0x16C00  }
0x63: {  	[tilespmem:s29], [sflag:$0x4] =	stream.indirect.gather [hbm4b:s3+s17], $0x40, s0, s17, $0xb8;
	[tilespmem:$0x1F400] =	vst v63  }
0x64: {  	s0 =	simm.s32 $0x440;
	s29 =	simm.s32 $0x17400  }
0x65: {  	[tilespmem:s29], [sflag:$0x4] =	stream.indirect.gather [hbm4b:s3+s17], $0x40, s0, s17, $0xb8;
	[tilespmem:$0x1F400] =	vst v63  }
0x66: {  	s0 =	simm.s32 $0x460;
	s29 =	simm.s32 $0x17C00  }
0x67: {  	[tilespmem:s29], [sflag:$0x4] =	stream.indirect.gather [hbm4b:s3+s17], $0x40, s0, s17, $0xb8;
	[tilespmem:$0x1F400] =	vst v63  }
0x68: {  	s0 =	simm.s32 $0x480;
	s29 =	simm.s32 $0x18400  }
0x69: {  	[tilespmem:s29], [sflag:$0x4] =	stream.indirect.gather [hbm4b:s3+s17], $0x40, s0, s17, $0xb8;
	[tilespmem:$0x1F400] =	vst v63  }
0x6a: {  	s0 =	simm.s32 $0x4A0;
	s29 =	simm.s32 $0x18C00  }
0x6b: {  	[tilespmem:s29], [sflag:$0x4] =	stream.indirect.gather [hbm4b:s3+s17], $0x40, s0, s17, $0xb8;
	[tilespmem:$0x1F400] =	vst v63  }
0x6c: {  	s0 =	simm.s32 $0x4C0;
	s29 =	simm.s32 $0x19400  }
0x6d: {  	[tilespmem:s29], [sflag:$0x4] =	stream.indirect.gather [hbm4b:s3+s17], $0x40, s0, s17, $0xb8;
	[tilespmem:$0x1F400] =	vst v63  }
0x6e: {  	s0 =	simm.s32 $0x4E0;
	s29 =	simm.s32 $0x19C00  }
0x6f: {  	[tilespmem:s29], [sflag:$0x4] =	stream.indirect.gather [hbm4b:s3+s17], $0x40, s0, s17, $0xb8;
	[tilespmem:$0x1F400] =	vst v63  }
0x70: {  	s29 =	simm.s32 $0x500  }
0x71: {  	[tilespmem:s31], [sflag:$0x5] =	stream.indirect.gather [hbm4b:s3+s17], $0x40, s29, s17, $0xb8;
	[tilespmem:$0x1F400] =	vst v63  }
0x72: {  	s0 =	simm.s32 $0x520;
	s29 =	simm.s32 $0x1AC00  }
0x73: {  	[tilespmem:s29], [sflag:$0x5] =	stream.indirect.gather [hbm4b:s3+s17], $0x40, s0, s17, $0xb8;
	[tilespmem:$0x1F400] =	vst v63  }
0x74: {  	s0 =	simm.s32 $0x540;
	s29 =	simm.s32 $0x1B400  }
0x75: {  	[tilespmem:s29], [sflag:$0x5] =	stream.indirect.gather [hbm4b:s3+s17], $0x40, s0, s17, $0xb8;
	[tilespmem:$0x1F400] =	vst v63  }
0x76: {  	s0 =	simm.s32 $0x560;
	s29 =	simm.s32 $0x1BC00  }
0x77: {  	[tilespmem:s29], [sflag:$0x5] =	stream.indirect.gather [hbm4b:s3+s17], $0x40, s0, s17, $0xb8;
	[tilespmem:$0x1F400] =	vst v63  }
0x78: {  	s0 =	simm.s32 $0x580;
	s29 =	simm.s32 $0x1C400  }
0x79: {  	[tilespmem:s29], [sflag:$0x5] =	stream.indirect.gather [hbm4b:s3+s17], $0x40, s0, s17, $0xb8;
	[tilespmem:$0x1F400] =	vst v63  }
0x7a: {  	s0 =	simm.s32 $0x5A0;
	s29 =	simm.s32 $0x1CC00  }
0x7b: {  	[tilespmem:s29], [sflag:$0x5] =	stream.indirect.gather [hbm4b:s3+s17], $0x40, s0, s17, $0xb8;
	[tilespmem:$0x1F400] =	vst v63  }
0x7c: {  	s0 =	simm.s32 $0x5C0;
	s29 =	simm.s32 $0x1D400  }
0x7d: {  	[tilespmem:s29], [sflag:$0x5] =	stream.indirect.gather [hbm4b:s3+s17], $0x40, s0, s17, $0xb8;
	[tilespmem:$0x1F400] =	vst v63  }
0x7e: {  	s0 =	simm.s32 $0x5E0;
	s29 =	simm.s32 $0x1DC00  }
0x7f: {  	[tilespmem:s29], [sflag:$0x5] =	stream.indirect.gather [hbm4b:s3+s17], $0x40, s0, s17, $0xb8;
	[tilespmem:$0x1F400] =	vst v63  }
0x80: {  	s0 =	simm.s32 $0x600;
	s29 =	simm.s32 $0x1E400  }
0x81: {  	[tilespmem:s29], [sflag:$0x5] =	stream.indirect.gather [hbm4b:s3+s17], $0x40, s0, s17, $0xb8;
	[tilespmem:$0x1F400] =	vst v63  }
0x82: {  	s0 =	simm.s32 $0x620;
	s29 =	simm.s32 $0x1EC00  }
0x83: {  	[tilespmem:s29], [sflag:$0x5] =	stream.indirect.gather [hbm4b:s3+s17], $0x40, s0, s17, $0xb8;
	[tilespmem:$0x1F400] =	vst v63  }
0x84: {  	_ =	swait.ge [sflag:s13], $0x5000  }
0x85: {  	[sflag:s13] =	ssyncset.done $0x0  }
0x86: {  	s0 =	rddreg [dreg:$0x4];
	[sflag:s13] =	ssyncadd.s32 $0xFFFFB000  }
0x87: {  	[hbm4b:s0+s2] =	stream.linear.scatter [tilespmem:s26], [sflag:$0x6], $0x5000, $0x38;
	[tilespmem:$0x1F400] =	vst v63  }
0x88: {  	_ =	swait.ge [sflag:s14], $0x5000  }
0x89: {  	[sflag:s14] =	ssyncset.done $0x0  }
0x8a: {  	s0 =	simm.s32 $0x640;
	[sflag:s14] =	ssyncadd.s32 $0xFFFFB000  }
0x8b: {  	[tilespmem:s26], [sflag:$0x1] =	stream.indirect.gather [hbm4b:s3+s17], $0x40, s0, s17, $0xb8;
	[tilespmem:$0x1F400] =	vst v63  }
0x8c: {  	s26 =	simm.s32 $0x660  }
0x8d: {  	[tilespmem:s4], [sflag:$0x1] =	stream.indirect.gather [hbm4b:s3+s17], $0x40, s26, s17, $0xb8;
	[tilespmem:$0x1F400] =	vst v63  }
0x8e: {  	s4 =	simm.s32 $0x680  }
0x8f: {  	[tilespmem:s5], [sflag:$0x1] =	stream.indirect.gather [hbm4b:s3+s17], $0x40, s4, s17, $0xb8;
	[tilespmem:$0x1F400] =	vst v63  }
0x90: {  	s5 =	simm.s32 $0x6A0  }
0x91: {  	[tilespmem:s6], [sflag:$0x1] =	stream.indirect.gather [hbm4b:s3+s17], $0x40, s5, s17, $0xb8;
	[tilespmem:$0x1F400] =	vst v63  }
0x92: {  	s6 =	simm.s32 $0x6C0  }
0x93: {  	[tilespmem:s7], [sflag:$0x1] =	stream.indirect.gather [hbm4b:s3+s17], $0x40, s6, s17, $0xb8;
	[tilespmem:$0x1F400] =	vst v63  }
0x94: {  	s7 =	simm.s32 $0x6E0  }
0x95: {  	[tilespmem:s8], [sflag:$0x1] =	stream.indirect.gather [hbm4b:s3+s17], $0x40, s7, s17, $0xb8;
	[tilespmem:$0x1F400] =	vst v63  }
0x96: {  	s8 =	simm.s32 $0x700  }
0x97: {  	[tilespmem:s10], [sflag:$0x1] =	stream.indirect.gather [hbm4b:s3+s17], $0x40, s8, s17, $0xb8;
	[tilespmem:$0x1F400] =	vst v63  }
0x98: {  	s10 =	simm.s32 $0x720  }
0x99: {  	[tilespmem:s11], [sflag:$0x1] =	stream.indirect.gather [hbm4b:s3+s17], $0x40, s10, s17, $0xb8;
	[tilespmem:$0x1F400] =	vst v63  }
0x9a: {  	s11 =	simm.s32 $0x740  }
0x9b: {  	[tilespmem:s12], [sflag:$0x1] =	stream.indirect.gather [hbm4b:s3+s17], $0x40, s11, s17, $0xb8;
	[tilespmem:$0x1F400] =	vst v63  }
0x9c: {  	s12 =	simm.s32 $0x760  }
0x9d: {  	[tilespmem:s16], [sflag:$0x1] =	stream.indirect.gather [hbm4b:s3+s17], $0x40, s12, s17, $0xb8;
	[tilespmem:$0x1F400] =	vst v63  }
0x9e: {  	_ =	swait.ge [sflag:s15], $0x5000  }
0x9f: {  	[sflag:s15] =	ssyncset.done $0x0  }
0xa0: {  	s16 =	simm.s32 $0xB400;
	s7 =	rddreg [dreg:$0xd];
	[sflag:s15] =	ssyncadd.s32 $0xFFFFB000  }
0xa1: {  	[hbm4b:s7+s2] =	stream.linear.scatter [tilespmem:s16], [sflag:$0x7], $0x5000, $0x38;
	[tilespmem:$0x1F400] =	vst v63  }
0xa2: {  	_ =	swait.ge [sflag:s19], $0x5000  }
0xa3: {  	[sflag:s19] =	ssyncset.done $0x0  }
0xa4: {  	s26 =	simm.s32 $0x780;
	[sflag:s19] =	ssyncadd.s32 $0xFFFFB000  }
0xa5: {  	[tilespmem:s16], [sflag:$0x2] =	stream.indirect.gather [hbm4b:s3+s17], $0x40, s26, s17, $0xb8;
	[tilespmem:$0x1F400] =	vst v63  }
0xa6: {  	s5 =	simm.s32 $0x7A0  }
0xa7: {  	[tilespmem:s22], [sflag:$0x2] =	stream.indirect.gather [hbm4b:s3+s17], $0x40, s5, s17, $0xb8;
	[tilespmem:$0x1F400] =	vst v63  }
0xa8: {  	s6 =	simm.s32 $0x7C0  }
0xa9: {  	[tilespmem:s24], [sflag:$0x2] =	stream.indirect.gather [hbm4b:s3+s17], $0x40, s6, s17, $0xb8;
	[tilespmem:$0x1F400] =	vst v63  }
0xaa: {  	s8 =	simm.s32 $0x7E0  }
0xab: {  	[tilespmem:s18], [sflag:$0x2] =	stream.indirect.gather [hbm4b:s3+s17], $0x40, s8, s17, $0xb8;
	[tilespmem:$0x1F400] =	vst v63  }
0xac: {  	s10 =	simm.s32 $0x800;
	s11 =	simm.s32 $0xD400  }
0xad: {  	[tilespmem:s11], [sflag:$0x2] =	stream.indirect.gather [hbm4b:s3+s17], $0x40, s10, s17, $0xb8;
	[tilespmem:$0x1F400] =	vst v63  }
0xae: {  	s12 =	simm.s32 $0x820;
	s16 =	simm.s32 $0xDC00  }
0xaf: {  	[tilespmem:s16], [sflag:$0x2] =	stream.indirect.gather [hbm4b:s3+s17], $0x40, s12, s17, $0xb8;
	[tilespmem:$0x1F400] =	vst v63  }
0xb0: {  	s22 =	simm.s32 $0xE400;
	s18 =	simm.s32 $0x840  }
0xb1: {  	[tilespmem:s22], [sflag:$0x2] =	stream.indirect.gather [hbm4b:s3+s17], $0x40, s18, s17, $0xb8;
	[tilespmem:$0x1F400] =	vst v63  }
0xb2: {  	s26 =	simm.s32 $0xEC00;
	s24 =	simm.s32 $0x860  }
0xb3: {  	[tilespmem:s26], [sflag:$0x2] =	stream.indirect.gather [hbm4b:s3+s17], $0x40, s24, s17, $0xb8;
	[tilespmem:$0x1F400] =	vst v63  }
0xb4: {  	s5 =	simm.s32 $0x880;
	s6 =	simm.s32 $0xF400  }
0xb5: {  	[tilespmem:s6], [sflag:$0x2] =	stream.indirect.gather [hbm4b:s3+s17], $0x40, s5, s17, $0xb8;
	[tilespmem:$0x1F400] =	vst v63  }
0xb6: {  	s8 =	simm.s32 $0x8A0;
	s10 =	simm.s32 $0xFC00  }
0xb7: {  	[tilespmem:s10], [sflag:$0x2] =	stream.indirect.gather [hbm4b:s3+s17], $0x40, s8, s17, $0xb8;
	[tilespmem:$0x1F400] =	vst v63  }
0xb8: {  	_ =	swait.ge [sflag:s21], $0x5000  }
0xb9: {  	[sflag:s21] =	ssyncset.done $0x0  }
0xba: {  	s6 =	rddreg [dreg:$0xc];
	[sflag:s21] =	ssyncadd.s32 $0xFFFFB000  }
0xbb: {  	[hbm4b:s6+s2] =	stream.linear.scatter [tilespmem:s9], [sflag:$0x8], $0x5000, $0x38;
	[tilespmem:$0x1F400] =	vst v63  }
0xbc: {  	_ =	swait.ge [sflag:s25], $0x5000  }
0xbd: {  	[sflag:s25] =	ssyncset.done $0x0  }
0xbe: {  	s11 =	simm.s32 $0x8C0;
	[sflag:s25] =	ssyncadd.s32 $0xFFFFB000  }
0xbf: {  	[tilespmem:s9], [sflag:$0x3] =	stream.indirect.gather [hbm4b:s3+s17], $0x40, s11, s17, $0xb8;
	[tilespmem:$0x1F400] =	vst v63  }
0xc0: {  	s12 =	simm.s32 $0x8E0;
	s16 =	simm.s32 $0x10C00  }
0xc1: {  	[tilespmem:s16], [sflag:$0x3] =	stream.indirect.gather [hbm4b:s3+s17], $0x40, s12, s17, $0xb8;
	[tilespmem:$0x1F400] =	vst v63  }
0xc2: {  	s18 =	simm.s32 $0x900;
	s22 =	simm.s32 $0x11400  }
0xc3: {  	[tilespmem:s22], [sflag:$0x3] =	stream.indirect.gather [hbm4b:s3+s17], $0x40, s18, s17, $0xb8;
	[tilespmem:$0x1F400] =	vst v63  }
0xc4: {  	s24 =	simm.s32 $0x920;
	s26 =	simm.s32 $0x11C00  }
0xc5: {  	[tilespmem:s26], [sflag:$0x3] =	stream.indirect.gather [hbm4b:s3+s17], $0x40, s24, s17, $0xb8;
	[tilespmem:$0x1F400] =	vst v63  }
0xc6: {  	s5 =	simm.s32 $0x940;
	s8 =	simm.s32 $0x12400  }
0xc7: {  	[tilespmem:s8], [sflag:$0x3] =	stream.indirect.gather [hbm4b:s3+s17], $0x40, s5, s17, $0xb8;
	[tilespmem:$0x1F400] =	vst v63  }
0xc8: {  	s10 =	simm.s32 $0x960;
	s11 =	simm.s32 $0x12C00  }
0xc9: {  	[tilespmem:s11], [sflag:$0x3] =	stream.indirect.gather [hbm4b:s3+s17], $0x40, s10, s17, $0xb8;
	[tilespmem:$0x1F400] =	vst v63  }
0xca: {  	s12 =	simm.s32 $0x980;
	s16 =	simm.s32 $0x13400  }
0xcb: {  	[tilespmem:s16], [sflag:$0x3] =	stream.indirect.gather [hbm4b:s3+s17], $0x40, s12, s17, $0xb8;
	[tilespmem:$0x1F400] =	vst v63  }
0xcc: {  	s18 =	simm.s32 $0x9A0;
	s22 =	simm.s32 $0x13C00  }
0xcd: {  	[tilespmem:s22], [sflag:$0x3] =	stream.indirect.gather [hbm4b:s3+s17], $0x40, s18, s17, $0xb8;
	[tilespmem:$0x1F400] =	vst v63  }
0xce: {  	s24 =	simm.s32 $0x9C0;
	s26 =	simm.s32 $0x14400  }
0xcf: {  	[tilespmem:s26], [sflag:$0x3] =	stream.indirect.gather [hbm4b:s3+s17], $0x40, s24, s17, $0xb8;
	[tilespmem:$0x1F400] =	vst v63  }
0xd0: {  	s4 =	simm.s32 $0x9E0;
	s5 =	simm.s32 $0x14C00  }
0xd1: {  	[tilespmem:s5], [sflag:$0x3] =	stream.indirect.gather [hbm4b:s3+s17], $0x40, s4, s17, $0xb8;
	[tilespmem:$0x1F400] =	vst v63  }
0xd2: {  	_ =	swait.ge [sflag:s28], $0x5000  }
0xd3: {  	[sflag:s28] =	ssyncset.done $0x0  }
0xd4: {  	s5 =	rddreg [dreg:$0xb];
	[sflag:s28] =	ssyncadd.s32 $0xFFFFB000  }
0xd5: {  	[hbm4b:s5+s2] =	stream.linear.scatter [tilespmem:s23], [sflag:$0x9], $0x5000, $0x38;
	[tilespmem:$0x1F400] =	vst v63  }
0xd6: {  	_ =	swait.ge [sflag:s30], $0x5000  }
0xd7: {  	[sflag:s30] =	ssyncset.done $0x0  }
0xd8: {  	s8 =	simm.s32 $0xA00;
	[sflag:s30] =	ssyncadd.s32 $0xFFFFB000  }
0xd9: {  	[tilespmem:s23], [sflag:$0x4] =	stream.indirect.gather [hbm4b:s3+s17], $0x40, s8, s17, $0xb8;
	[tilespmem:$0x1F400] =	vst v63  }
0xda: {  	s10 =	simm.s32 $0xA20;
	s11 =	simm.s32 $0x15C00  }
0xdb: {  	[tilespmem:s11], [sflag:$0x4] =	stream.indirect.gather [hbm4b:s3+s17], $0x40, s10, s17, $0xb8;
	[tilespmem:$0x1F400] =	vst v63  }
0xdc: {  	s12 =	simm.s32 $0xA40;
	s16 =	simm.s32 $0x16400  }
0xdd: {  	[tilespmem:s16], [sflag:$0x4] =	stream.indirect.gather [hbm4b:s3+s17], $0x40, s12, s17, $0xb8;
	[tilespmem:$0x1F400] =	vst v63  }
0xde: {  	s18 =	simm.s32 $0xA60;
	s22 =	simm.s32 $0x16C00  }
0xdf: {  	[tilespmem:s22], [sflag:$0x4] =	stream.indirect.gather [hbm4b:s3+s17], $0x40, s18, s17, $0xb8;
	[tilespmem:$0x1F400] =	vst v63  }
0xe0: {  	s24 =	simm.s32 $0xA80;
	s26 =	simm.s32 $0x17400  }
0xe1: {  	[tilespmem:s26], [sflag:$0x4] =	stream.indirect.gather [hbm4b:s3+s17], $0x40, s24, s17, $0xb8;
	[tilespmem:$0x1F400] =	vst v63  }
0xe2: {  	s4 =	simm.s32 $0xAA0;
	s8 =	simm.s32 $0x17C00  }
0xe3: {  	[tilespmem:s8], [sflag:$0x4] =	stream.indirect.gather [hbm4b:s3+s17], $0x40, s4, s17, $0xb8;
	[tilespmem:$0x1F400] =	vst v63  }
0xe4: {  	s10 =	simm.s32 $0xAC0;
	s11 =	simm.s32 $0x18400  }
0xe5: {  	[tilespmem:s11], [sflag:$0x4] =	stream.indirect.gather [hbm4b:s3+s17], $0x40, s10, s17, $0xb8;
	[tilespmem:$0x1F400] =	vst v63  }
0xe6: {  	s12 =	simm.s32 $0xAE0;
	s16 =	simm.s32 $0x18C00  }
0xe7: {  	[tilespmem:s16], [sflag:$0x4] =	stream.indirect.gather [hbm4b:s3+s17], $0x40, s12, s17, $0xb8;
	[tilespmem:$0x1F400] =	vst v63  }
0xe8: {  	s18 =	simm.s32 $0xB00;
	s22 =	simm.s32 $0x19400  }
0xe9: {  	[tilespmem:s22], [sflag:$0x4] =	stream.indirect.gather [hbm4b:s3+s17], $0x40, s18, s17, $0xb8;
	[tilespmem:$0x1F400] =	vst v63  }
0xea: {  	s24 =	simm.s32 $0xB20;
	s26 =	simm.s32 $0x19C00  }
0xeb: {  	[tilespmem:s26], [sflag:$0x4] =	stream.indirect.gather [hbm4b:s3+s17], $0x40, s24, s17, $0xb8;
	[tilespmem:$0x1F400] =	vst v63  }
0xec: {  	_ =	swait.ge [sflag:s1], $0x5000  }
0xed: {  	[sflag:s1] =	ssyncset.done $0x0  }
0xee: {  	s4 =	rddreg [dreg:$0xa];
	[sflag:s1] =	ssyncadd.s32 $0xFFFFB000  }
0xef: {  	[hbm4b:s4+s2] =	stream.linear.scatter [tilespmem:s31], [sflag:$0xA], $0x5000, $0x38;
	[tilespmem:$0x1F400] =	vst v63  }
0xf0: {  	_ =	swait.ge [sflag:s20], $0x5000  }
0xf1: {  	[sflag:s20] =	ssyncset.done $0x0  }
0xf2: {  	s8 =	simm.s32 $0xB40;
	[sflag:s20] =	ssyncadd.s32 $0xFFFFB000  }
0xf3: {  	[tilespmem:s31], [sflag:$0x5] =	stream.indirect.gather [hbm4b:s3+s17], $0x40, s8, s17, $0xb8;
	[tilespmem:$0x1F400] =	vst v63  }
0xf4: {  	s10 =	simm.s32 $0xB60;
	s11 =	simm.s32 $0x1AC00  }
0xf5: {  	[tilespmem:s11], [sflag:$0x5] =	stream.indirect.gather [hbm4b:s3+s17], $0x40, s10, s17, $0xb8;
	[tilespmem:$0x1F400] =	vst v63  }
0xf6: {  	s12 =	simm.s32 $0xB80;
	s16 =	simm.s32 $0x1B400  }
0xf7: {  	[tilespmem:s16], [sflag:$0x5] =	stream.indirect.gather [hbm4b:s3+s17], $0x40, s12, s17, $0xb8;
	[tilespmem:$0x1F400] =	vst v63  }
0xf8: {  	s18 =	simm.s32 $0xBA0;
	s22 =	simm.s32 $0x1BC00  }
0xf9: {  	[tilespmem:s22], [sflag:$0x5] =	stream.indirect.gather [hbm4b:s3+s17], $0x40, s18, s17, $0xb8;
	[tilespmem:$0x1F400] =	vst v63  }
0xfa: {  	s24 =	simm.s32 $0xBC0;
	s26 =	simm.s32 $0x1C400  }
0xfb: {  	[tilespmem:s26], [sflag:$0x5] =	stream.indirect.gather [hbm4b:s3+s17], $0x40, s24, s17, $0xb8;
	[tilespmem:$0x1F400] =	vst v63  }
0xfc: {  	s29 =	simm.s32 $0x1EC00;
	s8 =	simm.s32 $0xBE0;
	s10 =	simm.s32 $0x1CC00  }
0xfd: {  	[tilespmem:s10], [sflag:$0x5] =	stream.indirect.gather [hbm4b:s3+s17], $0x40, s8, s17, $0xb8;
	[tilespmem:$0x1F400] =	vst v63  }
0xfe: {  	s5 =	sadd.s32 $0x3200, s5;
	s11 =	simm.s32 $0xC00;
	s12 =	simm.s32 $0x1D400  }
0xff: {  	[tilespmem:s12], [sflag:$0x5] =	stream.indirect.gather [hbm4b:s3+s17], $0x40, s11, s17, $0xb8;
	[tilespmem:$0x1F400] =	vst v63  }
0x100: {  	s4 =	sadd.s32 $0x3200, s4;
	s16 =	simm.s32 $0xC20;
	s18 =	simm.s32 $0x1DC00  }
0x101: {  	[tilespmem:s18], [sflag:$0x5] =	stream.indirect.gather [hbm4b:s3+s17], $0x40, s16, s17, $0xb8;
	[tilespmem:$0x1F400] =	vst v63  }
0x102: {  	s22 =	simm.s32 $0xC40;
	s24 =	simm.s32 $0x1E400;
	s26 =	simm.s32 $0xC60  }
0x103: {  	[tilespmem:s24], [sflag:$0x5] =	stream.indirect.gather [hbm4b:s3+s17], $0x40, s22, s17, $0xb8;
	[tilespmem:$0x1F400] =	vst v63  }
0x104: {  	s10 =	simm.s32 $0xA400;
	s11 =	simm.s32 $0xBC00;
	s18 =	simm.s32 $0xCC00  }
0x105: {  	[tilespmem:s29], [sflag:$0x5] =	stream.indirect.gather [hbm4b:s3+s17], $0x40, s26, s17, $0xb8;
	[tilespmem:$0x1F400] =	vst v63  }
0x106: {  	s24 =	simm.s32 $0x1900;
	s22 =	sadd.s32 $0x3200, s7;
	_ =	swait.ge [sflag:s13], $0x5000  }
0x107: {  	s26 =	sadd.s32 $0x3200, s6;
	s29 =	rddreg [dreg:$0xe];
	[sflag:s13] =	ssyncset.done $0x0  }
0x108: {  	s0 =	sadd.s32 $0x3200, s29;
	[sflag:s13] =	ssyncadd.s32 $0xFFFFB000;
	s6 =	smov.u32 s29  }
.LBB2_2:
0x109: {  	s16 =	simm.s32 $0x6400  }
0x10a: {  	[hbm4b:s6+s2] =	stream.linear.scatter [tilespmem:s16], [sflag:$0x6], $0x5000, $0x38;
	[tilespmem:$0x1F400] =	vst v63  }
0x10b: {  	s7 =	smov.u32 s24;
	s6 =	smov.u32 s0  }
0x10c: {  	p0 =	sne.s32 s24, $0x15E00;
	s24 =	sadd.s32 $0x1900, s24;
	_ =	swait.ge [sflag:s14], $0x5000  }
0x10d: {  	s7 =	sshra.s32 s7, $0x2;
	[sflag:s14] =	ssyncset.done $0x0  }
0x10e: {  	s29 =	simm.s32 $0x6400;
	s8 =	sadd.s32 $0x640, s7;
	[sflag:s14] =	ssyncadd.s32 $0xFFFFB000  }
0x10f: {  	[tilespmem:s16], [sflag:$0x1] =	stream.indirect.gather [hbm4b:s3+s17], $0x40, s8, s17, $0xb8;
	[tilespmem:$0x1F400] =	vst v63  }
0x110: {  	s12 =	simm.s32 $0x6C00;
	s8 =	sadd.s32 $0x660, s7  }
0x111: {  	[tilespmem:s12], [sflag:$0x1] =	stream.indirect.gather [hbm4b:s3+s17], $0x40, s8, s17, $0xb8;
	[tilespmem:$0x1F400] =	vst v63  }
0x112: {  	s8 =	sadd.s32 $0x680, s7;
	s12 =	simm.s32 $0x7400  }
0x113: {  	[tilespmem:s12], [sflag:$0x1] =	stream.indirect.gather [hbm4b:s3+s17], $0x40, s8, s17, $0xb8;
	[tilespmem:$0x1F400] =	vst v63  }
0x114: {  	s8 =	sadd.s32 $0x6A0, s7;
	s12 =	simm.s32 $0x7C00  }
0x115: {  	[tilespmem:s12], [sflag:$0x1] =	stream.indirect.gather [hbm4b:s3+s17], $0x40, s8, s17, $0xb8;
	[tilespmem:$0x1F400] =	vst v63  }
0x116: {  	s8 =	sadd.s32 $0x6C0, s7;
	s12 =	simm.s32 $0x8400  }
0x117: {  	[tilespmem:s12], [sflag:$0x1] =	stream.indirect.gather [hbm4b:s3+s17], $0x40, s8, s17, $0xb8;
	[tilespmem:$0x1F400] =	vst v63  }
0x118: {  	s8 =	sadd.s32 $0x6E0, s7;
	s12 =	simm.s32 $0x8C00  }
0x119: {  	[tilespmem:s12], [sflag:$0x1] =	stream.indirect.gather [hbm4b:s3+s17], $0x40, s8, s17, $0xb8;
	[tilespmem:$0x1F400] =	vst v63  }
0x11a: {  	s8 =	sadd.s32 $0x700, s7;
	s12 =	simm.s32 $0x9400  }
0x11b: {  	[tilespmem:s12], [sflag:$0x1] =	stream.indirect.gather [hbm4b:s3+s17], $0x40, s8, s17, $0xb8;
	[tilespmem:$0x1F400] =	vst v63  }
0x11c: {  	s8 =	sadd.s32 $0x720, s7;
	s12 =	simm.s32 $0x9C00  }
0x11d: {  	[tilespmem:s12], [sflag:$0x1] =	stream.indirect.gather [hbm4b:s3+s17], $0x40, s8, s17, $0xb8;
	[tilespmem:$0x1F400] =	vst v63  }
0x11e: {  	s8 =	sadd.s32 $0x740, s7  }
0x11f: {  	[tilespmem:s10], [sflag:$0x1] =	stream.indirect.gather [hbm4b:s3+s17], $0x40, s8, s17, $0xb8;
	[tilespmem:$0x1F400] =	vst v63  }
0x120: {  	s12 =	simm.s32 $0xAC00;
	s8 =	sadd.s32 $0x760, s7  }
0x121: {  	[tilespmem:s12], [sflag:$0x1] =	stream.indirect.gather [hbm4b:s3+s17], $0x40, s8, s17, $0xb8;
	[tilespmem:$0x1F400] =	vst v63  }
0x122: {  	_ =	swait.ge [sflag:s15], $0x5000  }
0x123: {  	[sflag:s15] =	ssyncset.done $0x0  }
0x124: {  	s12 =	simm.s32 $0xB400;
	[sflag:s15] =	ssyncadd.s32 $0xFFFFB000  }
0x125: {  	[hbm4b:s22+s2] =	stream.linear.scatter [tilespmem:s12], [sflag:$0x7], $0x5000, $0x38;
	[tilespmem:$0x1F400] =	vst v63  }
0x126: {  	_ =	swait.ge [sflag:s19], $0x5000  }
0x127: {  	[sflag:s19] =	ssyncset.done $0x0  }
0x128: {  	s16 =	simm.s32 $0xB400;
	s8 =	sadd.s32 $0x780, s7;
	[sflag:s19] =	ssyncadd.s32 $0xFFFFB000  }
0x129: {  	[tilespmem:s12], [sflag:$0x2] =	stream.indirect.gather [hbm4b:s3+s17], $0x40, s8, s17, $0xb8;
	[tilespmem:$0x1F400] =	vst v63  }
0x12a: {  	s8 =	sadd.s32 $0x7A0, s7  }
0x12b: {  	[tilespmem:s11], [sflag:$0x2] =	stream.indirect.gather [hbm4b:s3+s17], $0x40, s8, s17, $0xb8;
	[tilespmem:$0x1F400] =	vst v63  }
0x12c: {  	s12 =	simm.s32 $0xC400;
	s8 =	sadd.s32 $0x7C0, s7  }
0x12d: {  	[tilespmem:s12], [sflag:$0x2] =	stream.indirect.gather [hbm4b:s3+s17], $0x40, s8, s17, $0xb8;
	[tilespmem:$0x1F400] =	vst v63  }
0x12e: {  	s8 =	sadd.s32 $0x7E0, s7  }
0x12f: {  	[tilespmem:s18], [sflag:$0x2] =	stream.indirect.gather [hbm4b:s3+s17], $0x40, s8, s17, $0xb8;
	[tilespmem:$0x1F400] =	vst v63  }
0x130: {  	s12 =	simm.s32 $0xD400;
	s8 =	sadd.s32 $0x800, s7  }
0x131: {  	[tilespmem:s12], [sflag:$0x2] =	stream.indirect.gather [hbm4b:s3+s17], $0x40, s8, s17, $0xb8;
	[tilespmem:$0x1F400] =	vst v63  }
0x132: {  	s8 =	sadd.s32 $0x820, s7;
	s12 =	simm.s32 $0xDC00  }
0x133: {  	[tilespmem:s12], [sflag:$0x2] =	stream.indirect.gather [hbm4b:s3+s17], $0x40, s8, s17, $0xb8;
	[tilespmem:$0x1F400] =	vst v63  }
0x134: {  	s8 =	sadd.s32 $0x840, s7;
	s12 =	simm.s32 $0xE400  }
0x135: {  	[tilespmem:s12], [sflag:$0x2] =	stream.indirect.gather [hbm4b:s3+s17], $0x40, s8, s17, $0xb8;
	[tilespmem:$0x1F400] =	vst v63  }
0x136: {  	s8 =	sadd.s32 $0x860, s7;
	s12 =	simm.s32 $0xEC00  }
0x137: {  	[tilespmem:s12], [sflag:$0x2] =	stream.indirect.gather [hbm4b:s3+s17], $0x40, s8, s17, $0xb8;
	[tilespmem:$0x1F400] =	vst v63  }
0x138: {  	s8 =	sadd.s32 $0x880, s7;
	s12 =	simm.s32 $0xF400  }
0x139: {  	[tilespmem:s12], [sflag:$0x2] =	stream.indirect.gather [hbm4b:s3+s17], $0x40, s8, s17, $0xb8;
	[tilespmem:$0x1F400] =	vst v63  }
0x13a: {  	s8 =	sadd.s32 $0x8A0, s7;
	s12 =	simm.s32 $0xFC00  }
0x13b: {  	[tilespmem:s12], [sflag:$0x2] =	stream.indirect.gather [hbm4b:s3+s17], $0x40, s8, s17, $0xb8;
	[tilespmem:$0x1F400] =	vst v63  }
0x13c: {  	_ =	swait.ge [sflag:s21], $0x5000  }
0x13d: {  	[sflag:s21] =	ssyncset.done $0x0  }
0x13e: {  	[sflag:s21] =	ssyncadd.s32 $0xFFFFB000  }
0x13f: {  	[hbm4b:s26+s2] =	stream.linear.scatter [tilespmem:s9], [sflag:$0x8], $0x5000, $0x38;
	[tilespmem:$0x1F400] =	vst v63  }
0x140: {  	_ =	swait.ge [sflag:s25], $0x5000  }
0x141: {  	[sflag:s25] =	ssyncset.done $0x0  }
0x142: {  	s8 =	sadd.s32 $0x8C0, s7;
	[sflag:s25] =	ssyncadd.s32 $0xFFFFB000  }
0x143: {  	[tilespmem:s9], [sflag:$0x3] =	stream.indirect.gather [hbm4b:s3+s17], $0x40, s8, s17, $0xb8;
	[tilespmem:$0x1F400] =	vst v63  }
0x144: {  	s12 =	simm.s32 $0x10C00;
	s8 =	sadd.s32 $0x8E0, s7  }
0x145: {  	[tilespmem:s12], [sflag:$0x3] =	stream.indirect.gather [hbm4b:s3+s17], $0x40, s8, s17, $0xb8;
	[tilespmem:$0x1F400] =	vst v63  }
0x146: {  	s8 =	sadd.s32 $0x900, s7;
	s12 =	simm.s32 $0x11400  }
0x147: {  	[tilespmem:s12], [sflag:$0x3] =	stream.indirect.gather [hbm4b:s3+s17], $0x40, s8, s17, $0xb8;
	[tilespmem:$0x1F400] =	vst v63  }
0x148: {  	s8 =	sadd.s32 $0x920, s7;
	s12 =	simm.s32 $0x11C00  }
0x149: {  	[tilespmem:s12], [sflag:$0x3] =	stream.indirect.gather [hbm4b:s3+s17], $0x40, s8, s17, $0xb8;
	[tilespmem:$0x1F400] =	vst v63  }
0x14a: {  	s8 =	sadd.s32 $0x940, s7;
	s12 =	simm.s32 $0x12400  }
0x14b: {  	[tilespmem:s12], [sflag:$0x3] =	stream.indirect.gather [hbm4b:s3+s17], $0x40, s8, s17, $0xb8;
	[tilespmem:$0x1F400] =	vst v63  }
0x14c: {  	s8 =	sadd.s32 $0x960, s7;
	s12 =	simm.s32 $0x12C00  }
0x14d: {  	[tilespmem:s12], [sflag:$0x3] =	stream.indirect.gather [hbm4b:s3+s17], $0x40, s8, s17, $0xb8;
	[tilespmem:$0x1F400] =	vst v63  }
0x14e: {  	s8 =	sadd.s32 $0x980, s7;
	s12 =	simm.s32 $0x13400  }
0x14f: {  	[tilespmem:s12], [sflag:$0x3] =	stream.indirect.gather [hbm4b:s3+s17], $0x40, s8, s17, $0xb8;
	[tilespmem:$0x1F400] =	vst v63  }
0x150: {  	s8 =	sadd.s32 $0x9A0, s7;
	s12 =	simm.s32 $0x13C00  }
0x151: {  	[tilespmem:s12], [sflag:$0x3] =	stream.indirect.gather [hbm4b:s3+s17], $0x40, s8, s17, $0xb8;
	[tilespmem:$0x1F400] =	vst v63  }
0x152: {  	s8 =	sadd.s32 $0x9C0, s7;
	s12 =	simm.s32 $0x14400  }
0x153: {  	[tilespmem:s12], [sflag:$0x3] =	stream.indirect.gather [hbm4b:s3+s17], $0x40, s8, s17, $0xb8;
	[tilespmem:$0x1F400] =	vst v63  }
0x154: {  	s8 =	sadd.s32 $0x9E0, s7;
	s12 =	simm.s32 $0x14C00  }
0x155: {  	[tilespmem:s12], [sflag:$0x3] =	stream.indirect.gather [hbm4b:s3+s17], $0x40, s8, s17, $0xb8;
	[tilespmem:$0x1F400] =	vst v63  }
0x156: {  	_ =	swait.ge [sflag:s28], $0x5000  }
0x157: {  	[sflag:s28] =	ssyncset.done $0x0  }
0x158: {  	[sflag:s28] =	ssyncadd.s32 $0xFFFFB000  }
0x159: {  	[hbm4b:s5+s2] =	stream.linear.scatter [tilespmem:s23], [sflag:$0x9], $0x5000, $0x38;
	[tilespmem:$0x1F400] =	vst v63  }
0x15a: {  	_ =	swait.ge [sflag:s30], $0x5000  }
0x15b: {  	[sflag:s30] =	ssyncset.done $0x0  }
0x15c: {  	s8 =	sadd.s32 $0xA00, s7;
	[sflag:s30] =	ssyncadd.s32 $0xFFFFB000  }
0x15d: {  	[tilespmem:s23], [sflag:$0x4] =	stream.indirect.gather [hbm4b:s3+s17], $0x40, s8, s17, $0xb8;
	[tilespmem:$0x1F400] =	vst v63  }
0x15e: {  	s12 =	simm.s32 $0x15C00;
	s8 =	sadd.s32 $0xA20, s7  }
0x15f: {  	[tilespmem:s12], [sflag:$0x4] =	stream.indirect.gather [hbm4b:s3+s17], $0x40, s8, s17, $0xb8;
	[tilespmem:$0x1F400] =	vst v63  }
0x160: {  	s8 =	sadd.s32 $0xA40, s7;
	s12 =	simm.s32 $0x16400  }
0x161: {  	[tilespmem:s12], [sflag:$0x4] =	stream.indirect.gather [hbm4b:s3+s17], $0x40, s8, s17, $0xb8;
	[tilespmem:$0x1F400] =	vst v63  }
0x162: {  	s8 =	sadd.s32 $0xA60, s7;
	s12 =	simm.s32 $0x16C00  }
0x163: {  	[tilespmem:s12], [sflag:$0x4] =	stream.indirect.gather [hbm4b:s3+s17], $0x40, s8, s17, $0xb8;
	[tilespmem:$0x1F400] =	vst v63  }
0x164: {  	s8 =	sadd.s32 $0xA80, s7;
	s12 =	simm.s32 $0x17400  }
0x165: {  	[tilespmem:s12], [sflag:$0x4] =	stream.indirect.gather [hbm4b:s3+s17], $0x40, s8, s17, $0xb8;
	[tilespmem:$0x1F400] =	vst v63  }
0x166: {  	s8 =	sadd.s32 $0xAA0, s7;
	s12 =	simm.s32 $0x17C00  }
0x167: {  	[tilespmem:s12], [sflag:$0x4] =	stream.indirect.gather [hbm4b:s3+s17], $0x40, s8, s17, $0xb8;
	[tilespmem:$0x1F400] =	vst v63  }
0x168: {  	s8 =	sadd.s32 $0xAC0, s7;
	s12 =	simm.s32 $0x18400  }
0x169: {  	[tilespmem:s12], [sflag:$0x4] =	stream.indirect.gather [hbm4b:s3+s17], $0x40, s8, s17, $0xb8;
	[tilespmem:$0x1F400] =	vst v63  }
0x16a: {  	s8 =	sadd.s32 $0xAE0, s7;
	s12 =	simm.s32 $0x18C00  }
0x16b: {  	[tilespmem:s12], [sflag:$0x4] =	stream.indirect.gather [hbm4b:s3+s17], $0x40, s8, s17, $0xb8;
	[tilespmem:$0x1F400] =	vst v63  }
0x16c: {  	s8 =	sadd.s32 $0xB00, s7;
	s12 =	simm.s32 $0x19400  }
0x16d: {  	[tilespmem:s12], [sflag:$0x4] =	stream.indirect.gather [hbm4b:s3+s17], $0x40, s8, s17, $0xb8;
	[tilespmem:$0x1F400] =	vst v63  }
0x16e: {  	s8 =	sadd.s32 $0xB20, s7;
	s12 =	simm.s32 $0x19C00  }
0x16f: {  	[tilespmem:s12], [sflag:$0x4] =	stream.indirect.gather [hbm4b:s3+s17], $0x40, s8, s17, $0xb8;
	[tilespmem:$0x1F400] =	vst v63  }
0x170: {  	_ =	swait.ge [sflag:s1], $0x5000  }
0x171: {  	[sflag:s1] =	ssyncset.done $0x0  }
0x172: {  	[sflag:s1] =	ssyncadd.s32 $0xFFFFB000  }
0x173: {  	[hbm4b:s4+s2] =	stream.linear.scatter [tilespmem:s31], [sflag:$0xA], $0x5000, $0x38;
	[tilespmem:$0x1F400] =	vst v63  }
0x174: {  	_ =	swait.ge [sflag:s20], $0x5000  }
0x175: {  	[sflag:s20] =	ssyncset.done $0x0  }
0x176: {  	s8 =	sadd.s32 $0xB40, s7;
	[sflag:s20] =	ssyncadd.s32 $0xFFFFB000  }
0x177: {  	[tilespmem:s31], [sflag:$0x5] =	stream.indirect.gather [hbm4b:s3+s17], $0x40, s8, s17, $0xb8;
	[tilespmem:$0x1F400] =	vst v63  }
0x178: {  	s12 =	simm.s32 $0x1AC00;
	s8 =	sadd.s32 $0xB60, s7  }
0x179: {  	[tilespmem:s12], [sflag:$0x5] =	stream.indirect.gather [hbm4b:s3+s17], $0x40, s8, s17, $0xb8;
	[tilespmem:$0x1F400] =	vst v63  }
0x17a: {  	s8 =	sadd.s32 $0xB80, s7;
	s12 =	simm.s32 $0x1B400  }
0x17b: {  	[tilespmem:s12], [sflag:$0x5] =	stream.indirect.gather [hbm4b:s3+s17], $0x40, s8, s17, $0xb8;
	[tilespmem:$0x1F400] =	vst v63  }
0x17c: {  	s8 =	sadd.s32 $0xBA0, s7;
	s12 =	simm.s32 $0x1BC00  }
0x17d: {  	[tilespmem:s12], [sflag:$0x5] =	stream.indirect.gather [hbm4b:s3+s17], $0x40, s8, s17, $0xb8;
	[tilespmem:$0x1F400] =	vst v63  }
0x17e: {  	s8 =	sadd.s32 $0xBC0, s7;
	s12 =	simm.s32 $0x1C400  }
0x17f: {  	[tilespmem:s12], [sflag:$0x5] =	stream.indirect.gather [hbm4b:s3+s17], $0x40, s8, s17, $0xb8;
	[tilespmem:$0x1F400] =	vst v63  }
0x180: {  	s8 =	sadd.s32 $0xBE0, s7;
	s12 =	simm.s32 $0x1CC00  }
0x181: {  	[tilespmem:s12], [sflag:$0x5] =	stream.indirect.gather [hbm4b:s3+s17], $0x40, s8, s17, $0xb8;
	[tilespmem:$0x1F400] =	vst v63  }
0x182: {  	s8 =	sadd.s32 $0xC00, s7;
	s12 =	simm.s32 $0x1D400  }
0x183: {  	[tilespmem:s12], [sflag:$0x5] =	stream.indirect.gather [hbm4b:s3+s17], $0x40, s8, s17, $0xb8;
	[tilespmem:$0x1F400] =	vst v63  }
0x184: {  	s8 =	sadd.s32 $0xC20, s7;
	s12 =	simm.s32 $0x1DC00  }
0x185: {  	[tilespmem:s12], [sflag:$0x5] =	stream.indirect.gather [hbm4b:s3+s17], $0x40, s8, s17, $0xb8;
	[tilespmem:$0x1F400] =	vst v63  }
0x186: {  	s8 =	sadd.s32 $0xC40, s7;
	s12 =	simm.s32 $0x1E400  }
0x187: {  	[tilespmem:s12], [sflag:$0x5] =	stream.indirect.gather [hbm4b:s3+s17], $0x40, s8, s17, $0xb8;
	[tilespmem:$0x1F400] =	vst v63  }
.Ltmp0:
0x188: {  	s7 =	sadd.s32 $0xC60, s7;
	s8 =	simm.s32 $0x1EC00;
	(pc) =	sbr.rel @p0 .LBB2_2-.Ltmp0, $4  }
0x189: {  	[tilespmem:s8], [sflag:$0x5] =	stream.indirect.gather [hbm4b:s3+s17], $0x40, s7, s17, $0xb8;
	[tilespmem:$0x1F400] =	vst v63  }
0x18a: {  	s0 =	sadd.s32 $0x3200, s0;
	_ =	swait.ge [sflag:s13], $0x5000  }
0x18b: {  	s22 =	sadd.s32 $0x3200, s22;
	s26 =	sadd.s32 $0x3200, s26;
	[sflag:s13] =	ssyncset.done $0x0  }
0x18c: {  	s5 =	sadd.s32 $0x3200, s5;
	s4 =	sadd.s32 $0x3200, s4;
	[sflag:s13] =	ssyncadd.s32 $0xFFFFB000  }
0x18d: {  	[hbm4b:s6+s2] =	stream.linear.scatter [tilespmem:s29], [sflag:$0x6], $0x5000, $0x38;
	[tilespmem:$0x1F400] =	vst v63  }
0x18e: {  	_ =	swait.ge [sflag:s15], $0x5000  }
0x18f: {  	[sflag:s15] =	ssyncset.done $0x0  }
0x190: {  	s0 =	rddreg [dreg:$0x5];
	[sflag:s15] =	ssyncadd.s32 $0xFFFFB000  }
0x191: {  	[hbm4b:s0+s2] =	stream.linear.scatter [tilespmem:s16], [sflag:$0x7], $0x5000, $0x38;
	[tilespmem:$0x1F400] =	vst v63  }
0x192: {  	_ =	swait.ge [sflag:s21], $0x5000  }
0x193: {  	[sflag:s21] =	ssyncset.done $0x0  }
0x194: {  	s22 =	rddreg [dreg:$0x6];
	[sflag:s21] =	ssyncadd.s32 $0xFFFFB000  }
0x195: {  	[hbm4b:s22+s2] =	stream.linear.scatter [tilespmem:s9], [sflag:$0x8], $0x5000, $0x38;
	[tilespmem:$0x1F400] =	vst v63  }
0x196: {  	_ =	swait.ge [sflag:s28], $0x5000  }
0x197: {  	[sflag:s28] =	ssyncset.done $0x0  }
0x198: {  	s24 =	rddreg [dreg:$0x7];
	[sflag:s28] =	ssyncadd.s32 $0xFFFFB000  }
0x199: {  	[hbm4b:s24+s2] =	stream.linear.scatter [tilespmem:s23], [sflag:$0x9], $0x5000, $0x38;
	[tilespmem:$0x1F400] =	vst v63  }
0x19a: {  	_ =	swait.ge [sflag:s1], $0x5000  }
0x19b: {  	[sflag:s1] =	ssyncset.done $0x0  }
0x19c: {  	s26 =	rddreg [dreg:$0x8];
	[sflag:s1] =	ssyncadd.s32 $0xFFFFB000  }
0x19d: {  	[hbm4b:s26+s2] =	stream.linear.scatter [tilespmem:s31], [sflag:$0xA], $0x5000, $0x38;
	[tilespmem:$0x1F400] =	vst v63  }
0x19e: {  	_ =	swait.ge [sflag:s14], $0x5000  }
0x19f: {  	[sflag:s14] =	ssyncset.done $0x0  }
0x1a0: {  	[sflag:s14] =	ssyncadd.s32 $0xFFFFB000  }
0x1a1: {  	_ =	swait.ge [sflag:s19], $0x5000  }
0x1a2: {  	[sflag:s19] =	ssyncset.done $0x0  }
0x1a3: {  	[sflag:s19] =	ssyncadd.s32 $0xFFFFB000  }
0x1a4: {  	_ =	swait.ge [sflag:s25], $0x5000  }
0x1a5: {  	[sflag:s25] =	ssyncset.done $0x0  }
0x1a6: {  	[sflag:s25] =	ssyncadd.s32 $0xFFFFB000  }
0x1a7: {  	_ =	swait.ge [sflag:s30], $0x5000  }
0x1a8: {  	[sflag:s30] =	ssyncset.done $0x0  }
0x1a9: {  	[sflag:s30] =	ssyncadd.s32 $0xFFFFB000  }
0x1aa: {  	_ =	swait.ge [sflag:s20], $0x5000  }
0x1ab: {  	s26 =	rddreg [dreg:$0xf]  }
0x1ac: {  	s29 =	rddreg [dreg:$0x9];
	s26 =	sadd.s32 $0x1, s26  }
0x1ad: {  	p0 =	sne.s32 s26, s29  }
.Ltmp1:
0x1ae: {  	s4 =	simm.s32 $0x6C00;
	s5 =	simm.s32 $0x7400;
	(pc) =	sbr.rel @p0 .LBB2_1-.Ltmp1, $4  }
0x1af: {  	s6 =	simm.s32 $0x7C00;
	s7 =	simm.s32 $0x8400;
	s8 =	simm.s32 $0x8C00  }
0x1b0: {  	s10 =	simm.s32 $0x9400;
	s11 =	simm.s32 $0x9C00;
	s12 =	simm.s32 $0xA400  }
0x1b1: {  	s18 =	simm.s32 $0xCC00;
	s16 =	simm.s32 $0xAC00;
	[sflag:s20] =	ssyncset.done $0x0  }
0x1b2: {  	s22 =	simm.s32 $0xBC00;
	s24 =	simm.s32 $0xC400;
	[sflag:s20] =	ssyncadd.s32 $0xFFFFB000  }
0x1b3: {  	_ =	sfence.sel $0x180000  }
0x1b4: {  	[bflag:$0x0] =	sbarrier.arrive $0xFFFF  }
0x1b5: {  	_ =	strace $0x90000047  }
0x1b6: {  	s0 =	stileid.u32;
	[bflag:$0x2] =	sbarrier.arrive $0xFFFF  }
0x1b7: {  	p0 =	sne.s32 s0, $0x0;
	s0 =	rddreg [dreg:$0x2]  }
0x1b8: {  	s0 =	sadd.s32 @!p0 $0x100000, s0  }
0x1b9: {  	[sflag:s0] =	ssyncadd.tile.s32 @!p0 $0x1;
	_ =	shalt  }
.Lfunc_end2:
_tile_overlayer_lowered:
.L_overlay_start_2:
0x1ba: {  	(tag) =	ssettag $0x2  }
0x1bb: {  	s0 =	rddreg [dreg:$0x0];
	s2 =	stileid.u32  }
0x1bc: {  	s1 =	rddreg [dreg:$0x1];
	p0 =	sne.s32 s2, $0x0  }
0x1bd: {  	s3 =	rddreg [dreg:$0x2];
	[bflag:$0x3] =	sbarrier.arrive $0xFFFF;
	s2 =	simm.s32 @!p0 $0x1C0B  }
0x1be: {  	[timem:s3], [sflag:s2] =	dma.local @!p0 [hbm:s0], s1  }
0x1bf: {  	s0 =	simm.s32 @!p0 $0xB  }
0x1c0: {  	_ =	swait.ge @!p0 [sflag:s0], s1  }
0x1c1: {  	s1 =	ssub.s32 @!p0 $0x0, s1;
	[sflag:s0] =	ssyncset.done @!p0 $0x0  }
0x1c2: {  	[sflag:s0] =	ssyncadd.s32 @!p0 s1  }
0x1c3: {  	[bflag:$0x3] =	sbarrier.arrive $0xFFFF  }
0x1c4: {  	_ =	shalt  }

// kernel: sparse-core-data-format-call.cloned.1.call-start
scs
called_computation_lowered:
.L_overlay_start_0:
0x0: {  	s2 =	sld [smem:$0x3FD9]  }
0x1: {  	s3 =	sld [smem:$0x3FFE];
	_ =	sdelay $0x1  }
0x2: {  	s1 =	srdreg.scid  }
0x3: {  	s0 =	sand.u32 $0x1, s1  }
0x4: {  	s18 =	sshll.u32 s0, $0xA;
	s2 =	sadd.s32 s3, s2  }
0x5: {  	s2 =	sadd.s32 s2, s18  }
0x6: {  	[smem:$0x3FC6] =	sst s2  }
0x7: {  	_ = 	snop  }
0x8: {  	s2 =	sld [smem:$0x3FD0];
	(tm) =	ssettm $0x1  }
0x9: {  	s19 =	sld [smem:$0x3FFB];
	_ =	sdelay $0x3  }
0xa: {  	_ =	strace s19  }
0xb: {  	s3 =	sld [smem:$0x3FFC];
	_ =	sdelay $0x3  }
0xc: {  	_ =	strace s3  }
0xd: {  	s3 =	sld [smem:$0x3FFD];
	_ =	sdelay $0x3  }
0xe: {  	_ =	strace s3  }
0xf: {  	_ =	strace $0x8FFFFFFF  }
0x10: {  	s20 =	sld [smem:$0x3FDB];
	_ =	sdelay $0x1  }
0x11: {  	s4 =	simm.s32 $_scs_section_size  }
0x12: {  	s5 =	simm.s32 $_size__tile_overlayer_lowered;
	s6 =	simm.s32 $_tile_overlayer_lowered  }
0x13: {  	s23 =	simm.s32 $0x1BFF;
	s22 =	sshll.u32 s6, $0x1;
	s3 =	sadd.s32 s4, s20  }
0x14: {  	s7 =	simm.s32 $0x0;
	s21 =	sshll.u32 s5, $0x1;
	s5 =	sadd.s32 s22, s3  }
0x15: {  	[timem:s7], [sflag:s23] =	dma.local [hbm:s5], s21  }
0x16: {  	_ =	swait.ge [sflag:s23], s21  }
0x17: {  	s4 =	ssub.s32 $0x0, s21;
	[sflag:s23] =	ssyncset.done $0x0  }
0x18: {  	[sflag:s23] =	ssyncadd.s32 s4;
	_ =	sdelay $0x1  }
0x19: {  	s24 =	simm.s32 $0x1B8B  }
0x1a: {  	_ =	swait.ge [sflag:s24], $0x1  }
0x1b: {  	[sflag:s24] =	ssyncset.done $0x0  }
0x1c: {  	s26 =	simm.s32 $0x1B8E;
	s25 =	sld [smem:$0x3FFE];
	[sflag:s24] =	ssyncadd.s32 $0xFFFFFFFF  }
0x1d: {  	s27 =	simm.s32 $execute0_lowered;
	[smem:$0x3FD2] =	sst s26  }
0x1e: {  	s5 =	sshll.u32 s27, $0x1;
	_ =	strace $0x80000049;
	[dreg:$0x1] =	wrdreg $0xFFFFFFFF  }
0x1f: {  	s28 =	simm.s32 $_size_execute0_lowered;
	s3 =	sadd.s32 s3, s5;
	[dreg:$0x0] =	wrdreg $0x0  }
0x20: {  	s5 =	sshll.u32 s28, $0x1;
	[dreg:$0x2] =	wrdreg s3  }
0x21: {  	[dreg:$0x3] =	wrdreg s5  }
0x22: {  	[dreg:$0x4] =	wrdreg $0xC0  }
0x23: {  	_ =	task [dreg:s7], $0x5FFFF  }
0x24: {  	[dreg:$0x1] =	wrdreg $0xFFFFFFFF  }
0x25: {  	[dreg:$0x0] =	wrdreg $0x60  }
0x26: {  	[dreg:$0x2] =	wrdreg s25  }
0x27: {  	[dreg:$0x3] =	wrdreg s2  }
0x28: {  	[dreg:$0x4] =	wrdreg $0x9  }
0x29: {  	_ =	task.clear_ibuf [dreg:s7], $0x5FFFF;
	_ =	strace $0x90000049  }
0x2a: {  	s29 =	simm.s32 $0x9;
	_ =	strace $0x8000004B  }
0x2b: {  	_ =	swait.ge [sflag:s29], $0x1  }
0x2c: {  	[sflag:s29] =	ssyncadd.s32 $0xFFFFFFFF  }
0x2d: {  	_ =	strace $0x9000004B  }
0x2e: {  	_ =	sfence  }
0x2f: {  	s30 =	sld [smem:$0x0];
	_ =	sdelay $0x2  }
0x30: {  	s31 =	sshll.u32 s1, $0xD;
	s1 =	sshrl.u32 s1, $0x2  }
0x31: {  	s3 =	sand.u32 $0x4000, s31;
	s1 =	sadd.s32 s1, s30  }
0x32: {  	s0 =	sor.u32 s3, s0;
	s1 =	sshll.u32 s1, $0x11  }
0x33: {  	s0 =	sor.u32 s1, s0  }
0x34: {  	s0 =	sadd.s32 $0x8F2B, s0  }
0x35: {  	[sflag:s0] =	ssyncadd.remote.s32 $0x1  }
0x36: {  	_ =	sfence.sel $0xFFFF  }
0x37: {  	[dreg:$0x0] =	wrdreg $0xFFFFFFFF;
	(pc) =	sbr.abs _section_cstart, $3  }
0x38: {  	[dreg:$0x1] =	wrdreg $0xFFFFFFFF  }
0x39: {  	_ =	task.clear_ibuf [dreg:s7], $0x2FFFF;
	_ =	strace $0x9FFFFFFF  }
0x3a: {  	(tm) =	ssettm $0x7FFFFFFF  }
0x3b: {  	_ =	shalt  }
tec
execute0_lowered:
.L_overlay_start_1:
0x0: {  	(tag) =	ssettag $0x1  }
0x1: {  	s0 =	srdreg.scid  }
0x2: {  	s1 =	sshll.u32 s0, $0x4  }
0x3: {  	s0 =	stileid.u32;
	s1 =	sand.u32 $0x10, s1  }
0x4: {  	s1 =	sor.u32 s0, s1  }
0x5: {  	s6 =	rddreg [dreg:$0x0];
	s4 =	simm.s32 $0x1;
	s2 =	sshll.u32 s1, $0x7  }
0x6: {  	s7 =	simm.s32 $0x2;
	s12 =	simm.s32 $0x0;
	s1 =	ssub.s32 $0x4000, s2  }
0x7: {  	s8 =	simm.s32 $0x20000;
	s13 =	simm.s32 $0x0;
	s3 =	sand.u32 $0xF80, s1  }
0x8: {  	s9 =	simm.s32 $0x0;
	s5 =	sshrl.u32 s1, $0xC;
	p0 =	sne.s32 s3, $0x0  }
.Ltmp0:
0x9: {  	s1 =	rddreg [dreg:$0x2];
	s4 =	simm.s32 @!p0 $0x0;
	(pc) =	sbr.rel .LBB1_1-.Ltmp0, $4  }
0xa: {  	s11 =	simm.s32 $0x0;
	s3 =	rddreg [dreg:$0x1];
	s5 =	sadd.s32 s4, s5  }
0xb: {  	_ =	strace $0x8000004A;
	s4 =	simm.s32 $0x1;
	s5 =	smul.u32 $0x32, s5  }
0xc: {  	s6 =	sadd.s32 $0xA00, s6;
	s10 =	smov.u32 s2;
	[sflag:s4] =	ssyncpa.u1 $0x0  }
0xd: {  	p0 =	por $0x0, $0x0;
	[sflag:s7] =	ssyncpa.u1 $0x0;
	s7 =	sor.u32 $0x1, s5  }
.LBB1_4:
0xe: {  	s16 =	sshll.u32 s13, $0x3;
	s17 =	sand.u32 $0x78, s13  }
0xf: {  	s30 =	sand.u32 $0x1F800, s13;
	s12 =	sshll.u32 s12, $0x11;
	s16 =	sand.u32 $0x3C00, s16  }
0x10: {  	[tilespmem:s15+$0x810 ss:$0x81] =	vst.msk $0xffff, v2;
	s31 =	sand.u32 $0x7, s13;
	s16 =	sor.u32 s17, s16;
	s17 =	sadd.s32 s3, s30  }
0x11: {  	[tilespmem:s15+$0x1020 ss:$0x81] =	vst.msk $0xffff, v0;
	s13 =	sshll.u32 s31, $0x12;
	s12 =	sadd.s32 s12, s17;
	s16 =	sshrl.u32 s16, $0x3  }
0x12: {  	[tilespmem:s15+$0x0 ss:$0x81] =	vst.msk $0xffff, v1;
	s13 =	sor.u32 $0x400, s13;
	s12 =	sadd.s32 s16, s12  }
0x13: {  	[hbm4b:s12+s13] =	stream.strided.scatter [tilespmem:s14], [sflag:$0x2], $0x2000, s8, s13, $0x20;
	[tilespmem:$0x8080] =	vst v63  }
.LBB1_5:
0x14: {  	s14 =	sadd.s32 $0x1, s9  }
0x15: {  	s12 =	sadd.s32 $0x1000, s10;
	s16 =	smov.u32 s10;
	p2 =	sgt.s32 s14, $0x31  }
0x16: {  	s16 =	smov.u32 @p2 s12  }
0x17: {  	s14 =	simm.s32 @p2 $0x0;
	p2 =	sgt.s32 s16, $0x3FFF  }
0x18: {  	s16 =	smov.u32 @p2 s2;
	p2 =	sne.s32 s11, s7  }
.Ltmp1:
0x19: {  	p1 =	slt.u32 s11, $0x2;
	(pc) =	sbr.rel @!p2 .LBB1_6-.Ltmp1, $4  }
0x1a: {  	s15 =	simm.s32 @!p1 $0x2  }
0x1b: {  	s13 =	smov.u32 s10;
	p0 =	por !p0, !p0;
	_ =	swait.ge @!p1 [sflag:s15], $0x2000  }
0x1c: {  	s12 =	smov.u32 s9;
	[sflag:s15] =	ssyncset.done @!p1 $0x0;
	s9 =	smov.u32 s14  }
0x1d: {  	s11 =	sadd.s32 $0x1, s11;
	[sflag:s15] =	ssyncadd.s32 @!p1 $0xFFFFE000;
	s10 =	smov.u32 s16  }
.LBB1_1:
0x1e: {  	p1 =	sge.u32 s11, s5  }
0x1f: {  	s14 =	sand.u32 @!p1 $0x1FFFFFF, s9  }
0x20: {  	s15 =	smulhi.u32 @!p1 $0x4924925, s14;
	_ =	sdelay $0x1  }
0x21: {  	s15 =	smul.u32 @!p1 $0x38, s15  }
0x22: {  	s16 =	sxor.u32 @!p1 $0xFFFFFFFF, s11;
	s17 =	smul.u32 @!p1 $0x380, s10  }
0x23: {  	s31 =	sadd.s32 $0xFFFFFFFF, s11;
	s16 =	sshll.u32 @!p1 s16, $0xD;
	s14 =	ssub.s32 @!p1 s14, s15  }
0x24: {  	s15 =	sand.u32 @!p1 $0x2000, s16;
	s16 =	sadd.s32 @!p1 s6, s17;
	s14 =	sshll.u32 @!p1 s14, $0x4  }
0x25: {  	s17 =	simm.s32 @!p1 $0x1C00;
	s14 =	sadd.s32 @!p1 s14, s16;
	s16 =	simm.s32 @!p1 $0x40  }
0x26: {  	[tilespmem:s15], [sflag:$0x1] =	stream.strided.gather @!p1 [hbm4b:s14+s16], $0x2000, s17, s16, $0x38;
	[tilespmem:$0x8080] =	vst v63  }
0x27: {  	p1 =	sge.u32 s31, s5  }
.Ltmp2:
0x28: {  	_ = 	snop;
	(pc) =	sbr.rel @p1 .LBB1_5-.Ltmp2, $1  }
0x29: {  	_ =	sdelay $0x3  }
0x2a: {  	s14 =	simm.s32 $0x1  }
0x2b: {  	_ =	swait.ge [sflag:s4], $0x2000;
	s14 =	simm.s32 @!p0 $0x0  }
0x2c: {  	[sflag:s4] =	ssyncset.done $0x0;
	s15 =	sshll.u32 s14, $0xD  }
0x2d: {  	[sflag:s4] =	ssyncadd.s32 $0xFFFFE000;
	s18 =	sor.u32 $0x20, s15  }
0x2e: {  	s14 =	smul.u32 $0x8100, s14;
	v3 =	vld [tilespmem:s18+$0x10]  }
0x2f: {  	s30 =	sand.u32 $0x1, s11;
	v2 =	vld [tilespmem:s18+$0xFFFFFFF0]  }
0x30: {  	s15 =	smul.u32 $0x8100, s30;
	s14 =	sshrl.u32 s14, $0x2;
	v0 =	vld [tilespmem:s18+$0x0]  }
0x31: {  	v1 =	vld [tilespmem:s18+$0xFFFFFFE0];
	s16 =	sor.u32 $0x4000, s14  }
0x32: {  	s31 =	sshrl.u32 s15, $0x2;
	s15 =	sadd.s32 $0x0, s16  }
0x33: {  	s17 =	simm.s32 $0x4;
	s18 =	sadd.s32 $0x40, s18;
	s14 =	sor.u32 $0x4000, s31;
	[tilespmem:s15+$0x1830 ss:$0x81] =	vst.msk $0xffff, v3  }
.LBB1_3:
0x34: {  	v3 =	vld [tilespmem:s18+$0x10];
	p1 =	sne.s32 s17, $0x1FC;
	[tilespmem:s15+$0x810 ss:$0x81] =	vst.msk $0xffff, v2;
	s19 =	smov.u32 s17;
	s17 =	sadd.s32 $0x4, s17  }
.Ltmp3:
0x35: {  	v2 =	vld [tilespmem:s18+$0xFFFFFFF0];
	[tilespmem:s15+$0x1020 ss:$0x81] =	vst.msk $0xffff, v0;
	(pc) =	sbr.rel @p1 .LBB1_3-.Ltmp3, $4  }
0x36: {  	v0 =	vld [tilespmem:s18+$0x0];
	[tilespmem:s15+$0x0 ss:$0x81] =	vst.msk $0xffff, v1  }
0x37: {  	s15 =	sshra.s32 s19, $0x2;
	v1 =	vld [tilespmem:s18+$0xFFFFFFE0]  }
0x38: {  	s15 =	sadd.s32 s15, s16  }
0x39: {  	s18 =	sadd.s32 $0x40, s18;
	[tilespmem:s15+$0x1830 ss:$0x81] =	vst.msk $0xffff, v3  }
.Ltmp4:
0x3a: {  	_ = 	snop;
	(pc) =	sbr.rel .LBB1_4-.Ltmp4, $1  }
0x3b: {  	_ =	sdelay $0x3  }
.LBB1_6:
0x3c: {  	_ =	sfence.sel $0x180000  }
0x3d: {  	s2 =	simm.s32 $0x1;
	[bflag:$0x0] =	sbarrier.arrive $0xFFFF  }
0x3e: {  	s31 =	simm.s32 $0x2;
	[sflag:s2] =	ssyncpa.u1 $0x1  }
0x3f: {  	[sflag:s31] =	ssyncpa.u1 $0x1  }
0x40: {  	p0 =	sne.s32 s0, $0x0;
	_ =	strace $0x9000004A  }
0x41: {  	s0 =	sadd.s32 @!p0 $0x100000, s1;
	[bflag:$0x2] =	sbarrier.arrive $0xFFFF  }
0x42: {  	[sflag:s0] =	ssyncadd.tile.s32 @!p0 $0x1;
	_ =	shalt  }
.Lfunc_end1:
_tile_overlayer_lowered:
.L_overlay_start_2:
0x43: {  	(tag) =	ssettag $0x2  }
0x44: {  	s0 =	rddreg [dreg:$0x0];
	s2 =	stileid.u32  }
0x45: {  	s1 =	rddreg [dreg:$0x1];
	p0 =	sne.s32 s2, $0x0  }
0x46: {  	s3 =	rddreg [dreg:$0x2];
	[bflag:$0x3] =	sbarrier.arrive $0xFFFF;
	s2 =	simm.s32 @!p0 $0x1C01  }
0x47: {  	[timem:s3], [sflag:s2] =	dma.local @!p0 [hbm:s0], s1  }
0x48: {  	s0 =	simm.s32 @!p0 $0x1  }
0x49: {  	_ =	swait.ge @!p0 [sflag:s0], s1  }
0x4a: {  	s1 =	ssub.s32 @!p0 $0x0, s1;
	[sflag:s0] =	ssyncset.done @!p0 $0x0  }
0x4b: {  	[sflag:s0] =	ssyncadd.s32 @!p0 s1  }
0x4c: {  	[bflag:$0x3] =	sbarrier.arrive $0xFFFF  }
0x4d: {  	_ =	shalt  }

</sc_bundles>
